<compile_context>
chip_gen: v7x
topology: tpu7x:2x2x1
jax: 0.10.2.dev20260603
libtpu: 0.0.44.dev20260713+nightly
codegen_flags: <defaults>
</compile_context>

<pallas_src>
import functools

import jax
import jax.numpy as jnp
from jax import lax
from jax.experimental import pallas as pl
from jax.experimental.pallas import tpu as pltpu
from jax.experimental.pallas import tpu_sc as plsc

ALPHA = 0.4
BETA = 0.3

B, C, H, W = 4, 19, 512, 512
N = B * H * W
K = 400
NBIN = C * K + 1
TRASH = C * K
LANES = 16
NW = 32
SLABS = 1
B_S = B // SLABS
NWORD = B_S * C * H * W // 2
PER_W = NWORD // NW
CHUNK = 2048
NCHUNK = PER_W // CHUNK
BLK_R = 16
GRID_R = H // BLK_R


def _stage1_body(lg_ref, tg_ref, keys_ref, f_ref, s_ref, foc_ref):
    x = lg_ref[0]
    t = tg_ref[0]
    cls = lax.broadcasted_iota(jnp.int32, (C, BLK_R, W), 0)
    onehot = t[None] == cls
    m = jnp.max(x, axis=0)
    e = jnp.exp(x - m[None])
    ssum = jnp.sum(e, axis=0)
    rcp = 1.0 / ssum
    lse = m + jnp.log(ssum)
    p_masked = jnp.where(onehot, e, 0.0) * rcp[None]
    pt = jnp.sum(p_masked, axis=0)
    logpt = jnp.sum(jnp.where(onehot, x, 0.0), axis=0) - lse
    focal = (1.0 - pt) ** 2 * (-logpt)

    bucket = jnp.minimum((e * (K * rcp)[None]).astype(jnp.int32), K - 1)
    keys = jnp.where(onehot, TRASH, cls * K + bucket)
    packed = keys[:, :, : W // 2] | (keys[:, :, W // 2 :] << 16)
    keys_ref[...] = packed[None]

    f_part = jnp.sum(onehot.astype(jnp.float32), axis=1)
    s_part = jnp.sum(p_masked, axis=1)

    first = (pl.program_id(0) == 0) & (pl.program_id(1) == 0)

    @pl.when(first)
    def _():
        f_ref[...] = jnp.zeros_like(f_ref)
        s_ref[...] = jnp.zeros_like(s_ref)
        foc_ref[...] = jnp.zeros_like(foc_ref)

    f_ref[...] += f_part
    s_ref[...] += s_part
    foc_ref[...] += focal


def _stage1(logits, targets, b0):
    return pl.pallas_call(
        _stage1_body,
        grid=(B_S, GRID_R),
        in_specs=[
            pl.BlockSpec((1, C, BLK_R, W), lambda b, r: (b0 + b, 0, r, 0)),
            pl.BlockSpec((1, BLK_R, W), lambda b, r: (b0 + b, r, 0)),
        ],
        out_specs=[
            pl.BlockSpec((1, C, BLK_R, W // 2), lambda b, r: (b, 0, r, 0)),
            pl.BlockSpec((C, W), lambda b, r: (0, 0)),
            pl.BlockSpec((C, W), lambda b, r: (0, 0)),
            pl.BlockSpec((BLK_R, W), lambda b, r: (0, 0)),
        ],
        out_shape=[
            jax.ShapeDtypeStruct((B_S, C, H, W // 2), jnp.int32),
            jax.ShapeDtypeStruct((C, W), jnp.float32),
            jax.ShapeDtypeStruct((C, W), jnp.float32),
            jax.ShapeDtypeStruct((BLK_R, W), jnp.float32),
        ],
    )(logits, targets)


@functools.cache
def _make_stage2():
    mesh = plsc.VectorSubcoreMesh(core_axis_name="c", subcore_axis_name="s")
    return functools.partial(
        pl.kernel,
        out_type=jax.ShapeDtypeStruct((NW * C * K,), jnp.float32),
        mesh=mesh,
        compiler_params=pltpu.CompilerParams(needs_layout_passes=False),
        scratch_types=[
            pltpu.VMEM((CHUNK,), jnp.int32),
            pltpu.VMEM((CHUNK,), jnp.int32),
            pltpu.VMEM((NBIN * LANES,), jnp.float32),
            pltpu.SemaphoreType.DMA,
            pltpu.SemaphoreType.DMA,
        ],
    )(_stage2_body)


def _stage2_body(keys_hbm, out_hbm, buf0, buf1, hist, sem0, sem1):
    nc = 2
    wid = lax.axis_index("s") * nc + lax.axis_index("c")
    base = wid * PER_W

    zeros16 = jnp.zeros((LANES,), jnp.float32)

    def _zero(i, _):
        hist[pl.ds(i * LANES, LANES)] = zeros16
        return ()

    lax.fori_loop(0, NBIN, _zero, (), unroll=8)

    ones16 = jnp.full((LANES,), 1.0, jnp.float32)
    lane = lax.iota(jnp.int32, LANES)

    def _process(buf):
        def _inner(j, _):
            w16 = buf[pl.ds(j * LANES, LANES)]
            lo = w16 & 0xFFFF
            hi = w16 >> 16
            plsc.addupdate_scatter(hist, [lo * LANES + lane], ones16)
            plsc.addupdate_scatter(hist, [hi * LANES + lane], ones16)
            return ()

        lax.fori_loop(0, CHUNK // LANES, _inner, (), unroll=8)

    def _start(g, buf, sem):
        pltpu.async_copy(keys_hbm.at[pl.ds(base + g * CHUNK, CHUNK)], buf, sem)

    def _wait(buf, sem):
        pltpu.make_async_copy(keys_hbm.at[pl.ds(0, CHUNK)], buf, sem).wait()

    _start(0, buf0, sem0)
    _start(1, buf1, sem1)

    def _outer(i, _):
        g = i * 2
        _wait(buf0, sem0)
        _process(buf0)
        _start(g + 2, buf0, sem0)
        _wait(buf1, sem1)
        _process(buf1)
        _start(g + 3, buf1, sem1)
        return ()

    lax.fori_loop(0, NCHUNK // 2 - 1, _outer, ())
    _wait(buf0, sem0)
    _process(buf0)
    _wait(buf1, sem1)
    _process(buf1)

    def _fold(i, _):
        acc = zeros16
        base = i * (LANES * LANES) + lane * LANES
        for k in range(LANES):
            acc += plsc.load_gather(hist, [base + k])
        hist[pl.ds(i * LANES, LANES)] = acc
        return ()

    lax.fori_loop(0, (C * K) // LANES, _fold, (), unroll=4)

    pltpu.sync_copy(hist.at[pl.ds(0, C * K)], out_hbm.at[pl.ds(wid * (C * K), C * K)])


def _stage3_body(h_ref, f_ref, s_ref, foc_ref, out_ref):
    x = jnp.sum(h_ref[...], axis=0)
    fc = jnp.sum(f_ref[...], axis=(0, 2))[:, None]
    sc = jnp.sum(s_ref[...], axis=(0, 2))[:, None]

    bi = lax.broadcasted_iota(jnp.int32, (K, K), 0)
    bj = lax.broadcasted_iota(jnp.int32, (K, K), 1)
    q = (bi >= bj).astype(jnp.float32)
    g = jnp.dot(x, q, preferred_element_type=jnp.float32)
    f = g / jnp.maximum(fc + g, 1.0)
    t = (jnp.sum(f, axis=1, keepdims=True) - 0.5 * f[:, :1]) / K
    loss_c = jnp.where(fc > 0, 1.0 - sc / N + t, 0.0)
    lov = jnp.sum(loss_c) / C
    focal = jnp.sum(foc_ref[...]) / N
    out_ref[...] = jnp.reshape(ALPHA * focal + BETA * lov, (1, 1))


def _stage3(hists, f, s, foc):
    return pl.pallas_call(
        _stage3_body,
        out_shape=jax.ShapeDtypeStruct((1, 1), jnp.float32),
    )(hists, f, s, foc)


def kernel(logits, targets):
    stage2 = _make_stage2()
    hs, fs, ss, focs = [], [], [], []
    for i in range(SLABS):
        keys, f, s, foc = _stage1(logits, targets, i * B_S)
        hs.append(stage2(keys.reshape(NWORD)))
        fs.append(f)
        ss.append(s)
        focs.append(foc)
    h = jnp.stack(hs).reshape(SLABS * NW, C, K)
    out = _stage3(h, jnp.stack(fs), jnp.stack(ss), jnp.stack(focs))
    return out.reshape(())

# --- scband reference (transcript-rebuilt; emitter-appended) ---
"""Pipeline reference for scband-hybrid-loss-lovasz-71055938945563 (READ-ONLY COPY).

The authoritative reference and input builder live on the scoring server;
editing this copy changes nothing except your own understanding.
"""

import jax, jax.numpy as jnp
import numpy as np

ALPHA = 0.4
BETA = 0.3
GAMMA = 0.3
FOCAL_GAMMA = 2.0


def setup_inputs(seed: int = 0) -> dict:
    key = jax.random.key(seed)
    k1, k2 = jax.random.split(key)
    logits = jax.random.normal(k1, (4, 19, 512, 512), dtype=jnp.float32)
    targets = jax.random.randint(k2, (4, 512, 512), 0, 19)
    return {"logits": logits, "targets": targets}


def focal_loss(logits, targets):
    logpt = jax.nn.log_softmax(logits, axis=1)
    pt = jnp.exp(logpt)
    tgt = targets[:, None, :, :]
    logpt_g = jnp.take_along_axis(logpt, tgt, axis=1)[:, 0]
    pt_g = jnp.take_along_axis(pt, tgt, axis=1)[:, 0]
    focal_term = (1.0 - pt_g) ** FOCAL_GAMMA
    loss = -focal_term * logpt_g
    return jnp.mean(loss)


def lovasz_grad(gt_sorted):
    gtsum = jnp.sum(gt_sorted)
    intersect = gtsum - jnp.cumsum(gt_sorted)
    union = gtsum + jnp.cumsum(1.0 - gt_sorted)
    jaccard = 1.0 - intersect / union
    return jnp.concatenate([jaccard[:1], jaccard[1:] - jaccard[:-1]])


def lovasz_hinge_flat(pred, labels):
    signs = 2.0 * labels - 1.0
    errors = (1.0 - pred * signs).reshape(-1)
    perm = jnp.argsort(-errors)
    errors_sorted = errors[perm]
    gt_sorted = labels.reshape(-1)[perm]
    grad = lovasz_grad(gt_sorted)
    return jnp.dot(jax.nn.relu(errors_sorted), grad)


def lovasz_softmax(logits, targets):
    probs = jax.nn.softmax(logits, axis=1)
    C = probs.shape[1]
    loss = 0.0
    for c in range(C):
        fg = (targets == c).astype(jnp.float32)
        lc = lovasz_hinge_flat(probs[:, c, :, :], fg)
        loss = loss + jnp.where(jnp.sum(fg) > 0, lc, 0.0)
    return loss / C


def reference(logits, targets):
    loss_ce = focal_loss(logits, targets)
    loss_lovasz = lovasz_softmax(logits, targets)
    loss_dice = 0.0
    return ALPHA * loss_ce + BETA * loss_lovasz + GAMMA * loss_dice

if __name__ == "__main__":
    import jax
    _d = setup_inputs()
    print(jax.jit(kernel)(*tuple(_d.values())))

</pallas_src>

<mosaic_0001>
#map = affine_map<(d0, d1) -> (0)>
module attributes {stable_mosaic.version = 14 : i64} {
  func.func @_stage2_body(%arg0: i32, %arg1: i32, %arg2: memref<9961472xi32, #tpu.memory_space<hbm>>, %arg3: memref<243200xf32, #tpu.memory_space<hbm>>, %arg4: memref<2048xi32, #tpu.memory_space<vmem>>, %arg5: memref<2048xi32, #tpu.memory_space<vmem>>, %arg6: memref<121616xf32, #tpu.memory_space<vmem>>, %arg7: memref<!tpu.dma_semaphore, #tpu.memory_space<semaphore_mem>>, %arg8: memref<!tpu.dma_semaphore, #tpu.memory_space<semaphore_mem>>) attributes {dimension_semantics = [#tpu.dimension_semantics<core_parallel>, #tpu.dimension_semantics<subcore_parallel>], iteration_bounds = array<i64: 2, 16>, scalar_prefetch = 0 : i64, scratch_operands = 5 : i64, tpu.core_type = #tpu.core_type<sc_vector_subcore>, window_params = [{transform_indices = #map}, {transform_indices = #map}]} {
    %mul3A = arith.constant 2 : i32
    %mul3A_0 = arith.muli %arg1, %mul3A : i32
    %add3A = arith.addi %mul3A_0, %arg0 : i32
    %mul3A_1 = arith.constant 311296 : i32
    %mul3A_2 = arith.muli %add3A, %mul3A_1 : i32
    %broadcast_in_dim3A = arith.constant 0.000000e+00 : f32
    %broadcast_in_dim3A_3 = vector.broadcast %broadcast_in_dim3A : f32 to vector<16xf32>
    %scan3A = arith.constant 0 : i32
    %scan3A_4 = arith.constant 7600 : i32
    %scan3A_5 = arith.addi %scan3A, %scan3A_4 : i32
    %scan3A_6 = arith.constant 8 : i32
    scf.for %scan3A_329 = %scan3A to %scan3A_5 step %scan3A_6  : i32 {
      %mul3A_330 = arith.constant 16 : i32
      %mul3A_331 = arith.muli %scan3A_329, %mul3A_330 : i32
      %swap3A_332 = arith.index_cast %mul3A_331 : i32 to index
      %swap3A_333 = tpu.vector_load %arg6[%swap3A_332] {strides = array<i32>} : memref<121616xf32, #tpu.memory_space<vmem>>, vector<16xf32>,
      tpu.vector_store %arg6[%swap3A_332], %broadcast_in_dim3A_3 {strides = array<i32>} : memref<121616xf32, #tpu.memory_space<vmem>>, vector<16xf32>,
      %scan3A_334 = arith.constant 1 : i32
      %scan3A_335 = arith.addi %scan3A_329, %scan3A_334 : i32
      %mul3A_336 = arith.constant 16 : i32
      %mul3A_337 = arith.muli %scan3A_335, %mul3A_336 : i32
      %swap3A_338 = arith.index_cast %mul3A_337 : i32 to index
      %swap3A_339 = tpu.vector_load %arg6[%swap3A_338] {strides = array<i32>} : memref<121616xf32, #tpu.memory_space<vmem>>, vector<16xf32>,
      tpu.vector_store %arg6[%swap3A_338], %broadcast_in_dim3A_3 {strides = array<i32>} : memref<121616xf32, #tpu.memory_space<vmem>>, vector<16xf32>,
      %scan3A_340 = arith.constant 2 : i32
      %scan3A_341 = arith.addi %scan3A_329, %scan3A_340 : i32
      %mul3A_342 = arith.constant 16 : i32
      %mul3A_343 = arith.muli %scan3A_341, %mul3A_342 : i32
      %swap3A_344 = arith.index_cast %mul3A_343 : i32 to index
      %swap3A_345 = tpu.vector_load %arg6[%swap3A_344] {strides = array<i32>} : memref<121616xf32, #tpu.memory_space<vmem>>, vector<16xf32>,
      tpu.vector_store %arg6[%swap3A_344], %broadcast_in_dim3A_3 {strides = array<i32>} : memref<121616xf32, #tpu.memory_space<vmem>>, vector<16xf32>,
      %scan3A_346 = arith.constant 3 : i32
      %scan3A_347 = arith.addi %scan3A_329, %scan3A_346 : i32
      %mul3A_348 = arith.constant 16 : i32
      %mul3A_349 = arith.muli %scan3A_347, %mul3A_348 : i32
      %swap3A_350 = arith.index_cast %mul3A_349 : i32 to index
      %swap3A_351 = tpu.vector_load %arg6[%swap3A_350] {strides = array<i32>} : memref<121616xf32, #tpu.memory_space<vmem>>, vector<16xf32>,
      tpu.vector_store %arg6[%swap3A_350], %broadcast_in_dim3A_3 {strides = array<i32>} : memref<121616xf32, #tpu.memory_space<vmem>>, vector<16xf32>,
      %scan3A_352 = arith.constant 4 : i32
      %scan3A_353 = arith.addi %scan3A_329, %scan3A_352 : i32
      %mul3A_354 = arith.constant 16 : i32
      %mul3A_355 = arith.muli %scan3A_353, %mul3A_354 : i32
      %swap3A_356 = arith.index_cast %mul3A_355 : i32 to index
      %swap3A_357 = tpu.vector_load %arg6[%swap3A_356] {strides = array<i32>} : memref<121616xf32, #tpu.memory_space<vmem>>, vector<16xf32>,
      tpu.vector_store %arg6[%swap3A_356], %broadcast_in_dim3A_3 {strides = array<i32>} : memref<121616xf32, #tpu.memory_space<vmem>>, vector<16xf32>,
      %scan3A_358 = arith.constant 5 : i32
      %scan3A_359 = arith.addi %scan3A_329, %scan3A_358 : i32
      %mul3A_360 = arith.constant 16 : i32
      %mul3A_361 = arith.muli %scan3A_359, %mul3A_360 : i32
      %swap3A_362 = arith.index_cast %mul3A_361 : i32 to index
      %swap3A_363 = tpu.vector_load %arg6[%swap3A_362] {strides = array<i32>} : memref<121616xf32, #tpu.memory_space<vmem>>, vector<16xf32>,
      tpu.vector_store %arg6[%swap3A_362], %broadcast_in_dim3A_3 {strides = array<i32>} : memref<121616xf32, #tpu.memory_space<vmem>>, vector<16xf32>,
      %scan3A_364 = arith.constant 6 : i32
      %scan3A_365 = arith.addi %scan3A_329, %scan3A_364 : i32
      %mul3A_366 = arith.constant 16 : i32
      %mul3A_367 = arith.muli %scan3A_365, %mul3A_366 : i32
      %swap3A_368 = arith.index_cast %mul3A_367 : i32 to index
      %swap3A_369 = tpu.vector_load %arg6[%swap3A_368] {strides = array<i32>} : memref<121616xf32, #tpu.memory_space<vmem>>, vector<16xf32>,
      tpu.vector_store %arg6[%swap3A_368], %broadcast_in_dim3A_3 {strides = array<i32>} : memref<121616xf32, #tpu.memory_space<vmem>>, vector<16xf32>,
      %scan3A_370 = arith.constant 7 : i32
      %scan3A_371 = arith.addi %scan3A_329, %scan3A_370 : i32
      %mul3A_372 = arith.constant 16 : i32
      %mul3A_373 = arith.muli %scan3A_371, %mul3A_372 : i32
      %swap3A_374 = arith.index_cast %mul3A_373 : i32 to index
      %swap3A_375 = tpu.vector_load %arg6[%swap3A_374] {strides = array<i32>} : memref<121616xf32, #tpu.memory_space<vmem>>, vector<16xf32>,
      tpu.vector_store %arg6[%swap3A_374], %broadcast_in_dim3A_3 {strides = array<i32>} : memref<121616xf32, #tpu.memory_space<vmem>>, vector<16xf32>,
    }
    %scan3A_7 = arith.constant 7600 : i32
    %scan3A_8 = arith.addi %scan3A, %scan3A_7 : i32
    %mul3A_9 = arith.constant 16 : i32
    %mul3A_10 = arith.muli %scan3A_8, %mul3A_9 : i32
    %swap3A = arith.index_cast %mul3A_10 : i32 to index
    %swap3A_11 = tpu.vector_load %arg6[%swap3A] {strides = array<i32>} : memref<121616xf32, #tpu.memory_space<vmem>>, vector<16xf32>,
    tpu.vector_store %arg6[%swap3A], %broadcast_in_dim3A_3 {strides = array<i32>} : memref<121616xf32, #tpu.memory_space<vmem>>, vector<16xf32>,
    %scan3A_12 = arith.constant 7601 : i32
    %broadcast_in_dim3A_13 = arith.constant 1.000000e+00 : f32
    %broadcast_in_dim3A_14 = vector.broadcast %broadcast_in_dim3A_13 : f32 to vector<16xf32>
    %iota3A = tpu.iota {dimensions = array<i32: 0>} : vector<16xi32>
    %add3A_15 = arith.constant 0 : i32
    %add3A_16 = arith.addi %mul3A_2, %add3A_15 : i32
    %dma_start3A = tpu.memref_slice %arg2[%add3A_16] : memref<9961472xi32, #tpu.memory_space<hbm>> -> memref<2048xi32, #tpu.memory_space<hbm>>
    %dma_start3A_17 = tpu.memref_slice %arg2[%add3A_16] : memref<9961472xi32, #tpu.memory_space<hbm>> -> memref<2048xi32, #tpu.memory_space<hbm>>
    tpu.enqueue_dma source(%dma_start3A_17 : memref<2048xi32, #tpu.memory_space<hbm>>) target(%arg4 : memref<2048xi32, #tpu.memory_space<vmem>>) target_semaphore(%arg7 : memref<!tpu.dma_semaphore, #tpu.memory_space<semaphore_mem>>)
    %add3A_18 = arith.constant 2048 : i32
    %add3A_19 = arith.addi %mul3A_2, %add3A_18 : i32
    %dma_start3A_20 = tpu.memref_slice %arg2[%add3A_19] : memref<9961472xi32, #tpu.memory_space<hbm>> -> memref<2048xi32, #tpu.memory_space<hbm>>
    %dma_start3A_21 = tpu.memref_slice %arg2[%add3A_19] : memref<9961472xi32, #tpu.memory_space<hbm>> -> memref<2048xi32, #tpu.memory_space<hbm>>
    tpu.enqueue_dma source(%dma_start3A_21 : memref<2048xi32, #tpu.memory_space<hbm>>) target(%arg5 : memref<2048xi32, #tpu.memory_space<vmem>>) target_semaphore(%arg8 : memref<!tpu.dma_semaphore, #tpu.memory_space<semaphore_mem>>)
    %scan3A_22 = arith.constant 0 : i32
    %scan3A_23 = arith.constant 75 : i32
    %scan3A_24 = arith.addi %scan3A_22, %scan3A_23 : i32
    %scan3A_25 = arith.constant 1 : i32
    scf.for %scan3A_329 = %scan3A_22 to %scan3A_24 step %scan3A_25  : i32 {
      %mul3A_330 = arith.constant 2 : i32
      %mul3A_331 = arith.muli %scan3A_329, %mul3A_330 : i32
      %dma_wait3A_332 = arith.constant 0 : i32
      %dma_wait3A_333 = tpu.memref_slice %arg2[%dma_wait3A_332] : memref<9961472xi32, #tpu.memory_space<hbm>> -> memref<2048xi32, #tpu.memory_space<hbm>>
      %dma_wait3A_334 = arith.constant 0 : i32
      %dma_wait3A_335 = tpu.memref_slice %arg2[%dma_wait3A_334] : memref<9961472xi32, #tpu.memory_space<hbm>> -> memref<2048xi32, #tpu.memory_space<hbm>>
      tpu.wait_dma2 semaphore(%arg7 : memref<!tpu.dma_semaphore, #tpu.memory_space<semaphore_mem>>) src(%dma_wait3A_335 : memref<2048xi32, #tpu.memory_space<hbm>>) dst(%arg4 : memref<2048xi32, #tpu.memory_space<vmem>>)
      %scan3A_336 = arith.constant 0 : i32
      %scan3A_337 = arith.constant 128 : i32
      %scan3A_338 = arith.addi %scan3A_336, %scan3A_337 : i32
      %scan3A_339 = arith.constant 8 : i32
      scf.for %scan3A_364 = %scan3A_336 to %scan3A_338 step %scan3A_339  : i32 {
        %mul3A_365 = arith.constant 16 : i32
        %mul3A_366 = arith.muli %scan3A_364, %mul3A_365 : i32
        %get3A = arith.index_cast %mul3A_366 : i32 to index
        %get3A_367 = tpu.vector_load %arg4[%get3A] {strides = array<i32>} : memref<2048xi32, #tpu.memory_space<vmem>>, vector<16xi32>,
        %and3A = arith.constant 65535 : i32
        %and3A_368 = vector.broadcast %and3A : i32 to vector<16xi32>
        %and3A_369 = arith.andi %get3A_367, %and3A_368 : vector<16xi32>
        %shift_right_arithmetic3A = arith.constant 16 : i32
        %shift_right_arithmetic3A_370 = vector.broadcast %shift_right_arithmetic3A : i32 to vector<16xi32>
        %shift_right_arithmetic3A_371 = arith.shrsi %get3A_367, %shift_right_arithmetic3A_370 : vector<16xi32>
        %mul3A_372 = arith.constant 16 : i32
        %mul3A_373 = vector.broadcast %mul3A_372 : i32 to vector<16xi32>
        %mul3A_374 = arith.muli %and3A_369, %mul3A_373 : vector<16xi32>
        %add3A_375 = arith.addi %mul3A_374, %iota3A : vector<16xi32>
        tpu.vector_store_idx %arg6[%add3A_375], %broadcast_in_dim3A_14 {add = true} : memref<121616xf32, #tpu.memory_space<vmem>>[vector<16xi32>], vector<16xf32>,
        %mul3A_376 = arith.constant 16 : i32
        %mul3A_377 = vector.broadcast %mul3A_376 : i32 to vector<16xi32>
        %mul3A_378 = arith.muli %shift_right_arithmetic3A_371, %mul3A_377 : vector<16xi32>
        %add3A_379 = arith.addi %mul3A_378, %iota3A : vector<16xi32>
        tpu.vector_store_idx %arg6[%add3A_379], %broadcast_in_dim3A_14 {add = true} : memref<121616xf32, #tpu.memory_space<vmem>>[vector<16xi32>], vector<16xf32>,
        %scan3A_380 = arith.constant 1 : i32
        %scan3A_381 = arith.addi %scan3A_364, %scan3A_380 : i32
        %mul3A_382 = arith.constant 16 : i32
        %mul3A_383 = arith.muli %scan3A_381, %mul3A_382 : i32
        %get3A_384 = arith.index_cast %mul3A_383 : i32 to index
        %get3A_385 = tpu.vector_load %arg4[%get3A_384] {strides = array<i32>} : memref<2048xi32, #tpu.memory_space<vmem>>, vector<16xi32>,
        %and3A_386 = arith.constant 65535 : i32
        %and3A_387 = vector.broadcast %and3A_386 : i32 to vector<16xi32>
        %and3A_388 = arith.andi %get3A_385, %and3A_387 : vector<16xi32>
        %shift_right_arithmetic3A_389 = arith.constant 16 : i32
        %shift_right_arithmetic3A_390 = vector.broadcast %shift_right_arithmetic3A_389 : i32 to vector<16xi32>
        %shift_right_arithmetic3A_391 = arith.shrsi %get3A_385, %shift_right_arithmetic3A_390 : vector<16xi32>
        %mul3A_392 = arith.constant 16 : i32
        %mul3A_393 = vector.broadcast %mul3A_392 : i32 to vector<16xi32>
        %mul3A_394 = arith.muli %and3A_388, %mul3A_393 : vector<16xi32>
        %add3A_395 = arith.addi %mul3A_394, %iota3A : vector<16xi32>
        tpu.vector_store_idx %arg6[%add3A_395], %broadcast_in_dim3A_14 {add = true} : memref<121616xf32, #tpu.memory_space<vmem>>[vector<16xi32>], vector<16xf32>,
        %mul3A_396 = arith.constant 16 : i32
        %mul3A_397 = vector.broadcast %mul3A_396 : i32 to vector<16xi32>
        %mul3A_398 = arith.muli %shift_right_arithmetic3A_391, %mul3A_397 : vector<16xi32>
        %add3A_399 = arith.addi %mul3A_398, %iota3A : vector<16xi32>
        tpu.vector_store_idx %arg6[%add3A_399], %broadcast_in_dim3A_14 {add = true} : memref<121616xf32, #tpu.memory_space<vmem>>[vector<16xi32>], vector<16xf32>,
        %scan3A_400 = arith.constant 2 : i32
        %scan3A_401 = arith.addi %scan3A_364, %scan3A_400 : i32
        %mul3A_402 = arith.constant 16 : i32
        %mul3A_403 = arith.muli %scan3A_401, %mul3A_402 : i32
        %get3A_404 = arith.index_cast %mul3A_403 : i32 to index
        %get3A_405 = tpu.vector_load %arg4[%get3A_404] {strides = array<i32>} : memref<2048xi32, #tpu.memory_space<vmem>>, vector<16xi32>,
        %and3A_406 = arith.constant 65535 : i32
        %and3A_407 = vector.broadcast %and3A_406 : i32 to vector<16xi32>
        %and3A_408 = arith.andi %get3A_405, %and3A_407 : vector<16xi32>
        %shift_right_arithmetic3A_409 = arith.constant 16 : i32
        %shift_right_arithmetic3A_410 = vector.broadcast %shift_right_arithmetic3A_409 : i32 to vector<16xi32>
        %shift_right_arithmetic3A_411 = arith.shrsi %get3A_405, %shift_right_arithmetic3A_410 : vector<16xi32>
        %mul3A_412 = arith.constant 16 : i32
        %mul3A_413 = vector.broadcast %mul3A_412 : i32 to vector<16xi32>
        %mul3A_414 = arith.muli %and3A_408, %mul3A_413 : vector<16xi32>
        %add3A_415 = arith.addi %mul3A_414, %iota3A : vector<16xi32>
        tpu.vector_store_idx %arg6[%add3A_415], %broadcast_in_dim3A_14 {add = true} : memref<121616xf32, #tpu.memory_space<vmem>>[vector<16xi32>], vector<16xf32>,
        %mul3A_416 = arith.constant 16 : i32
        %mul3A_417 = vector.broadcast %mul3A_416 : i32 to vector<16xi32>
        %mul3A_418 = arith.muli %shift_right_arithmetic3A_411, %mul3A_417 : vector<16xi32>
        %add3A_419 = arith.addi %mul3A_418, %iota3A : vector<16xi32>
        tpu.vector_store_idx %arg6[%add3A_419], %broadcast_in_dim3A_14 {add = true} : memref<121616xf32, #tpu.memory_space<vmem>>[vector<16xi32>], vector<16xf32>,
        %scan3A_420 = arith.constant 3 : i32
        %scan3A_421 = arith.addi %scan3A_364, %scan3A_420 : i32
        %mul3A_422 = arith.constant 16 : i32
        %mul3A_423 = arith.muli %scan3A_421, %mul3A_422 : i32
        %get3A_424 = arith.index_cast %mul3A_423 : i32 to index
        %get3A_425 = tpu.vector_load %arg4[%get3A_424] {strides = array<i32>} : memref<2048xi32, #tpu.memory_space<vmem>>, vector<16xi32>,
        %and3A_426 = arith.constant 65535 : i32
        %and3A_427 = vector.broadcast %and3A_426 : i32 to vector<16xi32>
        %and3A_428 = arith.andi %get3A_425, %and3A_427 : vector<16xi32>
        %shift_right_arithmetic3A_429 = arith.constant 16 : i32
        %shift_right_arithmetic3A_430 = vector.broadcast %shift_right_arithmetic3A_429 : i32 to vector<16xi32>
        %shift_right_arithmetic3A_431 = arith.shrsi %get3A_425, %shift_right_arithmetic3A_430 : vector<16xi32>
        %mul3A_432 = arith.constant 16 : i32
        %mul3A_433 = vector.broadcast %mul3A_432 : i32 to vector<16xi32>
        %mul3A_434 = arith.muli %and3A_428, %mul3A_433 : vector<16xi32>
        %add3A_435 = arith.addi %mul3A_434, %iota3A : vector<16xi32>
        tpu.vector_store_idx %arg6[%add3A_435], %broadcast_in_dim3A_14 {add = true} : memref<121616xf32, #tpu.memory_space<vmem>>[vector<16xi32>], vector<16xf32>,
        %mul3A_436 = arith.constant 16 : i32
        %mul3A_437 = vector.broadcast %mul3A_436 : i32 to vector<16xi32>
        %mul3A_438 = arith.muli %shift_right_arithmetic3A_431, %mul3A_437 : vector<16xi32>
        %add3A_439 = arith.addi %mul3A_438, %iota3A : vector<16xi32>
        tpu.vector_store_idx %arg6[%add3A_439], %broadcast_in_dim3A_14 {add = true} : memref<121616xf32, #tpu.memory_space<vmem>>[vector<16xi32>], vector<16xf32>,
        %scan3A_440 = arith.constant 4 : i32
        %scan3A_441 = arith.addi %scan3A_364, %scan3A_440 : i32
        %mul3A_442 = arith.constant 16 : i32
        %mul3A_443 = arith.muli %scan3A_441, %mul3A_442 : i32
        %get3A_444 = arith.index_cast %mul3A_443 : i32 to index
        %get3A_445 = tpu.vector_load %arg4[%get3A_444] {strides = array<i32>} : memref<2048xi32, #tpu.memory_space<vmem>>, vector<16xi32>,
        %and3A_446 = arith.constant 65535 : i32
        %and3A_447 = vector.broadcast %and3A_446 : i32 to vector<16xi32>
        %and3A_448 = arith.andi %get3A_445, %and3A_447 : vector<16xi32>
        %shift_right_arithmetic3A_449 = arith.constant 16 : i32
        %shift_right_arithmetic3A_450 = vector.broadcast %shift_right_arithmetic3A_449 : i32 to vector<16xi32>
        %shift_right_arithmetic3A_451 = arith.shrsi %get3A_445, %shift_right_arithmetic3A_450 : vector<16xi32>
        %mul3A_452 = arith.constant 16 : i32
        %mul3A_453 = vector.broadcast %mul3A_452 : i32 to vector<16xi32>
        %mul3A_454 = arith.muli %and3A_448, %mul3A_453 : vector<16xi32>
        %add3A_455 = arith.addi %mul3A_454, %iota3A : vector<16xi32>
        tpu.vector_store_idx %arg6[%add3A_455], %broadcast_in_dim3A_14 {add = true} : memref<121616xf32, #tpu.memory_space<vmem>>[vector<16xi32>], vector<16xf32>,
        %mul3A_456 = arith.constant 16 : i32
        %mul3A_457 = vector.broadcast %mul3A_456 : i32 to vector<16xi32>
        %mul3A_458 = arith.muli %shift_right_arithmetic3A_451, %mul3A_457 : vector<16xi32>
        %add3A_459 = arith.addi %mul3A_458, %iota3A : vector<16xi32>
        tpu.vector_store_idx %arg6[%add3A_459], %broadcast_in_dim3A_14 {add = true} : memref<121616xf32, #tpu.memory_space<vmem>>[vector<16xi32>], vector<16xf32>,
        %scan3A_460 = arith.constant 5 : i32
        %scan3A_461 = arith.addi %scan3A_364, %scan3A_460 : i32
        %mul3A_462 = arith.constant 16 : i32
        %mul3A_463 = arith.muli %scan3A_461, %mul3A_462 : i32
        %get3A_464 = arith.index_cast %mul3A_463 : i32 to index
        %get3A_465 = tpu.vector_load %arg4[%get3A_464] {strides = array<i32>} : memref<2048xi32, #tpu.memory_space<vmem>>, vector<16xi32>,
        %and3A_466 = arith.constant 65535 : i32
        %and3A_467 = vector.broadcast %and3A_466 : i32 to vector<16xi32>
        %and3A_468 = arith.andi %get3A_465, %and3A_467 : vector<16xi32>
        %shift_right_arithmetic3A_469 = arith.constant 16 : i32
        %shift_right_arithmetic3A_470 = vector.broadcast %shift_right_arithmetic3A_469 : i32 to vector<16xi32>
        %shift_right_arithmetic3A_471 = arith.shrsi %get3A_465, %shift_right_arithmetic3A_470 : vector<16xi32>
        %mul3A_472 = arith.constant 16 : i32
        %mul3A_473 = vector.broadcast %mul3A_472 : i32 to vector<16xi32>
        %mul3A_474 = arith.muli %and3A_468, %mul3A_473 : vector<16xi32>
        %add3A_475 = arith.addi %mul3A_474, %iota3A : vector<16xi32>
        tpu.vector_store_idx %arg6[%add3A_475], %broadcast_in_dim3A_14 {add = true} : memref<121616xf32, #tpu.memory_space<vmem>>[vector<16xi32>], vector<16xf32>,
        %mul3A_476 = arith.constant 16 : i32
        %mul3A_477 = vector.broadcast %mul3A_476 : i32 to vector<16xi32>
        %mul3A_478 = arith.muli %shift_right_arithmetic3A_471, %mul3A_477 : vector<16xi32>
        %add3A_479 = arith.addi %mul3A_478, %iota3A : vector<16xi32>
        tpu.vector_store_idx %arg6[%add3A_479], %broadcast_in_dim3A_14 {add = true} : memref<121616xf32, #tpu.memory_space<vmem>>[vector<16xi32>], vector<16xf32>,
        %scan3A_480 = arith.constant 6 : i32
        %scan3A_481 = arith.addi %scan3A_364, %scan3A_480 : i32
        %mul3A_482 = arith.constant 16 : i32
        %mul3A_483 = arith.muli %scan3A_481, %mul3A_482 : i32
        %get3A_484 = arith.index_cast %mul3A_483 : i32 to index
        %get3A_485 = tpu.vector_load %arg4[%get3A_484] {strides = array<i32>} : memref<2048xi32, #tpu.memory_space<vmem>>, vector<16xi32>,
        %and3A_486 = arith.constant 65535 : i32
        %and3A_487 = vector.broadcast %and3A_486 : i32 to vector<16xi32>
        %and3A_488 = arith.andi %get3A_485, %and3A_487 : vector<16xi32>
        %shift_right_arithmetic3A_489 = arith.constant 16 : i32
        %shift_right_arithmetic3A_490 = vector.broadcast %shift_right_arithmetic3A_489 : i32 to vector<16xi32>
        %shift_right_arithmetic3A_491 = arith.shrsi %get3A_485, %shift_right_arithmetic3A_490 : vector<16xi32>
        %mul3A_492 = arith.constant 16 : i32
        %mul3A_493 = vector.broadcast %mul3A_492 : i32 to vector<16xi32>
        %mul3A_494 = arith.muli %and3A_488, %mul3A_493 : vector<16xi32>
        %add3A_495 = arith.addi %mul3A_494, %iota3A : vector<16xi32>
        tpu.vector_store_idx %arg6[%add3A_495], %broadcast_in_dim3A_14 {add = true} : memref<121616xf32, #tpu.memory_space<vmem>>[vector<16xi32>], vector<16xf32>,
        %mul3A_496 = arith.constant 16 : i32
        %mul3A_497 = vector.broadcast %mul3A_496 : i32 to vector<16xi32>
        %mul3A_498 = arith.muli %shift_right_arithmetic3A_491, %mul3A_497 : vector<16xi32>
        %add3A_499 = arith.addi %mul3A_498, %iota3A : vector<16xi32>
        tpu.vector_store_idx %arg6[%add3A_499], %broadcast_in_dim3A_14 {add = true} : memref<121616xf32, #tpu.memory_space<vmem>>[vector<16xi32>], vector<16xf32>,
        %scan3A_500 = arith.constant 7 : i32
        %scan3A_501 = arith.addi %scan3A_364, %scan3A_500 : i32
        %mul3A_502 = arith.constant 16 : i32
        %mul3A_503 = arith.muli %scan3A_501, %mul3A_502 : i32
        %get3A_504 = arith.index_cast %mul3A_503 : i32 to index
        %get3A_505 = tpu.vector_load %arg4[%get3A_504] {strides = array<i32>} : memref<2048xi32, #tpu.memory_space<vmem>>, vector<16xi32>,
        %and3A_506 = arith.constant 65535 : i32
        %and3A_507 = vector.broadcast %and3A_506 : i32 to vector<16xi32>
        %and3A_508 = arith.andi %get3A_505, %and3A_507 : vector<16xi32>
        %shift_right_arithmetic3A_509 = arith.constant 16 : i32
        %shift_right_arithmetic3A_510 = vector.broadcast %shift_right_arithmetic3A_509 : i32 to vector<16xi32>
        %shift_right_arithmetic3A_511 = arith.shrsi %get3A_505, %shift_right_arithmetic3A_510 : vector<16xi32>
        %mul3A_512 = arith.constant 16 : i32
        %mul3A_513 = vector.broadcast %mul3A_512 : i32 to vector<16xi32>
        %mul3A_514 = arith.muli %and3A_508, %mul3A_513 : vector<16xi32>
        %add3A_515 = arith.addi %mul3A_514, %iota3A : vector<16xi32>
        tpu.vector_store_idx %arg6[%add3A_515], %broadcast_in_dim3A_14 {add = true} : memref<121616xf32, #tpu.memory_space<vmem>>[vector<16xi32>], vector<16xf32>,
        %mul3A_516 = arith.constant 16 : i32
        %mul3A_517 = vector.broadcast %mul3A_516 : i32 to vector<16xi32>
        %mul3A_518 = arith.muli %shift_right_arithmetic3A_511, %mul3A_517 : vector<16xi32>
        %add3A_519 = arith.addi %mul3A_518, %iota3A : vector<16xi32>
        tpu.vector_store_idx %arg6[%add3A_519], %broadcast_in_dim3A_14 {add = true} : memref<121616xf32, #tpu.memory_space<vmem>>[vector<16xi32>], vector<16xf32>,
      }
      %scan3A_340 = arith.constant 128 : i32
      %add3A_341 = arith.constant 2 : i32
      %add3A_342 = arith.addi %mul3A_331, %add3A_341 : i32
      %mul3A_343 = arith.constant 2048 : i32
      %mul3A_344 = arith.muli %add3A_342, %mul3A_343 : i32
      %add3A_345 = arith.addi %mul3A_2, %mul3A_344 : i32
      %dma_start3A_346 = tpu.memref_slice %arg2[%add3A_345] : memref<9961472xi32, #tpu.memory_space<hbm>> -> memref<2048xi32, #tpu.memory_space<hbm>>
      %dma_start3A_347 = tpu.memref_slice %arg2[%add3A_345] : memref<9961472xi32, #tpu.memory_space<hbm>> -> memref<2048xi32, #tpu.memory_space<hbm>>
      tpu.enqueue_dma source(%dma_start3A_347 : memref<2048xi32, #tpu.memory_space<hbm>>) target(%arg4 : memref<2048xi32, #tpu.memory_space<vmem>>) target_semaphore(%arg7 : memref<!tpu.dma_semaphore, #tpu.memory_space<semaphore_mem>>)
      %dma_wait3A_348 = arith.constant 0 : i32
      %dma_wait3A_349 = tpu.memref_slice %arg2[%dma_wait3A_348] : memref<9961472xi32, #tpu.memory_space<hbm>> -> memref<2048xi32, #tpu.memory_space<hbm>>
      %dma_wait3A_350 = arith.constant 0 : i32
      %dma_wait3A_351 = tpu.memref_slice %arg2[%dma_wait3A_350] : memref<9961472xi32, #tpu.memory_space<hbm>> -> memref<2048xi32, #tpu.memory_space<hbm>>
      tpu.wait_dma2 semaphore(%arg8 : memref<!tpu.dma_semaphore, #tpu.memory_space<semaphore_mem>>) src(%dma_wait3A_351 : memref<2048xi32, #tpu.memory_space<hbm>>) dst(%arg5 : memref<2048xi32, #tpu.memory_space<vmem>>)
      %scan3A_352 = arith.constant 0 : i32
      %scan3A_353 = arith.constant 128 : i32
      %scan3A_354 = arith.addi %scan3A_352, %scan3A_353 : i32
      %scan3A_355 = arith.constant 8 : i32
      scf.for %scan3A_364 = %scan3A_352 to %scan3A_354 step %scan3A_355  : i32 {
        %mul3A_365 = arith.constant 16 : i32
        %mul3A_366 = arith.muli %scan3A_364, %mul3A_365 : i32
        %get3A = arith.index_cast %mul3A_366 : i32 to index
        %get3A_367 = tpu.vector_load %arg5[%get3A] {strides = array<i32>} : memref<2048xi32, #tpu.memory_space<vmem>>, vector<16xi32>,
        %and3A = arith.constant 65535 : i32
        %and3A_368 = vector.broadcast %and3A : i32 to vector<16xi32>
        %and3A_369 = arith.andi %get3A_367, %and3A_368 : vector<16xi32>
        %shift_right_arithmetic3A = arith.constant 16 : i32
        %shift_right_arithmetic3A_370 = vector.broadcast %shift_right_arithmetic3A : i32 to vector<16xi32>
        %shift_right_arithmetic3A_371 = arith.shrsi %get3A_367, %shift_right_arithmetic3A_370 : vector<16xi32>
        %mul3A_372 = arith.constant 16 : i32
        %mul3A_373 = vector.broadcast %mul3A_372 : i32 to vector<16xi32>
        %mul3A_374 = arith.muli %and3A_369, %mul3A_373 : vector<16xi32>
        %add3A_375 = arith.addi %mul3A_374, %iota3A : vector<16xi32>
        tpu.vector_store_idx %arg6[%add3A_375], %broadcast_in_dim3A_14 {add = true} : memref<121616xf32, #tpu.memory_space<vmem>>[vector<16xi32>], vector<16xf32>,
        %mul3A_376 = arith.constant 16 : i32
        %mul3A_377 = vector.broadcast %mul3A_376 : i32 to vector<16xi32>
        %mul3A_378 = arith.muli %shift_right_arithmetic3A_371, %mul3A_377 : vector<16xi32>
        %add3A_379 = arith.addi %mul3A_378, %iota3A : vector<16xi32>
        tpu.vector_store_idx %arg6[%add3A_379], %broadcast_in_dim3A_14 {add = true} : memref<121616xf32, #tpu.memory_space<vmem>>[vector<16xi32>], vector<16xf32>,
        %scan3A_380 = arith.constant 1 : i32
        %scan3A_381 = arith.addi %scan3A_364, %scan3A_380 : i32
        %mul3A_382 = arith.constant 16 : i32
        %mul3A_383 = arith.muli %scan3A_381, %mul3A_382 : i32
        %get3A_384 = arith.index_cast %mul3A_383 : i32 to index
        %get3A_385 = tpu.vector_load %arg5[%get3A_384] {strides = array<i32>} : memref<2048xi32, #tpu.memory_space<vmem>>, vector<16xi32>,
        %and3A_386 = arith.constant 65535 : i32
        %and3A_387 = vector.broadcast %and3A_386 : i32 to vector<16xi32>
        %and3A_388 = arith.andi %get3A_385, %and3A_387 : vector<16xi32>
        %shift_right_arithmetic3A_389 = arith.constant 16 : i32
        %shift_right_arithmetic3A_390 = vector.broadcast %shift_right_arithmetic3A_389 : i32 to vector<16xi32>
        %shift_right_arithmetic3A_391 = arith.shrsi %get3A_385, %shift_right_arithmetic3A_390 : vector<16xi32>
        %mul3A_392 = arith.constant 16 : i32
        %mul3A_393 = vector.broadcast %mul3A_392 : i32 to vector<16xi32>
        %mul3A_394 = arith.muli %and3A_388, %mul3A_393 : vector<16xi32>
        %add3A_395 = arith.addi %mul3A_394, %iota3A : vector<16xi32>
        tpu.vector_store_idx %arg6[%add3A_395], %broadcast_in_dim3A_14 {add = true} : memref<121616xf32, #tpu.memory_space<vmem>>[vector<16xi32>], vector<16xf32>,
        %mul3A_396 = arith.constant 16 : i32
        %mul3A_397 = vector.broadcast %mul3A_396 : i32 to vector<16xi32>
        %mul3A_398 = arith.muli %shift_right_arithmetic3A_391, %mul3A_397 : vector<16xi32>
        %add3A_399 = arith.addi %mul3A_398, %iota3A : vector<16xi32>
        tpu.vector_store_idx %arg6[%add3A_399], %broadcast_in_dim3A_14 {add = true} : memref<121616xf32, #tpu.memory_space<vmem>>[vector<16xi32>], vector<16xf32>,
        %scan3A_400 = arith.constant 2 : i32
        %scan3A_401 = arith.addi %scan3A_364, %scan3A_400 : i32
        %mul3A_402 = arith.constant 16 : i32
        %mul3A_403 = arith.muli %scan3A_401, %mul3A_402 : i32
        %get3A_404 = arith.index_cast %mul3A_403 : i32 to index
        %get3A_405 = tpu.vector_load %arg5[%get3A_404] {strides = array<i32>} : memref<2048xi32, #tpu.memory_space<vmem>>, vector<16xi32>,
        %and3A_406 = arith.constant 65535 : i32
        %and3A_407 = vector.broadcast %and3A_406 : i32 to vector<16xi32>
        %and3A_408 = arith.andi %get3A_405, %and3A_407 : vector<16xi32>
        %shift_right_arithmetic3A_409 = arith.constant 16 : i32
        %shift_right_arithmetic3A_410 = vector.broadcast %shift_right_arithmetic3A_409 : i32 to vector<16xi32>
        %shift_right_arithmetic3A_411 = arith.shrsi %get3A_405, %shift_right_arithmetic3A_410 : vector<16xi32>
        %mul3A_412 = arith.constant 16 : i32
        %mul3A_413 = vector.broadcast %mul3A_412 : i32 to vector<16xi32>
        %mul3A_414 = arith.muli %and3A_408, %mul3A_413 : vector<16xi32>
        %add3A_415 = arith.addi %mul3A_414, %iota3A : vector<16xi32>
        tpu.vector_store_idx %arg6[%add3A_415], %broadcast_in_dim3A_14 {add = true} : memref<121616xf32, #tpu.memory_space<vmem>>[vector<16xi32>], vector<16xf32>,
        %mul3A_416 = arith.constant 16 : i32
        %mul3A_417 = vector.broadcast %mul3A_416 : i32 to vector<16xi32>
        %mul3A_418 = arith.muli %shift_right_arithmetic3A_411, %mul3A_417 : vector<16xi32>
        %add3A_419 = arith.addi %mul3A_418, %iota3A : vector<16xi32>
        tpu.vector_store_idx %arg6[%add3A_419], %broadcast_in_dim3A_14 {add = true} : memref<121616xf32, #tpu.memory_space<vmem>>[vector<16xi32>], vector<16xf32>,
        %scan3A_420 = arith.constant 3 : i32
        %scan3A_421 = arith.addi %scan3A_364, %scan3A_420 : i32
        %mul3A_422 = arith.constant 16 : i32
        %mul3A_423 = arith.muli %scan3A_421, %mul3A_422 : i32
        %get3A_424 = arith.index_cast %mul3A_423 : i32 to index
        %get3A_425 = tpu.vector_load %arg5[%get3A_424] {strides = array<i32>} : memref<2048xi32, #tpu.memory_space<vmem>>, vector<16xi32>,
        %and3A_426 = arith.constant 65535 : i32
        %and3A_427 = vector.broadcast %and3A_426 : i32 to vector<16xi32>
        %and3A_428 = arith.andi %get3A_425, %and3A_427 : vector<16xi32>
        %shift_right_arithmetic3A_429 = arith.constant 16 : i32
        %shift_right_arithmetic3A_430 = vector.broadcast %shift_right_arithmetic3A_429 : i32 to vector<16xi32>
        %shift_right_arithmetic3A_431 = arith.shrsi %get3A_425, %shift_right_arithmetic3A_430 : vector<16xi32>
        %mul3A_432 = arith.constant 16 : i32
        %mul3A_433 = vector.broadcast %mul3A_432 : i32 to vector<16xi32>
        %mul3A_434 = arith.muli %and3A_428, %mul3A_433 : vector<16xi32>
        %add3A_435 = arith.addi %mul3A_434, %iota3A : vector<16xi32>
        tpu.vector_store_idx %arg6[%add3A_435], %broadcast_in_dim3A_14 {add = true} : memref<121616xf32, #tpu.memory_space<vmem>>[vector<16xi32>], vector<16xf32>,
        %mul3A_436 = arith.constant 16 : i32
        %mul3A_437 = vector.broadcast %mul3A_436 : i32 to vector<16xi32>
        %mul3A_438 = arith.muli %shift_right_arithmetic3A_431, %mul3A_437 : vector<16xi32>
        %add3A_439 = arith.addi %mul3A_438, %iota3A : vector<16xi32>
        tpu.vector_store_idx %arg6[%add3A_439], %broadcast_in_dim3A_14 {add = true} : memref<121616xf32, #tpu.memory_space<vmem>>[vector<16xi32>], vector<16xf32>,
        %scan3A_440 = arith.constant 4 : i32
        %scan3A_441 = arith.addi %scan3A_364, %scan3A_440 : i32
        %mul3A_442 = arith.constant 16 : i32
        %mul3A_443 = arith.muli %scan3A_441, %mul3A_442 : i32
        %get3A_444 = arith.index_cast %mul3A_443 : i32 to index
        %get3A_445 = tpu.vector_load %arg5[%get3A_444] {strides = array<i32>} : memref<2048xi32, #tpu.memory_space<vmem>>, vector<16xi32>,
        %and3A_446 = arith.constant 65535 : i32
        %and3A_447 = vector.broadcast %and3A_446 : i32 to vector<16xi32>
        %and3A_448 = arith.andi %get3A_445, %and3A_447 : vector<16xi32>
        %shift_right_arithmetic3A_449 = arith.constant 16 : i32
        %shift_right_arithmetic3A_450 = vector.broadcast %shift_right_arithmetic3A_449 : i32 to vector<16xi32>
        %shift_right_arithmetic3A_451 = arith.shrsi %get3A_445, %shift_right_arithmetic3A_450 : vector<16xi32>
        %mul3A_452 = arith.constant 16 : i32
        %mul3A_453 = vector.broadcast %mul3A_452 : i32 to vector<16xi32>
        %mul3A_454 = arith.muli %and3A_448, %mul3A_453 : vector<16xi32>
        %add3A_455 = arith.addi %mul3A_454, %iota3A : vector<16xi32>
        tpu.vector_store_idx %arg6[%add3A_455], %broadcast_in_dim3A_14 {add = true} : memref<121616xf32, #tpu.memory_space<vmem>>[vector<16xi32>], vector<16xf32>,
        %mul3A_456 = arith.constant 16 : i32
        %mul3A_457 = vector.broadcast %mul3A_456 : i32 to vector<16xi32>
        %mul3A_458 = arith.muli %shift_right_arithmetic3A_451, %mul3A_457 : vector<16xi32>
        %add3A_459 = arith.addi %mul3A_458, %iota3A : vector<16xi32>
        tpu.vector_store_idx %arg6[%add3A_459], %broadcast_in_dim3A_14 {add = true} : memref<121616xf32, #tpu.memory_space<vmem>>[vector<16xi32>], vector<16xf32>,
        %scan3A_460 = arith.constant 5 : i32
        %scan3A_461 = arith.addi %scan3A_364, %scan3A_460 : i32
        %mul3A_462 = arith.constant 16 : i32
        %mul3A_463 = arith.muli %scan3A_461, %mul3A_462 : i32
        %get3A_464 = arith.index_cast %mul3A_463 : i32 to index
        %get3A_465 = tpu.vector_load %arg5[%get3A_464] {strides = array<i32>} : memref<2048xi32, #tpu.memory_space<vmem>>, vector<16xi32>,
        %and3A_466 = arith.constant 65535 : i32
        %and3A_467 = vector.broadcast %and3A_466 : i32 to vector<16xi32>
        %and3A_468 = arith.andi %get3A_465, %and3A_467 : vector<16xi32>
        %shift_right_arithmetic3A_469 = arith.constant 16 : i32
        %shift_right_arithmetic3A_470 = vector.broadcast %shift_right_arithmetic3A_469 : i32 to vector<16xi32>
        %shift_right_arithmetic3A_471 = arith.shrsi %get3A_465, %shift_right_arithmetic3A_470 : vector<16xi32>
        %mul3A_472 = arith.constant 16 : i32
        %mul3A_473 = vector.broadcast %mul3A_472 : i32 to vector<16xi32>
        %mul3A_474 = arith.muli %and3A_468, %mul3A_473 : vector<16xi32>
        %add3A_475 = arith.addi %mul3A_474, %iota3A : vector<16xi32>
        tpu.vector_store_idx %arg6[%add3A_475], %broadcast_in_dim3A_14 {add = true} : memref<121616xf32, #tpu.memory_space<vmem>>[vector<16xi32>], vector<16xf32>,
        %mul3A_476 = arith.constant 16 : i32
        %mul3A_477 = vector.broadcast %mul3A_476 : i32 to vector<16xi32>
        %mul3A_478 = arith.muli %shift_right_arithmetic3A_471, %mul3A_477 : vector<16xi32>
        %add3A_479 = arith.addi %mul3A_478, %iota3A : vector<16xi32>
        tpu.vector_store_idx %arg6[%add3A_479], %broadcast_in_dim3A_14 {add = true} : memref<121616xf32, #tpu.memory_space<vmem>>[vector<16xi32>], vector<16xf32>,
        %scan3A_480 = arith.constant 6 : i32
        %scan3A_481 = arith.addi %scan3A_364, %scan3A_480 : i32
        %mul3A_482 = arith.constant 16 : i32
        %mul3A_483 = arith.muli %scan3A_481, %mul3A_482 : i32
        %get3A_484 = arith.index_cast %mul3A_483 : i32 to index
        %get3A_485 = tpu.vector_load %arg5[%get3A_484] {strides = array<i32>} : memref<2048xi32, #tpu.memory_space<vmem>>, vector<16xi32>,
        %and3A_486 = arith.constant 65535 : i32
        %and3A_487 = vector.broadcast %and3A_486 : i32 to vector<16xi32>
        %and3A_488 = arith.andi %get3A_485, %and3A_487 : vector<16xi32>
        %shift_right_arithmetic3A_489 = arith.constant 16 : i32
        %shift_right_arithmetic3A_490 = vector.broadcast %shift_right_arithmetic3A_489 : i32 to vector<16xi32>
        %shift_right_arithmetic3A_491 = arith.shrsi %get3A_485, %shift_right_arithmetic3A_490 : vector<16xi32>
        %mul3A_492 = arith.constant 16 : i32
        %mul3A_493 = vector.broadcast %mul3A_492 : i32 to vector<16xi32>
        %mul3A_494 = arith.muli %and3A_488, %mul3A_493 : vector<16xi32>
        %add3A_495 = arith.addi %mul3A_494, %iota3A : vector<16xi32>
        tpu.vector_store_idx %arg6[%add3A_495], %broadcast_in_dim3A_14 {add = true} : memref<121616xf32, #tpu.memory_space<vmem>>[vector<16xi32>], vector<16xf32>,
        %mul3A_496 = arith.constant 16 : i32
        %mul3A_497 = vector.broadcast %mul3A_496 : i32 to vector<16xi32>
        %mul3A_498 = arith.muli %shift_right_arithmetic3A_491, %mul3A_497 : vector<16xi32>
        %add3A_499 = arith.addi %mul3A_498, %iota3A : vector<16xi32>
        tpu.vector_store_idx %arg6[%add3A_499], %broadcast_in_dim3A_14 {add = true} : memref<121616xf32, #tpu.memory_space<vmem>>[vector<16xi32>], vector<16xf32>,
        %scan3A_500 = arith.constant 7 : i32
        %scan3A_501 = arith.addi %scan3A_364, %scan3A_500 : i32
        %mul3A_502 = arith.constant 16 : i32
        %mul3A_503 = arith.muli %scan3A_501, %mul3A_502 : i32
        %get3A_504 = arith.index_cast %mul3A_503 : i32 to index
        %get3A_505 = tpu.vector_load %arg5[%get3A_504] {strides = array<i32>} : memref<2048xi32, #tpu.memory_space<vmem>>, vector<16xi32>,
        %and3A_506 = arith.constant 65535 : i32
        %and3A_507 = vector.broadcast %and3A_506 : i32 to vector<16xi32>
        %and3A_508 = arith.andi %get3A_505, %and3A_507 : vector<16xi32>
        %shift_right_arithmetic3A_509 = arith.constant 16 : i32
        %shift_right_arithmetic3A_510 = vector.broadcast %shift_right_arithmetic3A_509 : i32 to vector<16xi32>
        %shift_right_arithmetic3A_511 = arith.shrsi %get3A_505, %shift_right_arithmetic3A_510 : vector<16xi32>
        %mul3A_512 = arith.constant 16 : i32
        %mul3A_513 = vector.broadcast %mul3A_512 : i32 to vector<16xi32>
        %mul3A_514 = arith.muli %and3A_508, %mul3A_513 : vector<16xi32>
        %add3A_515 = arith.addi %mul3A_514, %iota3A : vector<16xi32>
        tpu.vector_store_idx %arg6[%add3A_515], %broadcast_in_dim3A_14 {add = true} : memref<121616xf32, #tpu.memory_space<vmem>>[vector<16xi32>], vector<16xf32>,
        %mul3A_516 = arith.constant 16 : i32
        %mul3A_517 = vector.broadcast %mul3A_516 : i32 to vector<16xi32>
        %mul3A_518 = arith.muli %shift_right_arithmetic3A_511, %mul3A_517 : vector<16xi32>
        %add3A_519 = arith.addi %mul3A_518, %iota3A : vector<16xi32>
        tpu.vector_store_idx %arg6[%add3A_519], %broadcast_in_dim3A_14 {add = true} : memref<121616xf32, #tpu.memory_space<vmem>>[vector<16xi32>], vector<16xf32>,
      }
      %scan3A_356 = arith.constant 128 : i32
      %add3A_357 = arith.constant 3 : i32
      %add3A_358 = arith.addi %mul3A_331, %add3A_357 : i32
      %mul3A_359 = arith.constant 2048 : i32
      %mul3A_360 = arith.muli %add3A_358, %mul3A_359 : i32
      %add3A_361 = arith.addi %mul3A_2, %mul3A_360 : i32
      %dma_start3A_362 = tpu.memref_slice %arg2[%add3A_361] : memref<9961472xi32, #tpu.memory_space<hbm>> -> memref<2048xi32, #tpu.memory_space<hbm>>
      %dma_start3A_363 = tpu.memref_slice %arg2[%add3A_361] : memref<9961472xi32, #tpu.memory_space<hbm>> -> memref<2048xi32, #tpu.memory_space<hbm>>
      tpu.enqueue_dma source(%dma_start3A_363 : memref<2048xi32, #tpu.memory_space<hbm>>) target(%arg5 : memref<2048xi32, #tpu.memory_space<vmem>>) target_semaphore(%arg8 : memref<!tpu.dma_semaphore, #tpu.memory_space<semaphore_mem>>)
    }
    %scan3A_26 = arith.constant 75 : i32
    %dma_wait3A = arith.constant 0 : i32
    %dma_wait3A_27 = tpu.memref_slice %arg2[%dma_wait3A] : memref<9961472xi32, #tpu.memory_space<hbm>> -> memref<2048xi32, #tpu.memory_space<hbm>>
    %dma_wait3A_28 = arith.constant 0 : i32
    %dma_wait3A_29 = tpu.memref_slice %arg2[%dma_wait3A_28] : memref<9961472xi32, #tpu.memory_space<hbm>> -> memref<2048xi32, #tpu.memory_space<hbm>>
    tpu.wait_dma2 semaphore(%arg7 : memref<!tpu.dma_semaphore, #tpu.memory_space<semaphore_mem>>) src(%dma_wait3A_29 : memref<2048xi32, #tpu.memory_space<hbm>>) dst(%arg4 : memref<2048xi32, #tpu.memory_space<vmem>>)
    %scan3A_30 = arith.constant 0 : i32
    %scan3A_31 = arith.constant 128 : i32
    %scan3A_32 = arith.addi %scan3A_30, %scan3A_31 : i32
    %scan3A_33 = arith.constant 8 : i32
    scf.for %scan3A_329 = %scan3A_30 to %scan3A_32 step %scan3A_33  : i32 {
      %mul3A_330 = arith.constant 16 : i32
      %mul3A_331 = arith.muli %scan3A_329, %mul3A_330 : i32
      %get3A = arith.index_cast %mul3A_331 : i32 to index
      %get3A_332 = tpu.vector_load %arg4[%get3A] {strides = array<i32>} : memref<2048xi32, #tpu.memory_space<vmem>>, vector<16xi32>,
      %and3A = arith.constant 65535 : i32
      %and3A_333 = vector.broadcast %and3A : i32 to vector<16xi32>
      %and3A_334 = arith.andi %get3A_332, %and3A_333 : vector<16xi32>
      %shift_right_arithmetic3A = arith.constant 16 : i32
      %shift_right_arithmetic3A_335 = vector.broadcast %shift_right_arithmetic3A : i32 to vector<16xi32>
      %shift_right_arithmetic3A_336 = arith.shrsi %get3A_332, %shift_right_arithmetic3A_335 : vector<16xi32>
      %mul3A_337 = arith.constant 16 : i32
      %mul3A_338 = vector.broadcast %mul3A_337 : i32 to vector<16xi32>
      %mul3A_339 = arith.muli %and3A_334, %mul3A_338 : vector<16xi32>
      %add3A_340 = arith.addi %mul3A_339, %iota3A : vector<16xi32>
      tpu.vector_store_idx %arg6[%add3A_340], %broadcast_in_dim3A_14 {add = true} : memref<121616xf32, #tpu.memory_space<vmem>>[vector<16xi32>], vector<16xf32>,
      %mul3A_341 = arith.constant 16 : i32
      %mul3A_342 = vector.broadcast %mul3A_341 : i32 to vector<16xi32>
      %mul3A_343 = arith.muli %shift_right_arithmetic3A_336, %mul3A_342 : vector<16xi32>
      %add3A_344 = arith.addi %mul3A_343, %iota3A : vector<16xi32>
      tpu.vector_store_idx %arg6[%add3A_344], %broadcast_in_dim3A_14 {add = true} : memref<121616xf32, #tpu.memory_space<vmem>>[vector<16xi32>], vector<16xf32>,
      %scan3A_345 = arith.constant 1 : i32
      %scan3A_346 = arith.addi %scan3A_329, %scan3A_345 : i32
      %mul3A_347 = arith.constant 16 : i32
      %mul3A_348 = arith.muli %scan3A_346, %mul3A_347 : i32
      %get3A_349 = arith.index_cast %mul3A_348 : i32 to index
      %get3A_350 = tpu.vector_load %arg4[%get3A_349] {strides = array<i32>} : memref<2048xi32, #tpu.memory_space<vmem>>, vector<16xi32>,
      %and3A_351 = arith.constant 65535 : i32
      %and3A_352 = vector.broadcast %and3A_351 : i32 to vector<16xi32>
      %and3A_353 = arith.andi %get3A_350, %and3A_352 : vector<16xi32>
      %shift_right_arithmetic3A_354 = arith.constant 16 : i32
      %shift_right_arithmetic3A_355 = vector.broadcast %shift_right_arithmetic3A_354 : i32 to vector<16xi32>
      %shift_right_arithmetic3A_356 = arith.shrsi %get3A_350, %shift_right_arithmetic3A_355 : vector<16xi32>
      %mul3A_357 = arith.constant 16 : i32
      %mul3A_358 = vector.broadcast %mul3A_357 : i32 to vector<16xi32>
      %mul3A_359 = arith.muli %and3A_353, %mul3A_358 : vector<16xi32>
      %add3A_360 = arith.addi %mul3A_359, %iota3A : vector<16xi32>
      tpu.vector_store_idx %arg6[%add3A_360], %broadcast_in_dim3A_14 {add = true} : memref<121616xf32, #tpu.memory_space<vmem>>[vector<16xi32>], vector<16xf32>,
      %mul3A_361 = arith.constant 16 : i32
      %mul3A_362 = vector.broadcast %mul3A_361 : i32 to vector<16xi32>
      %mul3A_363 = arith.muli %shift_right_arithmetic3A_356, %mul3A_362 : vector<16xi32>
      %add3A_364 = arith.addi %mul3A_363, %iota3A : vector<16xi32>
      tpu.vector_store_idx %arg6[%add3A_364], %broadcast_in_dim3A_14 {add = true} : memref<121616xf32, #tpu.memory_space<vmem>>[vector<16xi32>], vector<16xf32>,
      %scan3A_365 = arith.constant 2 : i32
      %scan3A_366 = arith.addi %scan3A_329, %scan3A_365 : i32
      %mul3A_367 = arith.constant 16 : i32
      %mul3A_368 = arith.muli %scan3A_366, %mul3A_367 : i32
      %get3A_369 = arith.index_cast %mul3A_368 : i32 to index
      %get3A_370 = tpu.vector_load %arg4[%get3A_369] {strides = array<i32>} : memref<2048xi32, #tpu.memory_space<vmem>>, vector<16xi32>,
      %and3A_371 = arith.constant 65535 : i32
      %and3A_372 = vector.broadcast %and3A_371 : i32 to vector<16xi32>
      %and3A_373 = arith.andi %get3A_370, %and3A_372 : vector<16xi32>
      %shift_right_arithmetic3A_374 = arith.constant 16 : i32
      %shift_right_arithmetic3A_375 = vector.broadcast %shift_right_arithmetic3A_374 : i32 to vector<16xi32>
      %shift_right_arithmetic3A_376 = arith.shrsi %get3A_370, %shift_right_arithmetic3A_375 : vector<16xi32>
      %mul3A_377 = arith.constant 16 : i32
      %mul3A_378 = vector.broadcast %mul3A_377 : i32 to vector<16xi32>
      %mul3A_379 = arith.muli %and3A_373, %mul3A_378 : vector<16xi32>
      %add3A_380 = arith.addi %mul3A_379, %iota3A : vector<16xi32>
      tpu.vector_store_idx %arg6[%add3A_380], %broadcast_in_dim3A_14 {add = true} : memref<121616xf32, #tpu.memory_space<vmem>>[vector<16xi32>], vector<16xf32>,
      %mul3A_381 = arith.constant 16 : i32
      %mul3A_382 = vector.broadcast %mul3A_381 : i32 to vector<16xi32>
      %mul3A_383 = arith.muli %shift_right_arithmetic3A_376, %mul3A_382 : vector<16xi32>
      %add3A_384 = arith.addi %mul3A_383, %iota3A : vector<16xi32>
      tpu.vector_store_idx %arg6[%add3A_384], %broadcast_in_dim3A_14 {add = true} : memref<121616xf32, #tpu.memory_space<vmem>>[vector<16xi32>], vector<16xf32>,
      %scan3A_385 = arith.constant 3 : i32
      %scan3A_386 = arith.addi %scan3A_329, %scan3A_385 : i32
      %mul3A_387 = arith.constant 16 : i32
      %mul3A_388 = arith.muli %scan3A_386, %mul3A_387 : i32
      %get3A_389 = arith.index_cast %mul3A_388 : i32 to index
      %get3A_390 = tpu.vector_load %arg4[%get3A_389] {strides = array<i32>} : memref<2048xi32, #tpu.memory_space<vmem>>, vector<16xi32>,
      %and3A_391 = arith.constant 65535 : i32
      %and3A_392 = vector.broadcast %and3A_391 : i32 to vector<16xi32>
      %and3A_393 = arith.andi %get3A_390, %and3A_392 : vector<16xi32>
      %shift_right_arithmetic3A_394 = arith.constant 16 : i32
      %shift_right_arithmetic3A_395 = vector.broadcast %shift_right_arithmetic3A_394 : i32 to vector<16xi32>
      %shift_right_arithmetic3A_396 = arith.shrsi %get3A_390, %shift_right_arithmetic3A_395 : vector<16xi32>
      %mul3A_397 = arith.constant 16 : i32
      %mul3A_398 = vector.broadcast %mul3A_397 : i32 to vector<16xi32>
      %mul3A_399 = arith.muli %and3A_393, %mul3A_398 : vector<16xi32>
      %add3A_400 = arith.addi %mul3A_399, %iota3A : vector<16xi32>
      tpu.vector_store_idx %arg6[%add3A_400], %broadcast_in_dim3A_14 {add = true} : memref<121616xf32, #tpu.memory_space<vmem>>[vector<16xi32>], vector<16xf32>,
      %mul3A_401 = arith.constant 16 : i32
      %mul3A_402 = vector.broadcast %mul3A_401 : i32 to vector<16xi32>
      %mul3A_403 = arith.muli %shift_right_arithmetic3A_396, %mul3A_402 : vector<16xi32>
      %add3A_404 = arith.addi %mul3A_403, %iota3A : vector<16xi32>
      tpu.vector_store_idx %arg6[%add3A_404], %broadcast_in_dim3A_14 {add = true} : memref<121616xf32, #tpu.memory_space<vmem>>[vector<16xi32>], vector<16xf32>,
      %scan3A_405 = arith.constant 4 : i32
      %scan3A_406 = arith.addi %scan3A_329, %scan3A_405 : i32
      %mul3A_407 = arith.constant 16 : i32
      %mul3A_408 = arith.muli %scan3A_406, %mul3A_407 : i32
      %get3A_409 = arith.index_cast %mul3A_408 : i32 to index
      %get3A_410 = tpu.vector_load %arg4[%get3A_409] {strides = array<i32>} : memref<2048xi32, #tpu.memory_space<vmem>>, vector<16xi32>,
      %and3A_411 = arith.constant 65535 : i32
      %and3A_412 = vector.broadcast %and3A_411 : i32 to vector<16xi32>
      %and3A_413 = arith.andi %get3A_410, %and3A_412 : vector<16xi32>
      %shift_right_arithmetic3A_414 = arith.constant 16 : i32
      %shift_right_arithmetic3A_415 = vector.broadcast %shift_right_arithmetic3A_414 : i32 to vector<16xi32>
      %shift_right_arithmetic3A_416 = arith.shrsi %get3A_410, %shift_right_arithmetic3A_415 : vector<16xi32>
      %mul3A_417 = arith.constant 16 : i32
      %mul3A_418 = vector.broadcast %mul3A_417 : i32 to vector<16xi32>
      %mul3A_419 = arith.muli %and3A_413, %mul3A_418 : vector<16xi32>
      %add3A_420 = arith.addi %mul3A_419, %iota3A : vector<16xi32>
      tpu.vector_store_idx %arg6[%add3A_420], %broadcast_in_dim3A_14 {add = true} : memref<121616xf32, #tpu.memory_space<vmem>>[vector<16xi32>], vector<16xf32>,
      %mul3A_421 = arith.constant 16 : i32
      %mul3A_422 = vector.broadcast %mul3A_421 : i32 to vector<16xi32>
      %mul3A_423 = arith.muli %shift_right_arithmetic3A_416, %mul3A_422 : vector<16xi32>
      %add3A_424 = arith.addi %mul3A_423, %iota3A : vector<16xi32>
      tpu.vector_store_idx %arg6[%add3A_424], %broadcast_in_dim3A_14 {add = true} : memref<121616xf32, #tpu.memory_space<vmem>>[vector<16xi32>], vector<16xf32>,
      %scan3A_425 = arith.constant 5 : i32
      %scan3A_426 = arith.addi %scan3A_329, %scan3A_425 : i32
      %mul3A_427 = arith.constant 16 : i32
      %mul3A_428 = arith.muli %scan3A_426, %mul3A_427 : i32
      %get3A_429 = arith.index_cast %mul3A_428 : i32 to index
      %get3A_430 = tpu.vector_load %arg4[%get3A_429] {strides = array<i32>} : memref<2048xi32, #tpu.memory_space<vmem>>, vector<16xi32>,
      %and3A_431 = arith.constant 65535 : i32
      %and3A_432 = vector.broadcast %and3A_431 : i32 to vector<16xi32>
      %and3A_433 = arith.andi %get3A_430, %and3A_432 : vector<16xi32>
      %shift_right_arithmetic3A_434 = arith.constant 16 : i32
      %shift_right_arithmetic3A_435 = vector.broadcast %shift_right_arithmetic3A_434 : i32 to vector<16xi32>
      %shift_right_arithmetic3A_436 = arith.shrsi %get3A_430, %shift_right_arithmetic3A_435 : vector<16xi32>
      %mul3A_437 = arith.constant 16 : i32
      %mul3A_438 = vector.broadcast %mul3A_437 : i32 to vector<16xi32>
      %mul3A_439 = arith.muli %and3A_433, %mul3A_438 : vector<16xi32>
      %add3A_440 = arith.addi %mul3A_439, %iota3A : vector<16xi32>
      tpu.vector_store_idx %arg6[%add3A_440], %broadcast_in_dim3A_14 {add = true} : memref<121616xf32, #tpu.memory_space<vmem>>[vector<16xi32>], vector<16xf32>,
      %mul3A_441 = arith.constant 16 : i32
      %mul3A_442 = vector.broadcast %mul3A_441 : i32 to vector<16xi32>
      %mul3A_443 = arith.muli %shift_right_arithmetic3A_436, %mul3A_442 : vector<16xi32>
      %add3A_444 = arith.addi %mul3A_443, %iota3A : vector<16xi32>
      tpu.vector_store_idx %arg6[%add3A_444], %broadcast_in_dim3A_14 {add = true} : memref<121616xf32, #tpu.memory_space<vmem>>[vector<16xi32>], vector<16xf32>,
      %scan3A_445 = arith.constant 6 : i32
      %scan3A_446 = arith.addi %scan3A_329, %scan3A_445 : i32
      %mul3A_447 = arith.constant 16 : i32
      %mul3A_448 = arith.muli %scan3A_446, %mul3A_447 : i32
      %get3A_449 = arith.index_cast %mul3A_448 : i32 to index
      %get3A_450 = tpu.vector_load %arg4[%get3A_449] {strides = array<i32>} : memref<2048xi32, #tpu.memory_space<vmem>>, vector<16xi32>,
      %and3A_451 = arith.constant 65535 : i32
      %and3A_452 = vector.broadcast %and3A_451 : i32 to vector<16xi32>
      %and3A_453 = arith.andi %get3A_450, %and3A_452 : vector<16xi32>
      %shift_right_arithmetic3A_454 = arith.constant 16 : i32
      %shift_right_arithmetic3A_455 = vector.broadcast %shift_right_arithmetic3A_454 : i32 to vector<16xi32>
      %shift_right_arithmetic3A_456 = arith.shrsi %get3A_450, %shift_right_arithmetic3A_455 : vector<16xi32>
      %mul3A_457 = arith.constant 16 : i32
      %mul3A_458 = vector.broadcast %mul3A_457 : i32 to vector<16xi32>
      %mul3A_459 = arith.muli %and3A_453, %mul3A_458 : vector<16xi32>
      %add3A_460 = arith.addi %mul3A_459, %iota3A : vector<16xi32>
      tpu.vector_store_idx %arg6[%add3A_460], %broadcast_in_dim3A_14 {add = true} : memref<121616xf32, #tpu.memory_space<vmem>>[vector<16xi32>], vector<16xf32>,
      %mul3A_461 = arith.constant 16 : i32
      %mul3A_462 = vector.broadcast %mul3A_461 : i32 to vector<16xi32>
      %mul3A_463 = arith.muli %shift_right_arithmetic3A_456, %mul3A_462 : vector<16xi32>
      %add3A_464 = arith.addi %mul3A_463, %iota3A : vector<16xi32>
      tpu.vector_store_idx %arg6[%add3A_464], %broadcast_in_dim3A_14 {add = true} : memref<121616xf32, #tpu.memory_space<vmem>>[vector<16xi32>], vector<16xf32>,
      %scan3A_465 = arith.constant 7 : i32
      %scan3A_466 = arith.addi %scan3A_329, %scan3A_465 : i32
      %mul3A_467 = arith.constant 16 : i32
      %mul3A_468 = arith.muli %scan3A_466, %mul3A_467 : i32
      %get3A_469 = arith.index_cast %mul3A_468 : i32 to index
      %get3A_470 = tpu.vector_load %arg4[%get3A_469] {strides = array<i32>} : memref<2048xi32, #tpu.memory_space<vmem>>, vector<16xi32>,
      %and3A_471 = arith.constant 65535 : i32
      %and3A_472 = vector.broadcast %and3A_471 : i32 to vector<16xi32>
      %and3A_473 = arith.andi %get3A_470, %and3A_472 : vector<16xi32>
      %shift_right_arithmetic3A_474 = arith.constant 16 : i32
      %shift_right_arithmetic3A_475 = vector.broadcast %shift_right_arithmetic3A_474 : i32 to vector<16xi32>
      %shift_right_arithmetic3A_476 = arith.shrsi %get3A_470, %shift_right_arithmetic3A_475 : vector<16xi32>
      %mul3A_477 = arith.constant 16 : i32
      %mul3A_478 = vector.broadcast %mul3A_477 : i32 to vector<16xi32>
      %mul3A_479 = arith.muli %and3A_473, %mul3A_478 : vector<16xi32>
      %add3A_480 = arith.addi %mul3A_479, %iota3A : vector<16xi32>
      tpu.vector_store_idx %arg6[%add3A_480], %broadcast_in_dim3A_14 {add = true} : memref<121616xf32, #tpu.memory_space<vmem>>[vector<16xi32>], vector<16xf32>,
      %mul3A_481 = arith.constant 16 : i32
      %mul3A_482 = vector.broadcast %mul3A_481 : i32 to vector<16xi32>
      %mul3A_483 = arith.muli %shift_right_arithmetic3A_476, %mul3A_482 : vector<16xi32>
      %add3A_484 = arith.addi %mul3A_483, %iota3A : vector<16xi32>
      tpu.vector_store_idx %arg6[%add3A_484], %broadcast_in_dim3A_14 {add = true} : memref<121616xf32, #tpu.memory_space<vmem>>[vector<16xi32>], vector<16xf32>,
    }
    %scan3A_34 = arith.constant 128 : i32
    %dma_wait3A_35 = arith.constant 0 : i32
    %dma_wait3A_36 = tpu.memref_slice %arg2[%dma_wait3A_35] : memref<9961472xi32, #tpu.memory_space<hbm>> -> memref<2048xi32, #tpu.memory_space<hbm>>
    %dma_wait3A_37 = arith.constant 0 : i32
    %dma_wait3A_38 = tpu.memref_slice %arg2[%dma_wait3A_37] : memref<9961472xi32, #tpu.memory_space<hbm>> -> memref<2048xi32, #tpu.memory_space<hbm>>
    tpu.wait_dma2 semaphore(%arg8 : memref<!tpu.dma_semaphore, #tpu.memory_space<semaphore_mem>>) src(%dma_wait3A_38 : memref<2048xi32, #tpu.memory_space<hbm>>) dst(%arg5 : memref<2048xi32, #tpu.memory_space<vmem>>)
    %scan3A_39 = arith.constant 0 : i32
    %scan3A_40 = arith.constant 128 : i32
    %scan3A_41 = arith.addi %scan3A_39, %scan3A_40 : i32
    %scan3A_42 = arith.constant 8 : i32
    scf.for %scan3A_329 = %scan3A_39 to %scan3A_41 step %scan3A_42  : i32 {
      %mul3A_330 = arith.constant 16 : i32
      %mul3A_331 = arith.muli %scan3A_329, %mul3A_330 : i32
      %get3A = arith.index_cast %mul3A_331 : i32 to index
      %get3A_332 = tpu.vector_load %arg5[%get3A] {strides = array<i32>} : memref<2048xi32, #tpu.memory_space<vmem>>, vector<16xi32>,
      %and3A = arith.constant 65535 : i32
      %and3A_333 = vector.broadcast %and3A : i32 to vector<16xi32>
      %and3A_334 = arith.andi %get3A_332, %and3A_333 : vector<16xi32>
      %shift_right_arithmetic3A = arith.constant 16 : i32
      %shift_right_arithmetic3A_335 = vector.broadcast %shift_right_arithmetic3A : i32 to vector<16xi32>
      %shift_right_arithmetic3A_336 = arith.shrsi %get3A_332, %shift_right_arithmetic3A_335 : vector<16xi32>
      %mul3A_337 = arith.constant 16 : i32
      %mul3A_338 = vector.broadcast %mul3A_337 : i32 to vector<16xi32>
      %mul3A_339 = arith.muli %and3A_334, %mul3A_338 : vector<16xi32>
      %add3A_340 = arith.addi %mul3A_339, %iota3A : vector<16xi32>
      tpu.vector_store_idx %arg6[%add3A_340], %broadcast_in_dim3A_14 {add = true} : memref<121616xf32, #tpu.memory_space<vmem>>[vector<16xi32>], vector<16xf32>,
      %mul3A_341 = arith.constant 16 : i32
      %mul3A_342 = vector.broadcast %mul3A_341 : i32 to vector<16xi32>
      %mul3A_343 = arith.muli %shift_right_arithmetic3A_336, %mul3A_342 : vector<16xi32>
      %add3A_344 = arith.addi %mul3A_343, %iota3A : vector<16xi32>
      tpu.vector_store_idx %arg6[%add3A_344], %broadcast_in_dim3A_14 {add = true} : memref<121616xf32, #tpu.memory_space<vmem>>[vector<16xi32>], vector<16xf32>,
      %scan3A_345 = arith.constant 1 : i32
      %scan3A_346 = arith.addi %scan3A_329, %scan3A_345 : i32
      %mul3A_347 = arith.constant 16 : i32
      %mul3A_348 = arith.muli %scan3A_346, %mul3A_347 : i32
      %get3A_349 = arith.index_cast %mul3A_348 : i32 to index
      %get3A_350 = tpu.vector_load %arg5[%get3A_349] {strides = array<i32>} : memref<2048xi32, #tpu.memory_space<vmem>>, vector<16xi32>,
      %and3A_351 = arith.constant 65535 : i32
      %and3A_352 = vector.broadcast %and3A_351 : i32 to vector<16xi32>
      %and3A_353 = arith.andi %get3A_350, %and3A_352 : vector<16xi32>
      %shift_right_arithmetic3A_354 = arith.constant 16 : i32
      %shift_right_arithmetic3A_355 = vector.broadcast %shift_right_arithmetic3A_354 : i32 to vector<16xi32>
      %shift_right_arithmetic3A_356 = arith.shrsi %get3A_350, %shift_right_arithmetic3A_355 : vector<16xi32>
      %mul3A_357 = arith.constant 16 : i32
      %mul3A_358 = vector.broadcast %mul3A_357 : i32 to vector<16xi32>
      %mul3A_359 = arith.muli %and3A_353, %mul3A_358 : vector<16xi32>
      %add3A_360 = arith.addi %mul3A_359, %iota3A : vector<16xi32>
      tpu.vector_store_idx %arg6[%add3A_360], %broadcast_in_dim3A_14 {add = true} : memref<121616xf32, #tpu.memory_space<vmem>>[vector<16xi32>], vector<16xf32>,
      %mul3A_361 = arith.constant 16 : i32
      %mul3A_362 = vector.broadcast %mul3A_361 : i32 to vector<16xi32>
      %mul3A_363 = arith.muli %shift_right_arithmetic3A_356, %mul3A_362 : vector<16xi32>
      %add3A_364 = arith.addi %mul3A_363, %iota3A : vector<16xi32>
      tpu.vector_store_idx %arg6[%add3A_364], %broadcast_in_dim3A_14 {add = true} : memref<121616xf32, #tpu.memory_space<vmem>>[vector<16xi32>], vector<16xf32>,
      %scan3A_365 = arith.constant 2 : i32
      %scan3A_366 = arith.addi %scan3A_329, %scan3A_365 : i32
      %mul3A_367 = arith.constant 16 : i32
      %mul3A_368 = arith.muli %scan3A_366, %mul3A_367 : i32
      %get3A_369 = arith.index_cast %mul3A_368 : i32 to index
      %get3A_370 = tpu.vector_load %arg5[%get3A_369] {strides = array<i32>} : memref<2048xi32, #tpu.memory_space<vmem>>, vector<16xi32>,
      %and3A_371 = arith.constant 65535 : i32
      %and3A_372 = vector.broadcast %and3A_371 : i32 to vector<16xi32>
      %and3A_373 = arith.andi %get3A_370, %and3A_372 : vector<16xi32>
      %shift_right_arithmetic3A_374 = arith.constant 16 : i32
      %shift_right_arithmetic3A_375 = vector.broadcast %shift_right_arithmetic3A_374 : i32 to vector<16xi32>
      %shift_right_arithmetic3A_376 = arith.shrsi %get3A_370, %shift_right_arithmetic3A_375 : vector<16xi32>
      %mul3A_377 = arith.constant 16 : i32
      %mul3A_378 = vector.broadcast %mul3A_377 : i32 to vector<16xi32>
      %mul3A_379 = arith.muli %and3A_373, %mul3A_378 : vector<16xi32>
      %add3A_380 = arith.addi %mul3A_379, %iota3A : vector<16xi32>
      tpu.vector_store_idx %arg6[%add3A_380], %broadcast_in_dim3A_14 {add = true} : memref<121616xf32, #tpu.memory_space<vmem>>[vector<16xi32>], vector<16xf32>,
      %mul3A_381 = arith.constant 16 : i32
      %mul3A_382 = vector.broadcast %mul3A_381 : i32 to vector<16xi32>
      %mul3A_383 = arith.muli %shift_right_arithmetic3A_376, %mul3A_382 : vector<16xi32>
      %add3A_384 = arith.addi %mul3A_383, %iota3A : vector<16xi32>
      tpu.vector_store_idx %arg6[%add3A_384], %broadcast_in_dim3A_14 {add = true} : memref<121616xf32, #tpu.memory_space<vmem>>[vector<16xi32>], vector<16xf32>,
      %scan3A_385 = arith.constant 3 : i32
      %scan3A_386 = arith.addi %scan3A_329, %scan3A_385 : i32
      %mul3A_387 = arith.constant 16 : i32
      %mul3A_388 = arith.muli %scan3A_386, %mul3A_387 : i32
      %get3A_389 = arith.index_cast %mul3A_388 : i32 to index
      %get3A_390 = tpu.vector_load %arg5[%get3A_389] {strides = array<i32>} : memref<2048xi32, #tpu.memory_space<vmem>>, vector<16xi32>,
      %and3A_391 = arith.constant 65535 : i32
      %and3A_392 = vector.broadcast %and3A_391 : i32 to vector<16xi32>
      %and3A_393 = arith.andi %get3A_390, %and3A_392 : vector<16xi32>
      %shift_right_arithmetic3A_394 = arith.constant 16 : i32
      %shift_right_arithmetic3A_395 = vector.broadcast %shift_right_arithmetic3A_394 : i32 to vector<16xi32>
      %shift_right_arithmetic3A_396 = arith.shrsi %get3A_390, %shift_right_arithmetic3A_395 : vector<16xi32>
      %mul3A_397 = arith.constant 16 : i32
      %mul3A_398 = vector.broadcast %mul3A_397 : i32 to vector<16xi32>
      %mul3A_399 = arith.muli %and3A_393, %mul3A_398 : vector<16xi32>
      %add3A_400 = arith.addi %mul3A_399, %iota3A : vector<16xi32>
      tpu.vector_store_idx %arg6[%add3A_400], %broadcast_in_dim3A_14 {add = true} : memref<121616xf32, #tpu.memory_space<vmem>>[vector<16xi32>], vector<16xf32>,
      %mul3A_401 = arith.constant 16 : i32
      %mul3A_402 = vector.broadcast %mul3A_401 : i32 to vector<16xi32>
      %mul3A_403 = arith.muli %shift_right_arithmetic3A_396, %mul3A_402 : vector<16xi32>
      %add3A_404 = arith.addi %mul3A_403, %iota3A : vector<16xi32>
      tpu.vector_store_idx %arg6[%add3A_404], %broadcast_in_dim3A_14 {add = true} : memref<121616xf32, #tpu.memory_space<vmem>>[vector<16xi32>], vector<16xf32>,
      %scan3A_405 = arith.constant 4 : i32
      %scan3A_406 = arith.addi %scan3A_329, %scan3A_405 : i32
      %mul3A_407 = arith.constant 16 : i32
      %mul3A_408 = arith.muli %scan3A_406, %mul3A_407 : i32
      %get3A_409 = arith.index_cast %mul3A_408 : i32 to index
      %get3A_410 = tpu.vector_load %arg5[%get3A_409] {strides = array<i32>} : memref<2048xi32, #tpu.memory_space<vmem>>, vector<16xi32>,
      %and3A_411 = arith.constant 65535 : i32
      %and3A_412 = vector.broadcast %and3A_411 : i32 to vector<16xi32>
      %and3A_413 = arith.andi %get3A_410, %and3A_412 : vector<16xi32>
      %shift_right_arithmetic3A_414 = arith.constant 16 : i32
      %shift_right_arithmetic3A_415 = vector.broadcast %shift_right_arithmetic3A_414 : i32 to vector<16xi32>
      %shift_right_arithmetic3A_416 = arith.shrsi %get3A_410, %shift_right_arithmetic3A_415 : vector<16xi32>
      %mul3A_417 = arith.constant 16 : i32
      %mul3A_418 = vector.broadcast %mul3A_417 : i32 to vector<16xi32>
      %mul3A_419 = arith.muli %and3A_413, %mul3A_418 : vector<16xi32>
      %add3A_420 = arith.addi %mul3A_419, %iota3A : vector<16xi32>
      tpu.vector_store_idx %arg6[%add3A_420], %broadcast_in_dim3A_14 {add = true} : memref<121616xf32, #tpu.memory_space<vmem>>[vector<16xi32>], vector<16xf32>,
      %mul3A_421 = arith.constant 16 : i32
      %mul3A_422 = vector.broadcast %mul3A_421 : i32 to vector<16xi32>
      %mul3A_423 = arith.muli %shift_right_arithmetic3A_416, %mul3A_422 : vector<16xi32>
      %add3A_424 = arith.addi %mul3A_423, %iota3A : vector<16xi32>
      tpu.vector_store_idx %arg6[%add3A_424], %broadcast_in_dim3A_14 {add = true} : memref<121616xf32, #tpu.memory_space<vmem>>[vector<16xi32>], vector<16xf32>,
      %scan3A_425 = arith.constant 5 : i32
      %scan3A_426 = arith.addi %scan3A_329, %scan3A_425 : i32
      %mul3A_427 = arith.constant 16 : i32
      %mul3A_428 = arith.muli %scan3A_426, %mul3A_427 : i32
      %get3A_429 = arith.index_cast %mul3A_428 : i32 to index
      %get3A_430 = tpu.vector_load %arg5[%get3A_429] {strides = array<i32>} : memref<2048xi32, #tpu.memory_space<vmem>>, vector<16xi32>,
      %and3A_431 = arith.constant 65535 : i32
      %and3A_432 = vector.broadcast %and3A_431 : i32 to vector<16xi32>
      %and3A_433 = arith.andi %get3A_430, %and3A_432 : vector<16xi32>
      %shift_right_arithmetic3A_434 = arith.constant 16 : i32
      %shift_right_arithmetic3A_435 = vector.broadcast %shift_right_arithmetic3A_434 : i32 to vector<16xi32>
      %shift_right_arithmetic3A_436 = arith.shrsi %get3A_430, %shift_right_arithmetic3A_435 : vector<16xi32>
      %mul3A_437 = arith.constant 16 : i32
      %mul3A_438 = vector.broadcast %mul3A_437 : i32 to vector<16xi32>
      %mul3A_439 = arith.muli %and3A_433, %mul3A_438 : vector<16xi32>
      %add3A_440 = arith.addi %mul3A_439, %iota3A : vector<16xi32>
      tpu.vector_store_idx %arg6[%add3A_440], %broadcast_in_dim3A_14 {add = true} : memref<121616xf32, #tpu.memory_space<vmem>>[vector<16xi32>], vector<16xf32>,
      %mul3A_441 = arith.constant 16 : i32
      %mul3A_442 = vector.broadcast %mul3A_441 : i32 to vector<16xi32>
      %mul3A_443 = arith.muli %shift_right_arithmetic3A_436, %mul3A_442 : vector<16xi32>
      %add3A_444 = arith.addi %mul3A_443, %iota3A : vector<16xi32>
      tpu.vector_store_idx %arg6[%add3A_444], %broadcast_in_dim3A_14 {add = true} : memref<121616xf32, #tpu.memory_space<vmem>>[vector<16xi32>], vector<16xf32>,
      %scan3A_445 = arith.constant 6 : i32
      %scan3A_446 = arith.addi %scan3A_329, %scan3A_445 : i32
      %mul3A_447 = arith.constant 16 : i32
      %mul3A_448 = arith.muli %scan3A_446, %mul3A_447 : i32
      %get3A_449 = arith.index_cast %mul3A_448 : i32 to index
      %get3A_450 = tpu.vector_load %arg5[%get3A_449] {strides = array<i32>} : memref<2048xi32, #tpu.memory_space<vmem>>, vector<16xi32>,
      %and3A_451 = arith.constant 65535 : i32
      %and3A_452 = vector.broadcast %and3A_451 : i32 to vector<16xi32>
      %and3A_453 = arith.andi %get3A_450, %and3A_452 : vector<16xi32>
      %shift_right_arithmetic3A_454 = arith.constant 16 : i32
      %shift_right_arithmetic3A_455 = vector.broadcast %shift_right_arithmetic3A_454 : i32 to vector<16xi32>
      %shift_right_arithmetic3A_456 = arith.shrsi %get3A_450, %shift_right_arithmetic3A_455 : vector<16xi32>
      %mul3A_457 = arith.constant 16 : i32
      %mul3A_458 = vector.broadcast %mul3A_457 : i32 to vector<16xi32>
      %mul3A_459 = arith.muli %and3A_453, %mul3A_458 : vector<16xi32>
      %add3A_460 = arith.addi %mul3A_459, %iota3A : vector<16xi32>
      tpu.vector_store_idx %arg6[%add3A_460], %broadcast_in_dim3A_14 {add = true} : memref<121616xf32, #tpu.memory_space<vmem>>[vector<16xi32>], vector<16xf32>,
      %mul3A_461 = arith.constant 16 : i32
      %mul3A_462 = vector.broadcast %mul3A_461 : i32 to vector<16xi32>
      %mul3A_463 = arith.muli %shift_right_arithmetic3A_456, %mul3A_462 : vector<16xi32>
      %add3A_464 = arith.addi %mul3A_463, %iota3A : vector<16xi32>
      tpu.vector_store_idx %arg6[%add3A_464], %broadcast_in_dim3A_14 {add = true} : memref<121616xf32, #tpu.memory_space<vmem>>[vector<16xi32>], vector<16xf32>,
      %scan3A_465 = arith.constant 7 : i32
      %scan3A_466 = arith.addi %scan3A_329, %scan3A_465 : i32
      %mul3A_467 = arith.constant 16 : i32
      %mul3A_468 = arith.muli %scan3A_466, %mul3A_467 : i32
      %get3A_469 = arith.index_cast %mul3A_468 : i32 to index
      %get3A_470 = tpu.vector_load %arg5[%get3A_469] {strides = array<i32>} : memref<2048xi32, #tpu.memory_space<vmem>>, vector<16xi32>,
      %and3A_471 = arith.constant 65535 : i32
      %and3A_472 = vector.broadcast %and3A_471 : i32 to vector<16xi32>
      %and3A_473 = arith.andi %get3A_470, %and3A_472 : vector<16xi32>
      %shift_right_arithmetic3A_474 = arith.constant 16 : i32
      %shift_right_arithmetic3A_475 = vector.broadcast %shift_right_arithmetic3A_474 : i32 to vector<16xi32>
      %shift_right_arithmetic3A_476 = arith.shrsi %get3A_470, %shift_right_arithmetic3A_475 : vector<16xi32>
      %mul3A_477 = arith.constant 16 : i32
      %mul3A_478 = vector.broadcast %mul3A_477 : i32 to vector<16xi32>
      %mul3A_479 = arith.muli %and3A_473, %mul3A_478 : vector<16xi32>
      %add3A_480 = arith.addi %mul3A_479, %iota3A : vector<16xi32>
      tpu.vector_store_idx %arg6[%add3A_480], %broadcast_in_dim3A_14 {add = true} : memref<121616xf32, #tpu.memory_space<vmem>>[vector<16xi32>], vector<16xf32>,
      %mul3A_481 = arith.constant 16 : i32
      %mul3A_482 = vector.broadcast %mul3A_481 : i32 to vector<16xi32>
      %mul3A_483 = arith.muli %shift_right_arithmetic3A_476, %mul3A_482 : vector<16xi32>
      %add3A_484 = arith.addi %mul3A_483, %iota3A : vector<16xi32>
      tpu.vector_store_idx %arg6[%add3A_484], %broadcast_in_dim3A_14 {add = true} : memref<121616xf32, #tpu.memory_space<vmem>>[vector<16xi32>], vector<16xf32>,
    }
    %scan3A_43 = arith.constant 128 : i32
    %scan3A_44 = arith.constant 0 : i32
    %scan3A_45 = arith.constant 472 : i32
    %scan3A_46 = arith.addi %scan3A_44, %scan3A_45 : i32
    %scan3A_47 = arith.constant 4 : i32
    scf.for %scan3A_329 = %scan3A_44 to %scan3A_46 step %scan3A_47  : i32 {
      %mul3A_330 = arith.constant 256 : i32
      %mul3A_331 = arith.muli %scan3A_329, %mul3A_330 : i32
      %mul3A_332 = arith.constant 16 : i32
      %mul3A_333 = vector.broadcast %mul3A_332 : i32 to vector<16xi32>
      %mul3A_334 = arith.muli %iota3A, %mul3A_333 : vector<16xi32>
      %add3A_335 = vector.broadcast %mul3A_331 : i32 to vector<16xi32>
      %add3A_336 = arith.addi %add3A_335, %mul3A_334 : vector<16xi32>
      %add3A_337 = arith.constant 0 : i32
      %add3A_338 = vector.broadcast %add3A_337 : i32 to vector<16xi32>
      %add3A_339 = arith.addi %add3A_336, %add3A_338 : vector<16xi32>
      %gather3A_340 = tpu.vector_load_idx %arg6[%add3A_339] : memref<121616xf32, #tpu.memory_space<vmem>>[vector<16xi32>], vector<16xf32>,
      %add3A_341 = arith.addf %broadcast_in_dim3A_3, %gather3A_340 : vector<16xf32>
      %add3A_342 = arith.constant 1 : i32
      %add3A_343 = vector.broadcast %add3A_342 : i32 to vector<16xi32>
      %add3A_344 = arith.addi %add3A_336, %add3A_343 : vector<16xi32>
      %gather3A_345 = tpu.vector_load_idx %arg6[%add3A_344] : memref<121616xf32, #tpu.memory_space<vmem>>[vector<16xi32>], vector<16xf32>,
      %add3A_346 = arith.addf %add3A_341, %gather3A_345 : vector<16xf32>
      %add3A_347 = arith.constant 2 : i32
      %add3A_348 = vector.broadcast %add3A_347 : i32 to vector<16xi32>
      %add3A_349 = arith.addi %add3A_336, %add3A_348 : vector<16xi32>
      %gather3A_350 = tpu.vector_load_idx %arg6[%add3A_349] : memref<121616xf32, #tpu.memory_space<vmem>>[vector<16xi32>], vector<16xf32>,
      %add3A_351 = arith.addf %add3A_346, %gather3A_350 : vector<16xf32>
      %add3A_352 = arith.constant 3 : i32
      %add3A_353 = vector.broadcast %add3A_352 : i32 to vector<16xi32>
      %add3A_354 = arith.addi %add3A_336, %add3A_353 : vector<16xi32>
      %gather3A_355 = tpu.vector_load_idx %arg6[%add3A_354] : memref<121616xf32, #tpu.memory_space<vmem>>[vector<16xi32>], vector<16xf32>,
      %add3A_356 = arith.addf %add3A_351, %gather3A_355 : vector<16xf32>
      %add3A_357 = arith.constant 4 : i32
      %add3A_358 = vector.broadcast %add3A_357 : i32 to vector<16xi32>
      %add3A_359 = arith.addi %add3A_336, %add3A_358 : vector<16xi32>
      %gather3A_360 = tpu.vector_load_idx %arg6[%add3A_359] : memref<121616xf32, #tpu.memory_space<vmem>>[vector<16xi32>], vector<16xf32>,
      %add3A_361 = arith.addf %add3A_356, %gather3A_360 : vector<16xf32>
      %add3A_362 = arith.constant 5 : i32
      %add3A_363 = vector.broadcast %add3A_362 : i32 to vector<16xi32>
      %add3A_364 = arith.addi %add3A_336, %add3A_363 : vector<16xi32>
      %gather3A_365 = tpu.vector_load_idx %arg6[%add3A_364] : memref<121616xf32, #tpu.memory_space<vmem>>[vector<16xi32>], vector<16xf32>,
      %add3A_366 = arith.addf %add3A_361, %gather3A_365 : vector<16xf32>
      %add3A_367 = arith.constant 6 : i32
      %add3A_368 = vector.broadcast %add3A_367 : i32 to vector<16xi32>
      %add3A_369 = arith.addi %add3A_336, %add3A_368 : vector<16xi32>
      %gather3A_370 = tpu.vector_load_idx %arg6[%add3A_369] : memref<121616xf32, #tpu.memory_space<vmem>>[vector<16xi32>], vector<16xf32>,
      %add3A_371 = arith.addf %add3A_366, %gather3A_370 : vector<16xf32>
      %add3A_372 = arith.constant 7 : i32
      %add3A_373 = vector.broadcast %add3A_372 : i32 to vector<16xi32>
      %add3A_374 = arith.addi %add3A_336, %add3A_373 : vector<16xi32>
      %gather3A_375 = tpu.vector_load_idx %arg6[%add3A_374] : memref<121616xf32, #tpu.memory_space<vmem>>[vector<16xi32>], vector<16xf32>,
      %add3A_376 = arith.addf %add3A_371, %gather3A_375 : vector<16xf32>
      %add3A_377 = arith.constant 8 : i32
      %add3A_378 = vector.broadcast %add3A_377 : i32 to vector<16xi32>
      %add3A_379 = arith.addi %add3A_336, %add3A_378 : vector<16xi32>
      %gather3A_380 = tpu.vector_load_idx %arg6[%add3A_379] : memref<121616xf32, #tpu.memory_space<vmem>>[vector<16xi32>], vector<16xf32>,
      %add3A_381 = arith.addf %add3A_376, %gather3A_380 : vector<16xf32>
      %add3A_382 = arith.constant 9 : i32
      %add3A_383 = vector.broadcast %add3A_382 : i32 to vector<16xi32>
      %add3A_384 = arith.addi %add3A_336, %add3A_383 : vector<16xi32>
      %gather3A_385 = tpu.vector_load_idx %arg6[%add3A_384] : memref<121616xf32, #tpu.memory_space<vmem>>[vector<16xi32>], vector<16xf32>,
      %add3A_386 = arith.addf %add3A_381, %gather3A_385 : vector<16xf32>
      %add3A_387 = arith.constant 10 : i32
      %add3A_388 = vector.broadcast %add3A_387 : i32 to vector<16xi32>
      %add3A_389 = arith.addi %add3A_336, %add3A_388 : vector<16xi32>
      %gather3A_390 = tpu.vector_load_idx %arg6[%add3A_389] : memref<121616xf32, #tpu.memory_space<vmem>>[vector<16xi32>], vector<16xf32>,
      %add3A_391 = arith.addf %add3A_386, %gather3A_390 : vector<16xf32>
      %add3A_392 = arith.constant 11 : i32
      %add3A_393 = vector.broadcast %add3A_392 : i32 to vector<16xi32>
      %add3A_394 = arith.addi %add3A_336, %add3A_393 : vector<16xi32>
      %gather3A_395 = tpu.vector_load_idx %arg6[%add3A_394] : memref<121616xf32, #tpu.memory_space<vmem>>[vector<16xi32>], vector<16xf32>,
      %add3A_396 = arith.addf %add3A_391, %gather3A_395 : vector<16xf32>
      %add3A_397 = arith.constant 12 : i32
      %add3A_398 = vector.broadcast %add3A_397 : i32 to vector<16xi32>
      %add3A_399 = arith.addi %add3A_336, %add3A_398 : vector<16xi32>
      %gather3A_400 = tpu.vector_load_idx %arg6[%add3A_399] : memref<121616xf32, #tpu.memory_space<vmem>>[vector<16xi32>], vector<16xf32>,
      %add3A_401 = arith.addf %add3A_396, %gather3A_400 : vector<16xf32>
      %add3A_402 = arith.constant 13 : i32
      %add3A_403 = vector.broadcast %add3A_402 : i32 to vector<16xi32>
      %add3A_404 = arith.addi %add3A_336, %add3A_403 : vector<16xi32>
      %gather3A_405 = tpu.vector_load_idx %arg6[%add3A_404] : memref<121616xf32, #tpu.memory_space<vmem>>[vector<16xi32>], vector<16xf32>,
      %add3A_406 = arith.addf %add3A_401, %gather3A_405 : vector<16xf32>
      %add3A_407 = arith.constant 14 : i32
      %add3A_408 = vector.broadcast %add3A_407 : i32 to vector<16xi32>
      %add3A_409 = arith.addi %add3A_336, %add3A_408 : vector<16xi32>
      %gather3A_410 = tpu.vector_load_idx %arg6[%add3A_409] : memref<121616xf32, #tpu.memory_space<vmem>>[vector<16xi32>], vector<16xf32>,
      %add3A_411 = arith.addf %add3A_406, %gather3A_410 : vector<16xf32>
      %add3A_412 = arith.constant 15 : i32
      %add3A_413 = vector.broadcast %add3A_412 : i32 to vector<16xi32>
      %add3A_414 = arith.addi %add3A_336, %add3A_413 : vector<16xi32>
      %gather3A_415 = tpu.vector_load_idx %arg6[%add3A_414] : memref<121616xf32, #tpu.memory_space<vmem>>[vector<16xi32>], vector<16xf32>,
      %add3A_416 = arith.addf %add3A_411, %gather3A_415 : vector<16xf32>
      %mul3A_417 = arith.constant 16 : i32
      %mul3A_418 = arith.muli %scan3A_329, %mul3A_417 : i32
      %swap3A_419 = arith.index_cast %mul3A_418 : i32 to index
      %swap3A_420 = tpu.vector_load %arg6[%swap3A_419] {strides = array<i32>} : memref<121616xf32, #tpu.memory_space<vmem>>, vector<16xf32>,
      tpu.vector_store %arg6[%swap3A_419], %add3A_416 {strides = array<i32>} : memref<121616xf32, #tpu.memory_space<vmem>>, vector<16xf32>,
      %scan3A_421 = arith.constant 1 : i32
      %scan3A_422 = arith.addi %scan3A_329, %scan3A_421 : i32
      %mul3A_423 = arith.constant 256 : i32
      %mul3A_424 = arith.muli %scan3A_422, %mul3A_423 : i32
      %mul3A_425 = arith.constant 16 : i32
      %mul3A_426 = vector.broadcast %mul3A_425 : i32 to vector<16xi32>
      %mul3A_427 = arith.muli %iota3A, %mul3A_426 : vector<16xi32>
      %add3A_428 = vector.broadcast %mul3A_424 : i32 to vector<16xi32>
      %add3A_429 = arith.addi %add3A_428, %mul3A_427 : vector<16xi32>
      %add3A_430 = arith.constant 0 : i32
      %add3A_431 = vector.broadcast %add3A_430 : i32 to vector<16xi32>
      %add3A_432 = arith.addi %add3A_429, %add3A_431 : vector<16xi32>
      %gather3A_433 = tpu.vector_load_idx %arg6[%add3A_432] : memref<121616xf32, #tpu.memory_space<vmem>>[vector<16xi32>], vector<16xf32>,
      %add3A_434 = arith.addf %broadcast_in_dim3A_3, %gather3A_433 : vector<16xf32>
      %add3A_435 = arith.constant 1 : i32
      %add3A_436 = vector.broadcast %add3A_435 : i32 to vector<16xi32>
      %add3A_437 = arith.addi %add3A_429, %add3A_436 : vector<16xi32>
      %gather3A_438 = tpu.vector_load_idx %arg6[%add3A_437] : memref<121616xf32, #tpu.memory_space<vmem>>[vector<16xi32>], vector<16xf32>,
      %add3A_439 = arith.addf %add3A_434, %gather3A_438 : vector<16xf32>
      %add3A_440 = arith.constant 2 : i32
      %add3A_441 = vector.broadcast %add3A_440 : i32 to vector<16xi32>
      %add3A_442 = arith.addi %add3A_429, %add3A_441 : vector<16xi32>
      %gather3A_443 = tpu.vector_load_idx %arg6[%add3A_442] : memref<121616xf32, #tpu.memory_space<vmem>>[vector<16xi32>], vector<16xf32>,
      %add3A_444 = arith.addf %add3A_439, %gather3A_443 : vector<16xf32>
      %add3A_445 = arith.constant 3 : i32
      %add3A_446 = vector.broadcast %add3A_445 : i32 to vector<16xi32>
      %add3A_447 = arith.addi %add3A_429, %add3A_446 : vector<16xi32>
      %gather3A_448 = tpu.vector_load_idx %arg6[%add3A_447] : memref<121616xf32, #tpu.memory_space<vmem>>[vector<16xi32>], vector<16xf32>,
      %add3A_449 = arith.addf %add3A_444, %gather3A_448 : vector<16xf32>
      %add3A_450 = arith.constant 4 : i32
      %add3A_451 = vector.broadcast %add3A_450 : i32 to vector<16xi32>
      %add3A_452 = arith.addi %add3A_429, %add3A_451 : vector<16xi32>
      %gather3A_453 = tpu.vector_load_idx %arg6[%add3A_452] : memref<121616xf32, #tpu.memory_space<vmem>>[vector<16xi32>], vector<16xf32>,
      %add3A_454 = arith.addf %add3A_449, %gather3A_453 : vector<16xf32>
      %add3A_455 = arith.constant 5 : i32
      %add3A_456 = vector.broadcast %add3A_455 : i32 to vector<16xi32>
      %add3A_457 = arith.addi %add3A_429, %add3A_456 : vector<16xi32>
      %gather3A_458 = tpu.vector_load_idx %arg6[%add3A_457] : memref<121616xf32, #tpu.memory_space<vmem>>[vector<16xi32>], vector<16xf32>,
      %add3A_459 = arith.addf %add3A_454, %gather3A_458 : vector<16xf32>
      %add3A_460 = arith.constant 6 : i32
      %add3A_461 = vector.broadcast %add3A_460 : i32 to vector<16xi32>
      %add3A_462 = arith.addi %add3A_429, %add3A_461 : vector<16xi32>
      %gather3A_463 = tpu.vector_load_idx %arg6[%add3A_462] : memref<121616xf32, #tpu.memory_space<vmem>>[vector<16xi32>], vector<16xf32>,
      %add3A_464 = arith.addf %add3A_459, %gather3A_463 : vector<16xf32>
      %add3A_465 = arith.constant 7 : i32
      %add3A_466 = vector.broadcast %add3A_465 : i32 to vector<16xi32>
      %add3A_467 = arith.addi %add3A_429, %add3A_466 : vector<16xi32>
      %gather3A_468 = tpu.vector_load_idx %arg6[%add3A_467] : memref<121616xf32, #tpu.memory_space<vmem>>[vector<16xi32>], vector<16xf32>,
      %add3A_469 = arith.addf %add3A_464, %gather3A_468 : vector<16xf32>
      %add3A_470 = arith.constant 8 : i32
      %add3A_471 = vector.broadcast %add3A_470 : i32 to vector<16xi32>
      %add3A_472 = arith.addi %add3A_429, %add3A_471 : vector<16xi32>
      %gather3A_473 = tpu.vector_load_idx %arg6[%add3A_472] : memref<121616xf32, #tpu.memory_space<vmem>>[vector<16xi32>], vector<16xf32>,
      %add3A_474 = arith.addf %add3A_469, %gather3A_473 : vector<16xf32>
      %add3A_475 = arith.constant 9 : i32
      %add3A_476 = vector.broadcast %add3A_475 : i32 to vector<16xi32>
      %add3A_477 = arith.addi %add3A_429, %add3A_476 : vector<16xi32>
      %gather3A_478 = tpu.vector_load_idx %arg6[%add3A_477] : memref<121616xf32, #tpu.memory_space<vmem>>[vector<16xi32>], vector<16xf32>,
      %add3A_479 = arith.addf %add3A_474, %gather3A_478 : vector<16xf32>
      %add3A_480 = arith.constant 10 : i32
      %add3A_481 = vector.broadcast %add3A_480 : i32 to vector<16xi32>
      %add3A_482 = arith.addi %add3A_429, %add3A_481 : vector<16xi32>
      %gather3A_483 = tpu.vector_load_idx %arg6[%add3A_482] : memref<121616xf32, #tpu.memory_space<vmem>>[vector<16xi32>], vector<16xf32>,
      %add3A_484 = arith.addf %add3A_479, %gather3A_483 : vector<16xf32>
      %add3A_485 = arith.constant 11 : i32
      %add3A_486 = vector.broadcast %add3A_485 : i32 to vector<16xi32>
      %add3A_487 = arith.addi %add3A_429, %add3A_486 : vector<16xi32>
      %gather3A_488 = tpu.vector_load_idx %arg6[%add3A_487] : memref<121616xf32, #tpu.memory_space<vmem>>[vector<16xi32>], vector<16xf32>,
      %add3A_489 = arith.addf %add3A_484, %gather3A_488 : vector<16xf32>
      %add3A_490 = arith.constant 12 : i32
      %add3A_491 = vector.broadcast %add3A_490 : i32 to vector<16xi32>
      %add3A_492 = arith.addi %add3A_429, %add3A_491 : vector<16xi32>
      %gather3A_493 = tpu.vector_load_idx %arg6[%add3A_492] : memref<121616xf32, #tpu.memory_space<vmem>>[vector<16xi32>], vector<16xf32>,
      %add3A_494 = arith.addf %add3A_489, %gather3A_493 : vector<16xf32>
      %add3A_495 = arith.constant 13 : i32
      %add3A_496 = vector.broadcast %add3A_495 : i32 to vector<16xi32>
      %add3A_497 = arith.addi %add3A_429, %add3A_496 : vector<16xi32>
      %gather3A_498 = tpu.vector_load_idx %arg6[%add3A_497] : memref<121616xf32, #tpu.memory_space<vmem>>[vector<16xi32>], vector<16xf32>,
      %add3A_499 = arith.addf %add3A_494, %gather3A_498 : vector<16xf32>
      %add3A_500 = arith.constant 14 : i32
      %add3A_501 = vector.broadcast %add3A_500 : i32 to vector<16xi32>
      %add3A_502 = arith.addi %add3A_429, %add3A_501 : vector<16xi32>
      %gather3A_503 = tpu.vector_load_idx %arg6[%add3A_502] : memref<121616xf32, #tpu.memory_space<vmem>>[vector<16xi32>], vector<16xf32>,
      %add3A_504 = arith.addf %add3A_499, %gather3A_503 : vector<16xf32>
      %add3A_505 = arith.constant 15 : i32
      %add3A_506 = vector.broadcast %add3A_505 : i32 to vector<16xi32>
      %add3A_507 = arith.addi %add3A_429, %add3A_506 : vector<16xi32>
      %gather3A_508 = tpu.vector_load_idx %arg6[%add3A_507] : memref<121616xf32, #tpu.memory_space<vmem>>[vector<16xi32>], vector<16xf32>,
      %add3A_509 = arith.addf %add3A_504, %gather3A_508 : vector<16xf32>
      %mul3A_510 = arith.constant 16 : i32
      %mul3A_511 = arith.muli %scan3A_422, %mul3A_510 : i32
      %swap3A_512 = arith.index_cast %mul3A_511 : i32 to index
      %swap3A_513 = tpu.vector_load %arg6[%swap3A_512] {strides = array<i32>} : memref<121616xf32, #tpu.memory_space<vmem>>, vector<16xf32>,
      tpu.vector_store %arg6[%swap3A_512], %add3A_509 {strides = array<i32>} : memref<121616xf32, #tpu.memory_space<vmem>>, vector<16xf32>,
      %scan3A_514 = arith.constant 2 : i32
      %scan3A_515 = arith.addi %scan3A_329, %scan3A_514 : i32
      %mul3A_516 = arith.constant 256 : i32
      %mul3A_517 = arith.muli %scan3A_515, %mul3A_516 : i32
      %mul3A_518 = arith.constant 16 : i32
      %mul3A_519 = vector.broadcast %mul3A_518 : i32 to vector<16xi32>
      %mul3A_520 = arith.muli %iota3A, %mul3A_519 : vector<16xi32>
      %add3A_521 = vector.broadcast %mul3A_517 : i32 to vector<16xi32>
      %add3A_522 = arith.addi %add3A_521, %mul3A_520 : vector<16xi32>
      %add3A_523 = arith.constant 0 : i32
      %add3A_524 = vector.broadcast %add3A_523 : i32 to vector<16xi32>
      %add3A_525 = arith.addi %add3A_522, %add3A_524 : vector<16xi32>
      %gather3A_526 = tpu.vector_load_idx %arg6[%add3A_525] : memref<121616xf32, #tpu.memory_space<vmem>>[vector<16xi32>], vector<16xf32>,
      %add3A_527 = arith.addf %broadcast_in_dim3A_3, %gather3A_526 : vector<16xf32>
      %add3A_528 = arith.constant 1 : i32
      %add3A_529 = vector.broadcast %add3A_528 : i32 to vector<16xi32>
      %add3A_530 = arith.addi %add3A_522, %add3A_529 : vector<16xi32>
      %gather3A_531 = tpu.vector_load_idx %arg6[%add3A_530] : memref<121616xf32, #tpu.memory_space<vmem>>[vector<16xi32>], vector<16xf32>,
      %add3A_532 = arith.addf %add3A_527, %gather3A_531 : vector<16xf32>
      %add3A_533 = arith.constant 2 : i32
      %add3A_534 = vector.broadcast %add3A_533 : i32 to vector<16xi32>
      %add3A_535 = arith.addi %add3A_522, %add3A_534 : vector<16xi32>
      %gather3A_536 = tpu.vector_load_idx %arg6[%add3A_535] : memref<121616xf32, #tpu.memory_space<vmem>>[vector<16xi32>], vector<16xf32>,
      %add3A_537 = arith.addf %add3A_532, %gather3A_536 : vector<16xf32>
      %add3A_538 = arith.constant 3 : i32
      %add3A_539 = vector.broadcast %add3A_538 : i32 to vector<16xi32>
      %add3A_540 = arith.addi %add3A_522, %add3A_539 : vector<16xi32>
      %gather3A_541 = tpu.vector_load_idx %arg6[%add3A_540] : memref<121616xf32, #tpu.memory_space<vmem>>[vector<16xi32>], vector<16xf32>,
      %add3A_542 = arith.addf %add3A_537, %gather3A_541 : vector<16xf32>
      %add3A_543 = arith.constant 4 : i32
      %add3A_544 = vector.broadcast %add3A_543 : i32 to vector<16xi32>
      %add3A_545 = arith.addi %add3A_522, %add3A_544 : vector<16xi32>
      %gather3A_546 = tpu.vector_load_idx %arg6[%add3A_545] : memref<121616xf32, #tpu.memory_space<vmem>>[vector<16xi32>], vector<16xf32>,
      %add3A_547 = arith.addf %add3A_542, %gather3A_546 : vector<16xf32>
      %add3A_548 = arith.constant 5 : i32
      %add3A_549 = vector.broadcast %add3A_548 : i32 to vector<16xi32>
      %add3A_550 = arith.addi %add3A_522, %add3A_549 : vector<16xi32>
      %gather3A_551 = tpu.vector_load_idx %arg6[%add3A_550] : memref<121616xf32, #tpu.memory_space<vmem>>[vector<16xi32>], vector<16xf32>,
      %add3A_552 = arith.addf %add3A_547, %gather3A_551 : vector<16xf32>
      %add3A_553 = arith.constant 6 : i32
      %add3A_554 = vector.broadcast %add3A_553 : i32 to vector<16xi32>
      %add3A_555 = arith.addi %add3A_522, %add3A_554 : vector<16xi32>
      %gather3A_556 = tpu.vector_load_idx %arg6[%add3A_555] : memref<121616xf32, #tpu.memory_space<vmem>>[vector<16xi32>], vector<16xf32>,
      %add3A_557 = arith.addf %add3A_552, %gather3A_556 : vector<16xf32>
      %add3A_558 = arith.constant 7 : i32
      %add3A_559 = vector.broadcast %add3A_558 : i32 to vector<16xi32>
      %add3A_560 = arith.addi %add3A_522, %add3A_559 : vector<16xi32>
      %gather3A_561 = tpu.vector_load_idx %arg6[%add3A_560] : memref<121616xf32, #tpu.memory_space<vmem>>[vector<16xi32>], vector<16xf32>,
      %add3A_562 = arith.addf %add3A_557, %gather3A_561 : vector<16xf32>
      %add3A_563 = arith.constant 8 : i32
      %add3A_564 = vector.broadcast %add3A_563 : i32 to vector<16xi32>
      %add3A_565 = arith.addi %add3A_522, %add3A_564 : vector<16xi32>
      %gather3A_566 = tpu.vector_load_idx %arg6[%add3A_565] : memref<121616xf32, #tpu.memory_space<vmem>>[vector<16xi32>], vector<16xf32>,
      %add3A_567 = arith.addf %add3A_562, %gather3A_566 : vector<16xf32>
      %add3A_568 = arith.constant 9 : i32
      %add3A_569 = vector.broadcast %add3A_568 : i32 to vector<16xi32>
      %add3A_570 = arith.addi %add3A_522, %add3A_569 : vector<16xi32>
      %gather3A_571 = tpu.vector_load_idx %arg6[%add3A_570] : memref<121616xf32, #tpu.memory_space<vmem>>[vector<16xi32>], vector<16xf32>,
      %add3A_572 = arith.addf %add3A_567, %gather3A_571 : vector<16xf32>
      %add3A_573 = arith.constant 10 : i32
      %add3A_574 = vector.broadcast %add3A_573 : i32 to vector<16xi32>
      %add3A_575 = arith.addi %add3A_522, %add3A_574 : vector<16xi32>
      %gather3A_576 = tpu.vector_load_idx %arg6[%add3A_575] : memref<121616xf32, #tpu.memory_space<vmem>>[vector<16xi32>], vector<16xf32>,
      %add3A_577 = arith.addf %add3A_572, %gather3A_576 : vector<16xf32>
      %add3A_578 = arith.constant 11 : i32
      %add3A_579 = vector.broadcast %add3A_578 : i32 to vector<16xi32>
      %add3A_580 = arith.addi %add3A_522, %add3A_579 : vector<16xi32>
      %gather3A_581 = tpu.vector_load_idx %arg6[%add3A_580] : memref<121616xf32, #tpu.memory_space<vmem>>[vector<16xi32>], vector<16xf32>,
      %add3A_582 = arith.addf %add3A_577, %gather3A_581 : vector<16xf32>
      %add3A_583 = arith.constant 12 : i32
      %add3A_584 = vector.broadcast %add3A_583 : i32 to vector<16xi32>
      %add3A_585 = arith.addi %add3A_522, %add3A_584 : vector<16xi32>
      %gather3A_586 = tpu.vector_load_idx %arg6[%add3A_585] : memref<121616xf32, #tpu.memory_space<vmem>>[vector<16xi32>], vector<16xf32>,
      %add3A_587 = arith.addf %add3A_582, %gather3A_586 : vector<16xf32>
      %add3A_588 = arith.constant 13 : i32
      %add3A_589 = vector.broadcast %add3A_588 : i32 to vector<16xi32>
      %add3A_590 = arith.addi %add3A_522, %add3A_589 : vector<16xi32>
      %gather3A_591 = tpu.vector_load_idx %arg6[%add3A_590] : memref<121616xf32, #tpu.memory_space<vmem>>[vector<16xi32>], vector<16xf32>,
      %add3A_592 = arith.addf %add3A_587, %gather3A_591 : vector<16xf32>
      %add3A_593 = arith.constant 14 : i32
      %add3A_594 = vector.broadcast %add3A_593 : i32 to vector<16xi32>
      %add3A_595 = arith.addi %add3A_522, %add3A_594 : vector<16xi32>
      %gather3A_596 = tpu.vector_load_idx %arg6[%add3A_595] : memref<121616xf32, #tpu.memory_space<vmem>>[vector<16xi32>], vector<16xf32>,
      %add3A_597 = arith.addf %add3A_592, %gather3A_596 : vector<16xf32>
      %add3A_598 = arith.constant 15 : i32
      %add3A_599 = vector.broadcast %add3A_598 : i32 to vector<16xi32>
      %add3A_600 = arith.addi %add3A_522, %add3A_599 : vector<16xi32>
      %gather3A_601 = tpu.vector_load_idx %arg6[%add3A_600] : memref<121616xf32, #tpu.memory_space<vmem>>[vector<16xi32>], vector<16xf32>,
      %add3A_602 = arith.addf %add3A_597, %gather3A_601 : vector<16xf32>
      %mul3A_603 = arith.constant 16 : i32
      %mul3A_604 = arith.muli %scan3A_515, %mul3A_603 : i32
      %swap3A_605 = arith.index_cast %mul3A_604 : i32 to index
      %swap3A_606 = tpu.vector_load %arg6[%swap3A_605] {strides = array<i32>} : memref<121616xf32, #tpu.memory_space<vmem>>, vector<16xf32>,
      tpu.vector_store %arg6[%swap3A_605], %add3A_602 {strides = array<i32>} : memref<121616xf32, #tpu.memory_space<vmem>>, vector<16xf32>,
      %scan3A_607 = arith.constant 3 : i32
      %scan3A_608 = arith.addi %scan3A_329, %scan3A_607 : i32
      %mul3A_609 = arith.constant 256 : i32
      %mul3A_610 = arith.muli %scan3A_608, %mul3A_609 : i32
      %mul3A_611 = arith.constant 16 : i32
      %mul3A_612 = vector.broadcast %mul3A_611 : i32 to vector<16xi32>
      %mul3A_613 = arith.muli %iota3A, %mul3A_612 : vector<16xi32>
      %add3A_614 = vector.broadcast %mul3A_610 : i32 to vector<16xi32>
      %add3A_615 = arith.addi %add3A_614, %mul3A_613 : vector<16xi32>
      %add3A_616 = arith.constant 0 : i32
      %add3A_617 = vector.broadcast %add3A_616 : i32 to vector<16xi32>
      %add3A_618 = arith.addi %add3A_615, %add3A_617 : vector<16xi32>
      %gather3A_619 = tpu.vector_load_idx %arg6[%add3A_618] : memref<121616xf32, #tpu.memory_space<vmem>>[vector<16xi32>], vector<16xf32>,
      %add3A_620 = arith.addf %broadcast_in_dim3A_3, %gather3A_619 : vector<16xf32>
      %add3A_621 = arith.constant 1 : i32
      %add3A_622 = vector.broadcast %add3A_621 : i32 to vector<16xi32>
      %add3A_623 = arith.addi %add3A_615, %add3A_622 : vector<16xi32>
      %gather3A_624 = tpu.vector_load_idx %arg6[%add3A_623] : memref<121616xf32, #tpu.memory_space<vmem>>[vector<16xi32>], vector<16xf32>,
      %add3A_625 = arith.addf %add3A_620, %gather3A_624 : vector<16xf32>
      %add3A_626 = arith.constant 2 : i32
      %add3A_627 = vector.broadcast %add3A_626 : i32 to vector<16xi32>
      %add3A_628 = arith.addi %add3A_615, %add3A_627 : vector<16xi32>
      %gather3A_629 = tpu.vector_load_idx %arg6[%add3A_628] : memref<121616xf32, #tpu.memory_space<vmem>>[vector<16xi32>], vector<16xf32>,
      %add3A_630 = arith.addf %add3A_625, %gather3A_629 : vector<16xf32>
      %add3A_631 = arith.constant 3 : i32
      %add3A_632 = vector.broadcast %add3A_631 : i32 to vector<16xi32>
      %add3A_633 = arith.addi %add3A_615, %add3A_632 : vector<16xi32>
      %gather3A_634 = tpu.vector_load_idx %arg6[%add3A_633] : memref<121616xf32, #tpu.memory_space<vmem>>[vector<16xi32>], vector<16xf32>,
      %add3A_635 = arith.addf %add3A_630, %gather3A_634 : vector<16xf32>
      %add3A_636 = arith.constant 4 : i32
      %add3A_637 = vector.broadcast %add3A_636 : i32 to vector<16xi32>
      %add3A_638 = arith.addi %add3A_615, %add3A_637 : vector<16xi32>
      %gather3A_639 = tpu.vector_load_idx %arg6[%add3A_638] : memref<121616xf32, #tpu.memory_space<vmem>>[vector<16xi32>], vector<16xf32>,
      %add3A_640 = arith.addf %add3A_635, %gather3A_639 : vector<16xf32>
      %add3A_641 = arith.constant 5 : i32
      %add3A_642 = vector.broadcast %add3A_641 : i32 to vector<16xi32>
      %add3A_643 = arith.addi %add3A_615, %add3A_642 : vector<16xi32>
      %gather3A_644 = tpu.vector_load_idx %arg6[%add3A_643] : memref<121616xf32, #tpu.memory_space<vmem>>[vector<16xi32>], vector<16xf32>,
      %add3A_645 = arith.addf %add3A_640, %gather3A_644 : vector<16xf32>
      %add3A_646 = arith.constant 6 : i32
      %add3A_647 = vector.broadcast %add3A_646 : i32 to vector<16xi32>
      %add3A_648 = arith.addi %add3A_615, %add3A_647 : vector<16xi32>
      %gather3A_649 = tpu.vector_load_idx %arg6[%add3A_648] : memref<121616xf32, #tpu.memory_space<vmem>>[vector<16xi32>], vector<16xf32>,
      %add3A_650 = arith.addf %add3A_645, %gather3A_649 : vector<16xf32>
      %add3A_651 = arith.constant 7 : i32
      %add3A_652 = vector.broadcast %add3A_651 : i32 to vector<16xi32>
      %add3A_653 = arith.addi %add3A_615, %add3A_652 : vector<16xi32>
      %gather3A_654 = tpu.vector_load_idx %arg6[%add3A_653] : memref<121616xf32, #tpu.memory_space<vmem>>[vector<16xi32>], vector<16xf32>,
      %add3A_655 = arith.addf %add3A_650, %gather3A_654 : vector<16xf32>
      %add3A_656 = arith.constant 8 : i32
      %add3A_657 = vector.broadcast %add3A_656 : i32 to vector<16xi32>
      %add3A_658 = arith.addi %add3A_615, %add3A_657 : vector<16xi32>
      %gather3A_659 = tpu.vector_load_idx %arg6[%add3A_658] : memref<121616xf32, #tpu.memory_space<vmem>>[vector<16xi32>], vector<16xf32>,
      %add3A_660 = arith.addf %add3A_655, %gather3A_659 : vector<16xf32>
      %add3A_661 = arith.constant 9 : i32
      %add3A_662 = vector.broadcast %add3A_661 : i32 to vector<16xi32>
      %add3A_663 = arith.addi %add3A_615, %add3A_662 : vector<16xi32>
      %gather3A_664 = tpu.vector_load_idx %arg6[%add3A_663] : memref<121616xf32, #tpu.memory_space<vmem>>[vector<16xi32>], vector<16xf32>,
      %add3A_665 = arith.addf %add3A_660, %gather3A_664 : vector<16xf32>
      %add3A_666 = arith.constant 10 : i32
      %add3A_667 = vector.broadcast %add3A_666 : i32 to vector<16xi32>
      %add3A_668 = arith.addi %add3A_615, %add3A_667 : vector<16xi32>
      %gather3A_669 = tpu.vector_load_idx %arg6[%add3A_668] : memref<121616xf32, #tpu.memory_space<vmem>>[vector<16xi32>], vector<16xf32>,
      %add3A_670 = arith.addf %add3A_665, %gather3A_669 : vector<16xf32>
      %add3A_671 = arith.constant 11 : i32
      %add3A_672 = vector.broadcast %add3A_671 : i32 to vector<16xi32>
      %add3A_673 = arith.addi %add3A_615, %add3A_672 : vector<16xi32>
      %gather3A_674 = tpu.vector_load_idx %arg6[%add3A_673] : memref<121616xf32, #tpu.memory_space<vmem>>[vector<16xi32>], vector<16xf32>,
      %add3A_675 = arith.addf %add3A_670, %gather3A_674 : vector<16xf32>
      %add3A_676 = arith.constant 12 : i32
      %add3A_677 = vector.broadcast %add3A_676 : i32 to vector<16xi32>
      %add3A_678 = arith.addi %add3A_615, %add3A_677 : vector<16xi32>
      %gather3A_679 = tpu.vector_load_idx %arg6[%add3A_678] : memref<121616xf32, #tpu.memory_space<vmem>>[vector<16xi32>], vector<16xf32>,
      %add3A_680 = arith.addf %add3A_675, %gather3A_679 : vector<16xf32>
      %add3A_681 = arith.constant 13 : i32
      %add3A_682 = vector.broadcast %add3A_681 : i32 to vector<16xi32>
      %add3A_683 = arith.addi %add3A_615, %add3A_682 : vector<16xi32>
      %gather3A_684 = tpu.vector_load_idx %arg6[%add3A_683] : memref<121616xf32, #tpu.memory_space<vmem>>[vector<16xi32>], vector<16xf32>,
      %add3A_685 = arith.addf %add3A_680, %gather3A_684 : vector<16xf32>
      %add3A_686 = arith.constant 14 : i32
      %add3A_687 = vector.broadcast %add3A_686 : i32 to vector<16xi32>
      %add3A_688 = arith.addi %add3A_615, %add3A_687 : vector<16xi32>
      %gather3A_689 = tpu.vector_load_idx %arg6[%add3A_688] : memref<121616xf32, #tpu.memory_space<vmem>>[vector<16xi32>], vector<16xf32>,
      %add3A_690 = arith.addf %add3A_685, %gather3A_689 : vector<16xf32>
      %add3A_691 = arith.constant 15 : i32
      %add3A_692 = vector.broadcast %add3A_691 : i32 to vector<16xi32>
      %add3A_693 = arith.addi %add3A_615, %add3A_692 : vector<16xi32>
      %gather3A_694 = tpu.vector_load_idx %arg6[%add3A_693] : memref<121616xf32, #tpu.memory_space<vmem>>[vector<16xi32>], vector<16xf32>,
      %add3A_695 = arith.addf %add3A_690, %gather3A_694 : vector<16xf32>
      %mul3A_696 = arith.constant 16 : i32
      %mul3A_697 = arith.muli %scan3A_608, %mul3A_696 : i32
      %swap3A_698 = arith.index_cast %mul3A_697 : i32 to index
      %swap3A_699 = tpu.vector_load %arg6[%swap3A_698] {strides = array<i32>} : memref<121616xf32, #tpu.memory_space<vmem>>, vector<16xf32>,
      tpu.vector_store %arg6[%swap3A_698], %add3A_695 {strides = array<i32>} : memref<121616xf32, #tpu.memory_space<vmem>>, vector<16xf32>,
    }
    %scan3A_48 = arith.constant 472 : i32
    %scan3A_49 = arith.addi %scan3A_44, %scan3A_48 : i32
    %mul3A_50 = arith.constant 256 : i32
    %mul3A_51 = arith.muli %scan3A_49, %mul3A_50 : i32
    %mul3A_52 = arith.constant 16 : i32
    %mul3A_53 = vector.broadcast %mul3A_52 : i32 to vector<16xi32>
    %mul3A_54 = arith.muli %iota3A, %mul3A_53 : vector<16xi32>
    %add3A_55 = vector.broadcast %mul3A_51 : i32 to vector<16xi32>
    %add3A_56 = arith.addi %add3A_55, %mul3A_54 : vector<16xi32>
    %add3A_57 = arith.constant 0 : i32
    %add3A_58 = vector.broadcast %add3A_57 : i32 to vector<16xi32>
    %add3A_59 = arith.addi %add3A_56, %add3A_58 : vector<16xi32>
    %gather3A = tpu.vector_load_idx %arg6[%add3A_59] : memref<121616xf32, #tpu.memory_space<vmem>>[vector<16xi32>], vector<16xf32>,
    %add3A_60 = arith.addf %broadcast_in_dim3A_3, %gather3A : vector<16xf32>
    %add3A_61 = arith.constant 1 : i32
    %add3A_62 = vector.broadcast %add3A_61 : i32 to vector<16xi32>
    %add3A_63 = arith.addi %add3A_56, %add3A_62 : vector<16xi32>
    %gather3A_64 = tpu.vector_load_idx %arg6[%add3A_63] : memref<121616xf32, #tpu.memory_space<vmem>>[vector<16xi32>], vector<16xf32>,
    %add3A_65 = arith.addf %add3A_60, %gather3A_64 : vector<16xf32>
    %add3A_66 = arith.constant 2 : i32
    %add3A_67 = vector.broadcast %add3A_66 : i32 to vector<16xi32>
    %add3A_68 = arith.addi %add3A_56, %add3A_67 : vector<16xi32>
    %gather3A_69 = tpu.vector_load_idx %arg6[%add3A_68] : memref<121616xf32, #tpu.memory_space<vmem>>[vector<16xi32>], vector<16xf32>,
    %add3A_70 = arith.addf %add3A_65, %gather3A_69 : vector<16xf32>
    %add3A_71 = arith.constant 3 : i32
    %add3A_72 = vector.broadcast %add3A_71 : i32 to vector<16xi32>
    %add3A_73 = arith.addi %add3A_56, %add3A_72 : vector<16xi32>
    %gather3A_74 = tpu.vector_load_idx %arg6[%add3A_73] : memref<121616xf32, #tpu.memory_space<vmem>>[vector<16xi32>], vector<16xf32>,
    %add3A_75 = arith.addf %add3A_70, %gather3A_74 : vector<16xf32>
    %add3A_76 = arith.constant 4 : i32
    %add3A_77 = vector.broadcast %add3A_76 : i32 to vector<16xi32>
    %add3A_78 = arith.addi %add3A_56, %add3A_77 : vector<16xi32>
    %gather3A_79 = tpu.vector_load_idx %arg6[%add3A_78] : memref<121616xf32, #tpu.memory_space<vmem>>[vector<16xi32>], vector<16xf32>,
    %add3A_80 = arith.addf %add3A_75, %gather3A_79 : vector<16xf32>
    %add3A_81 = arith.constant 5 : i32
    %add3A_82 = vector.broadcast %add3A_81 : i32 to vector<16xi32>
    %add3A_83 = arith.addi %add3A_56, %add3A_82 : vector<16xi32>
    %gather3A_84 = tpu.vector_load_idx %arg6[%add3A_83] : memref<121616xf32, #tpu.memory_space<vmem>>[vector<16xi32>], vector<16xf32>,
    %add3A_85 = arith.addf %add3A_80, %gather3A_84 : vector<16xf32>
    %add3A_86 = arith.constant 6 : i32
    %add3A_87 = vector.broadcast %add3A_86 : i32 to vector<16xi32>
    %add3A_88 = arith.addi %add3A_56, %add3A_87 : vector<16xi32>
    %gather3A_89 = tpu.vector_load_idx %arg6[%add3A_88] : memref<121616xf32, #tpu.memory_space<vmem>>[vector<16xi32>], vector<16xf32>,
    %add3A_90 = arith.addf %add3A_85, %gather3A_89 : vector<16xf32>
    %add3A_91 = arith.constant 7 : i32
    %add3A_92 = vector.broadcast %add3A_91 : i32 to vector<16xi32>
    %add3A_93 = arith.addi %add3A_56, %add3A_92 : vector<16xi32>
    %gather3A_94 = tpu.vector_load_idx %arg6[%add3A_93] : memref<121616xf32, #tpu.memory_space<vmem>>[vector<16xi32>], vector<16xf32>,
    %add3A_95 = arith.addf %add3A_90, %gather3A_94 : vector<16xf32>
    %add3A_96 = arith.constant 8 : i32
    %add3A_97 = vector.broadcast %add3A_96 : i32 to vector<16xi32>
    %add3A_98 = arith.addi %add3A_56, %add3A_97 : vector<16xi32>
    %gather3A_99 = tpu.vector_load_idx %arg6[%add3A_98] : memref<121616xf32, #tpu.memory_space<vmem>>[vector<16xi32>], vector<16xf32>,
    %add3A_100 = arith.addf %add3A_95, %gather3A_99 : vector<16xf32>
    %add3A_101 = arith.constant 9 : i32
    %add3A_102 = vector.broadcast %add3A_101 : i32 to vector<16xi32>
    %add3A_103 = arith.addi %add3A_56, %add3A_102 : vector<16xi32>
    %gather3A_104 = tpu.vector_load_idx %arg6[%add3A_103] : memref<121616xf32, #tpu.memory_space<vmem>>[vector<16xi32>], vector<16xf32>,
    %add3A_105 = arith.addf %add3A_100, %gather3A_104 : vector<16xf32>
    %add3A_106 = arith.constant 10 : i32
    %add3A_107 = vector.broadcast %add3A_106 : i32 to vector<16xi32>
    %add3A_108 = arith.addi %add3A_56, %add3A_107 : vector<16xi32>
    %gather3A_109 = tpu.vector_load_idx %arg6[%add3A_108] : memref<121616xf32, #tpu.memory_space<vmem>>[vector<16xi32>], vector<16xf32>,
    %add3A_110 = arith.addf %add3A_105, %gather3A_109 : vector<16xf32>
    %add3A_111 = arith.constant 11 : i32
    %add3A_112 = vector.broadcast %add3A_111 : i32 to vector<16xi32>
    %add3A_113 = arith.addi %add3A_56, %add3A_112 : vector<16xi32>
    %gather3A_114 = tpu.vector_load_idx %arg6[%add3A_113] : memref<121616xf32, #tpu.memory_space<vmem>>[vector<16xi32>], vector<16xf32>,
    %add3A_115 = arith.addf %add3A_110, %gather3A_114 : vector<16xf32>
    %add3A_116 = arith.constant 12 : i32
    %add3A_117 = vector.broadcast %add3A_116 : i32 to vector<16xi32>
    %add3A_118 = arith.addi %add3A_56, %add3A_117 : vector<16xi32>
    %gather3A_119 = tpu.vector_load_idx %arg6[%add3A_118] : memref<121616xf32, #tpu.memory_space<vmem>>[vector<16xi32>], vector<16xf32>,
    %add3A_120 = arith.addf %add3A_115, %gather3A_119 : vector<16xf32>
    %add3A_121 = arith.constant 13 : i32
    %add3A_122 = vector.broadcast %add3A_121 : i32 to vector<16xi32>
    %add3A_123 = arith.addi %add3A_56, %add3A_122 : vector<16xi32>
    %gather3A_124 = tpu.vector_load_idx %arg6[%add3A_123] : memref<121616xf32, #tpu.memory_space<vmem>>[vector<16xi32>], vector<16xf32>,
    %add3A_125 = arith.addf %add3A_120, %gather3A_124 : vector<16xf32>
    %add3A_126 = arith.constant 14 : i32
    %add3A_127 = vector.broadcast %add3A_126 : i32 to vector<16xi32>
    %add3A_128 = arith.addi %add3A_56, %add3A_127 : vector<16xi32>
    %gather3A_129 = tpu.vector_load_idx %arg6[%add3A_128] : memref<121616xf32, #tpu.memory_space<vmem>>[vector<16xi32>], vector<16xf32>,
    %add3A_130 = arith.addf %add3A_125, %gather3A_129 : vector<16xf32>
    %add3A_131 = arith.constant 15 : i32
    %add3A_132 = vector.broadcast %add3A_131 : i32 to vector<16xi32>
    %add3A_133 = arith.addi %add3A_56, %add3A_132 : vector<16xi32>
    %gather3A_134 = tpu.vector_load_idx %arg6[%add3A_133] : memref<121616xf32, #tpu.memory_space<vmem>>[vector<16xi32>], vector<16xf32>,
    %add3A_135 = arith.addf %add3A_130, %gather3A_134 : vector<16xf32>
    %mul3A_136 = arith.constant 16 : i32
    %mul3A_137 = arith.muli %scan3A_49, %mul3A_136 : i32
    %swap3A_138 = arith.index_cast %mul3A_137 : i32 to index
    %swap3A_139 = tpu.vector_load %arg6[%swap3A_138] {strides = array<i32>} : memref<121616xf32, #tpu.memory_space<vmem>>, vector<16xf32>,
    tpu.vector_store %arg6[%swap3A_138], %add3A_135 {strides = array<i32>} : memref<121616xf32, #tpu.memory_space<vmem>>, vector<16xf32>,
    %scan3A_140 = arith.constant 473 : i32
    %scan3A_141 = arith.addi %scan3A_44, %scan3A_140 : i32
    %mul3A_142 = arith.constant 256 : i32
    %mul3A_143 = arith.muli %scan3A_141, %mul3A_142 : i32
    %mul3A_144 = arith.constant 16 : i32
    %mul3A_145 = vector.broadcast %mul3A_144 : i32 to vector<16xi32>
    %mul3A_146 = arith.muli %iota3A, %mul3A_145 : vector<16xi32>
    %add3A_147 = vector.broadcast %mul3A_143 : i32 to vector<16xi32>
    %add3A_148 = arith.addi %add3A_147, %mul3A_146 : vector<16xi32>
    %add3A_149 = arith.constant 0 : i32
    %add3A_150 = vector.broadcast %add3A_149 : i32 to vector<16xi32>
    %add3A_151 = arith.addi %add3A_148, %add3A_150 : vector<16xi32>
    %gather3A_152 = tpu.vector_load_idx %arg6[%add3A_151] : memref<121616xf32, #tpu.memory_space<vmem>>[vector<16xi32>], vector<16xf32>,
    %add3A_153 = arith.addf %broadcast_in_dim3A_3, %gather3A_152 : vector<16xf32>
    %add3A_154 = arith.constant 1 : i32
    %add3A_155 = vector.broadcast %add3A_154 : i32 to vector<16xi32>
    %add3A_156 = arith.addi %add3A_148, %add3A_155 : vector<16xi32>
    %gather3A_157 = tpu.vector_load_idx %arg6[%add3A_156] : memref<121616xf32, #tpu.memory_space<vmem>>[vector<16xi32>], vector<16xf32>,
    %add3A_158 = arith.addf %add3A_153, %gather3A_157 : vector<16xf32>
    %add3A_159 = arith.constant 2 : i32
    %add3A_160 = vector.broadcast %add3A_159 : i32 to vector<16xi32>
    %add3A_161 = arith.addi %add3A_148, %add3A_160 : vector<16xi32>
    %gather3A_162 = tpu.vector_load_idx %arg6[%add3A_161] : memref<121616xf32, #tpu.memory_space<vmem>>[vector<16xi32>], vector<16xf32>,
    %add3A_163 = arith.addf %add3A_158, %gather3A_162 : vector<16xf32>
    %add3A_164 = arith.constant 3 : i32
    %add3A_165 = vector.broadcast %add3A_164 : i32 to vector<16xi32>
    %add3A_166 = arith.addi %add3A_148, %add3A_165 : vector<16xi32>
    %gather3A_167 = tpu.vector_load_idx %arg6[%add3A_166] : memref<121616xf32, #tpu.memory_space<vmem>>[vector<16xi32>], vector<16xf32>,
    %add3A_168 = arith.addf %add3A_163, %gather3A_167 : vector<16xf32>
    %add3A_169 = arith.constant 4 : i32
    %add3A_170 = vector.broadcast %add3A_169 : i32 to vector<16xi32>
    %add3A_171 = arith.addi %add3A_148, %add3A_170 : vector<16xi32>
    %gather3A_172 = tpu.vector_load_idx %arg6[%add3A_171] : memref<121616xf32, #tpu.memory_space<vmem>>[vector<16xi32>], vector<16xf32>,
    %add3A_173 = arith.addf %add3A_168, %gather3A_172 : vector<16xf32>
    %add3A_174 = arith.constant 5 : i32
    %add3A_175 = vector.broadcast %add3A_174 : i32 to vector<16xi32>
    %add3A_176 = arith.addi %add3A_148, %add3A_175 : vector<16xi32>
    %gather3A_177 = tpu.vector_load_idx %arg6[%add3A_176] : memref<121616xf32, #tpu.memory_space<vmem>>[vector<16xi32>], vector<16xf32>,
    %add3A_178 = arith.addf %add3A_173, %gather3A_177 : vector<16xf32>
    %add3A_179 = arith.constant 6 : i32
    %add3A_180 = vector.broadcast %add3A_179 : i32 to vector<16xi32>
    %add3A_181 = arith.addi %add3A_148, %add3A_180 : vector<16xi32>
    %gather3A_182 = tpu.vector_load_idx %arg6[%add3A_181] : memref<121616xf32, #tpu.memory_space<vmem>>[vector<16xi32>], vector<16xf32>,
    %add3A_183 = arith.addf %add3A_178, %gather3A_182 : vector<16xf32>
    %add3A_184 = arith.constant 7 : i32
    %add3A_185 = vector.broadcast %add3A_184 : i32 to vector<16xi32>
    %add3A_186 = arith.addi %add3A_148, %add3A_185 : vector<16xi32>
    %gather3A_187 = tpu.vector_load_idx %arg6[%add3A_186] : memref<121616xf32, #tpu.memory_space<vmem>>[vector<16xi32>], vector<16xf32>,
    %add3A_188 = arith.addf %add3A_183, %gather3A_187 : vector<16xf32>
    %add3A_189 = arith.constant 8 : i32
    %add3A_190 = vector.broadcast %add3A_189 : i32 to vector<16xi32>
    %add3A_191 = arith.addi %add3A_148, %add3A_190 : vector<16xi32>
    %gather3A_192 = tpu.vector_load_idx %arg6[%add3A_191] : memref<121616xf32, #tpu.memory_space<vmem>>[vector<16xi32>], vector<16xf32>,
    %add3A_193 = arith.addf %add3A_188, %gather3A_192 : vector<16xf32>
    %add3A_194 = arith.constant 9 : i32
    %add3A_195 = vector.broadcast %add3A_194 : i32 to vector<16xi32>
    %add3A_196 = arith.addi %add3A_148, %add3A_195 : vector<16xi32>
    %gather3A_197 = tpu.vector_load_idx %arg6[%add3A_196] : memref<121616xf32, #tpu.memory_space<vmem>>[vector<16xi32>], vector<16xf32>,
    %add3A_198 = arith.addf %add3A_193, %gather3A_197 : vector<16xf32>
    %add3A_199 = arith.constant 10 : i32
    %add3A_200 = vector.broadcast %add3A_199 : i32 to vector<16xi32>
    %add3A_201 = arith.addi %add3A_148, %add3A_200 : vector<16xi32>
    %gather3A_202 = tpu.vector_load_idx %arg6[%add3A_201] : memref<121616xf32, #tpu.memory_space<vmem>>[vector<16xi32>], vector<16xf32>,
    %add3A_203 = arith.addf %add3A_198, %gather3A_202 : vector<16xf32>
    %add3A_204 = arith.constant 11 : i32
    %add3A_205 = vector.broadcast %add3A_204 : i32 to vector<16xi32>
    %add3A_206 = arith.addi %add3A_148, %add3A_205 : vector<16xi32>
    %gather3A_207 = tpu.vector_load_idx %arg6[%add3A_206] : memref<121616xf32, #tpu.memory_space<vmem>>[vector<16xi32>], vector<16xf32>,
    %add3A_208 = arith.addf %add3A_203, %gather3A_207 : vector<16xf32>
    %add3A_209 = arith.constant 12 : i32
    %add3A_210 = vector.broadcast %add3A_209 : i32 to vector<16xi32>
    %add3A_211 = arith.addi %add3A_148, %add3A_210 : vector<16xi32>
    %gather3A_212 = tpu.vector_load_idx %arg6[%add3A_211] : memref<121616xf32, #tpu.memory_space<vmem>>[vector<16xi32>], vector<16xf32>,
    %add3A_213 = arith.addf %add3A_208, %gather3A_212 : vector<16xf32>
    %add3A_214 = arith.constant 13 : i32
    %add3A_215 = vector.broadcast %add3A_214 : i32 to vector<16xi32>
    %add3A_216 = arith.addi %add3A_148, %add3A_215 : vector<16xi32>
    %gather3A_217 = tpu.vector_load_idx %arg6[%add3A_216] : memref<121616xf32, #tpu.memory_space<vmem>>[vector<16xi32>], vector<16xf32>,
    %add3A_218 = arith.addf %add3A_213, %gather3A_217 : vector<16xf32>
    %add3A_219 = arith.constant 14 : i32
    %add3A_220 = vector.broadcast %add3A_219 : i32 to vector<16xi32>
    %add3A_221 = arith.addi %add3A_148, %add3A_220 : vector<16xi32>
    %gather3A_222 = tpu.vector_load_idx %arg6[%add3A_221] : memref<121616xf32, #tpu.memory_space<vmem>>[vector<16xi32>], vector<16xf32>,
    %add3A_223 = arith.addf %add3A_218, %gather3A_222 : vector<16xf32>
    %add3A_224 = arith.constant 15 : i32
    %add3A_225 = vector.broadcast %add3A_224 : i32 to vector<16xi32>
    %add3A_226 = arith.addi %add3A_148, %add3A_225 : vector<16xi32>
    %gather3A_227 = tpu.vector_load_idx %arg6[%add3A_226] : memref<121616xf32, #tpu.memory_space<vmem>>[vector<16xi32>], vector<16xf32>,
    %add3A_228 = arith.addf %add3A_223, %gather3A_227 : vector<16xf32>
    %mul3A_229 = arith.constant 16 : i32
    %mul3A_230 = arith.muli %scan3A_141, %mul3A_229 : i32
    %swap3A_231 = arith.index_cast %mul3A_230 : i32 to index
    %swap3A_232 = tpu.vector_load %arg6[%swap3A_231] {strides = array<i32>} : memref<121616xf32, #tpu.memory_space<vmem>>, vector<16xf32>,
    tpu.vector_store %arg6[%swap3A_231], %add3A_228 {strides = array<i32>} : memref<121616xf32, #tpu.memory_space<vmem>>, vector<16xf32>,
    %scan3A_233 = arith.constant 474 : i32
    %scan3A_234 = arith.addi %scan3A_44, %scan3A_233 : i32
    %mul3A_235 = arith.constant 256 : i32
    %mul3A_236 = arith.muli %scan3A_234, %mul3A_235 : i32
    %mul3A_237 = arith.constant 16 : i32
    %mul3A_238 = vector.broadcast %mul3A_237 : i32 to vector<16xi32>
    %mul3A_239 = arith.muli %iota3A, %mul3A_238 : vector<16xi32>
    %add3A_240 = vector.broadcast %mul3A_236 : i32 to vector<16xi32>
    %add3A_241 = arith.addi %add3A_240, %mul3A_239 : vector<16xi32>
    %add3A_242 = arith.constant 0 : i32
    %add3A_243 = vector.broadcast %add3A_242 : i32 to vector<16xi32>
    %add3A_244 = arith.addi %add3A_241, %add3A_243 : vector<16xi32>
    %gather3A_245 = tpu.vector_load_idx %arg6[%add3A_244] : memref<121616xf32, #tpu.memory_space<vmem>>[vector<16xi32>], vector<16xf32>,
    %add3A_246 = arith.addf %broadcast_in_dim3A_3, %gather3A_245 : vector<16xf32>
    %add3A_247 = arith.constant 1 : i32
    %add3A_248 = vector.broadcast %add3A_247 : i32 to vector<16xi32>
    %add3A_249 = arith.addi %add3A_241, %add3A_248 : vector<16xi32>
    %gather3A_250 = tpu.vector_load_idx %arg6[%add3A_249] : memref<121616xf32, #tpu.memory_space<vmem>>[vector<16xi32>], vector<16xf32>,
    %add3A_251 = arith.addf %add3A_246, %gather3A_250 : vector<16xf32>
    %add3A_252 = arith.constant 2 : i32
    %add3A_253 = vector.broadcast %add3A_252 : i32 to vector<16xi32>
    %add3A_254 = arith.addi %add3A_241, %add3A_253 : vector<16xi32>
    %gather3A_255 = tpu.vector_load_idx %arg6[%add3A_254] : memref<121616xf32, #tpu.memory_space<vmem>>[vector<16xi32>], vector<16xf32>,
    %add3A_256 = arith.addf %add3A_251, %gather3A_255 : vector<16xf32>
    %add3A_257 = arith.constant 3 : i32
    %add3A_258 = vector.broadcast %add3A_257 : i32 to vector<16xi32>
    %add3A_259 = arith.addi %add3A_241, %add3A_258 : vector<16xi32>
    %gather3A_260 = tpu.vector_load_idx %arg6[%add3A_259] : memref<121616xf32, #tpu.memory_space<vmem>>[vector<16xi32>], vector<16xf32>,
    %add3A_261 = arith.addf %add3A_256, %gather3A_260 : vector<16xf32>
    %add3A_262 = arith.constant 4 : i32
    %add3A_263 = vector.broadcast %add3A_262 : i32 to vector<16xi32>
    %add3A_264 = arith.addi %add3A_241, %add3A_263 : vector<16xi32>
    %gather3A_265 = tpu.vector_load_idx %arg6[%add3A_264] : memref<121616xf32, #tpu.memory_space<vmem>>[vector<16xi32>], vector<16xf32>,
    %add3A_266 = arith.addf %add3A_261, %gather3A_265 : vector<16xf32>
    %add3A_267 = arith.constant 5 : i32
    %add3A_268 = vector.broadcast %add3A_267 : i32 to vector<16xi32>
    %add3A_269 = arith.addi %add3A_241, %add3A_268 : vector<16xi32>
    %gather3A_270 = tpu.vector_load_idx %arg6[%add3A_269] : memref<121616xf32, #tpu.memory_space<vmem>>[vector<16xi32>], vector<16xf32>,
    %add3A_271 = arith.addf %add3A_266, %gather3A_270 : vector<16xf32>
    %add3A_272 = arith.constant 6 : i32
    %add3A_273 = vector.broadcast %add3A_272 : i32 to vector<16xi32>
    %add3A_274 = arith.addi %add3A_241, %add3A_273 : vector<16xi32>
    %gather3A_275 = tpu.vector_load_idx %arg6[%add3A_274] : memref<121616xf32, #tpu.memory_space<vmem>>[vector<16xi32>], vector<16xf32>,
    %add3A_276 = arith.addf %add3A_271, %gather3A_275 : vector<16xf32>
    %add3A_277 = arith.constant 7 : i32
    %add3A_278 = vector.broadcast %add3A_277 : i32 to vector<16xi32>
    %add3A_279 = arith.addi %add3A_241, %add3A_278 : vector<16xi32>
    %gather3A_280 = tpu.vector_load_idx %arg6[%add3A_279] : memref<121616xf32, #tpu.memory_space<vmem>>[vector<16xi32>], vector<16xf32>,
    %add3A_281 = arith.addf %add3A_276, %gather3A_280 : vector<16xf32>
    %add3A_282 = arith.constant 8 : i32
    %add3A_283 = vector.broadcast %add3A_282 : i32 to vector<16xi32>
    %add3A_284 = arith.addi %add3A_241, %add3A_283 : vector<16xi32>
    %gather3A_285 = tpu.vector_load_idx %arg6[%add3A_284] : memref<121616xf32, #tpu.memory_space<vmem>>[vector<16xi32>], vector<16xf32>,
    %add3A_286 = arith.addf %add3A_281, %gather3A_285 : vector<16xf32>
    %add3A_287 = arith.constant 9 : i32
    %add3A_288 = vector.broadcast %add3A_287 : i32 to vector<16xi32>
    %add3A_289 = arith.addi %add3A_241, %add3A_288 : vector<16xi32>
    %gather3A_290 = tpu.vector_load_idx %arg6[%add3A_289] : memref<121616xf32, #tpu.memory_space<vmem>>[vector<16xi32>], vector<16xf32>,
    %add3A_291 = arith.addf %add3A_286, %gather3A_290 : vector<16xf32>
    %add3A_292 = arith.constant 10 : i32
    %add3A_293 = vector.broadcast %add3A_292 : i32 to vector<16xi32>
    %add3A_294 = arith.addi %add3A_241, %add3A_293 : vector<16xi32>
    %gather3A_295 = tpu.vector_load_idx %arg6[%add3A_294] : memref<121616xf32, #tpu.memory_space<vmem>>[vector<16xi32>], vector<16xf32>,
    %add3A_296 = arith.addf %add3A_291, %gather3A_295 : vector<16xf32>
    %add3A_297 = arith.constant 11 : i32
    %add3A_298 = vector.broadcast %add3A_297 : i32 to vector<16xi32>
    %add3A_299 = arith.addi %add3A_241, %add3A_298 : vector<16xi32>
    %gather3A_300 = tpu.vector_load_idx %arg6[%add3A_299] : memref<121616xf32, #tpu.memory_space<vmem>>[vector<16xi32>], vector<16xf32>,
    %add3A_301 = arith.addf %add3A_296, %gather3A_300 : vector<16xf32>
    %add3A_302 = arith.constant 12 : i32
    %add3A_303 = vector.broadcast %add3A_302 : i32 to vector<16xi32>
    %add3A_304 = arith.addi %add3A_241, %add3A_303 : vector<16xi32>
    %gather3A_305 = tpu.vector_load_idx %arg6[%add3A_304] : memref<121616xf32, #tpu.memory_space<vmem>>[vector<16xi32>], vector<16xf32>,
    %add3A_306 = arith.addf %add3A_301, %gather3A_305 : vector<16xf32>
    %add3A_307 = arith.constant 13 : i32
    %add3A_308 = vector.broadcast %add3A_307 : i32 to vector<16xi32>
    %add3A_309 = arith.addi %add3A_241, %add3A_308 : vector<16xi32>
    %gather3A_310 = tpu.vector_load_idx %arg6[%add3A_309] : memref<121616xf32, #tpu.memory_space<vmem>>[vector<16xi32>], vector<16xf32>,
    %add3A_311 = arith.addf %add3A_306, %gather3A_310 : vector<16xf32>
    %add3A_312 = arith.constant 14 : i32
    %add3A_313 = vector.broadcast %add3A_312 : i32 to vector<16xi32>
    %add3A_314 = arith.addi %add3A_241, %add3A_313 : vector<16xi32>
    %gather3A_315 = tpu.vector_load_idx %arg6[%add3A_314] : memref<121616xf32, #tpu.memory_space<vmem>>[vector<16xi32>], vector<16xf32>,
    %add3A_316 = arith.addf %add3A_311, %gather3A_315 : vector<16xf32>
    %add3A_317 = arith.constant 15 : i32
    %add3A_318 = vector.broadcast %add3A_317 : i32 to vector<16xi32>
    %add3A_319 = arith.addi %add3A_241, %add3A_318 : vector<16xi32>
    %gather3A_320 = tpu.vector_load_idx %arg6[%add3A_319] : memref<121616xf32, #tpu.memory_space<vmem>>[vector<16xi32>], vector<16xf32>,
    %add3A_321 = arith.addf %add3A_316, %gather3A_320 : vector<16xf32>
    %mul3A_322 = arith.constant 16 : i32
    %mul3A_323 = arith.muli %scan3A_234, %mul3A_322 : i32
    %swap3A_324 = arith.index_cast %mul3A_323 : i32 to index
    %swap3A_325 = tpu.vector_load %arg6[%swap3A_324] {strides = array<i32>} : memref<121616xf32, #tpu.memory_space<vmem>>, vector<16xf32>,
    tpu.vector_store %arg6[%swap3A_324], %add3A_321 {strides = array<i32>} : memref<121616xf32, #tpu.memory_space<vmem>>, vector<16xf32>,
    %scan3A_326 = arith.constant 475 : i32
    %mul3A_327 = arith.constant 7600 : i32
    %mul3A_328 = arith.muli %add3A, %mul3A_327 : i32
    "tpu.region"() ({
      %run_scoped3A = tpu.sem_alloc : memref<!tpu.dma_semaphore, #tpu.memory_space<semaphore_mem>>
      %dma_start3A_329 = arith.constant 0 : i32
      %dma_start3A_330 = tpu.memref_slice %arg6[%dma_start3A_329] : memref<121616xf32, #tpu.memory_space<vmem>> -> memref<7600xf32, #tpu.memory_space<vmem>>
      %dma_start3A_331 = tpu.memref_slice %arg3[%mul3A_328] : memref<243200xf32, #tpu.memory_space<hbm>> -> memref<7600xf32, #tpu.memory_space<hbm>>
      %dma_start3A_332 = tpu.memref_slice %arg3[%mul3A_328] : memref<243200xf32, #tpu.memory_space<hbm>> -> memref<7600xf32, #tpu.memory_space<hbm>>
      %dma_start3A_333 = arith.constant 0 : i32
      %dma_start3A_334 = tpu.memref_slice %arg6[%dma_start3A_333] : memref<121616xf32, #tpu.memory_space<vmem>> -> memref<7600xf32, #tpu.memory_space<vmem>>
      tpu.enqueue_dma source(%dma_start3A_334 : memref<7600xf32, #tpu.memory_space<vmem>>) target(%dma_start3A_332 : memref<7600xf32, #tpu.memory_space<hbm>>) target_semaphore(%run_scoped3A : memref<!tpu.dma_semaphore, #tpu.memory_space<semaphore_mem>>)
      %dma_wait3A_335 = arith.constant 0 : i32
      %dma_wait3A_336 = tpu.memref_slice %arg6[%dma_wait3A_335] : memref<121616xf32, #tpu.memory_space<vmem>> -> memref<7600xf32, #tpu.memory_space<vmem>>
      %dma_wait3A_337 = tpu.memref_slice %arg3[%mul3A_328] : memref<243200xf32, #tpu.memory_space<hbm>> -> memref<7600xf32, #tpu.memory_space<hbm>>
      %dma_wait3A_338 = tpu.memref_slice %arg3[%mul3A_328] : memref<243200xf32, #tpu.memory_space<hbm>> -> memref<7600xf32, #tpu.memory_space<hbm>>
      %dma_wait3A_339 = arith.constant 0 : i32
      %dma_wait3A_340 = tpu.memref_slice %arg6[%dma_wait3A_339] : memref<121616xf32, #tpu.memory_space<vmem>> -> memref<7600xf32, #tpu.memory_space<vmem>>
      tpu.wait_dma2 semaphore(%run_scoped3A : memref<!tpu.dma_semaphore, #tpu.memory_space<semaphore_mem>>) src(%dma_wait3A_340 : memref<7600xf32, #tpu.memory_space<vmem>>) dst(%dma_wait3A_338 : memref<7600xf32, #tpu.memory_space<hbm>>)
      tpu.yield
    }) : () -> ()
    return
  }
}

module attributes {stable_mosaic.version = 14 : i64} {
  func.func @_stage1_body(%arg0: i32, %arg1: i32, %arg2: memref<1x19x16x512xf32, #tpu.memory_space<vmem>>, %arg3: memref<1x16x512xi32, #tpu.memory_space<vmem>>, %arg4: memref<1x19x16x256xi32, #tpu.memory_space<vmem>>, %arg5: memref<19x512xf32, #tpu.memory_space<vmem>>, %arg6: memref<19x512xf32, #tpu.memory_space<vmem>>, %arg7: memref<16x512xf32, #tpu.memory_space<vmem>>) attributes {dimension_semantics = [#tpu.dimension_semantics<arbitrary>, #tpu.dimension_semantics<arbitrary>], iteration_bounds = array<i64: 4, 32>, scalar_prefetch = 0 : i64, scratch_operands = 0 : i64, tpu.core_type = #tpu.core_type<tc>, window_params = [{transform_indices = @transform_0, window_bounds = array<i64: 1, 19, 16, 512>}, {transform_indices = @transform_1, window_bounds = array<i64: 1, 16, 512>}, {transform_indices = @transform_2, window_bounds = array<i64: 1, 19, 16, 256>}, {pipeline_mode = #tpu.pipeline_mode<synchronous>, transform_indices = @transform_3, window_bounds = array<i64: 19, 512>}, {pipeline_mode = #tpu.pipeline_mode<synchronous>, transform_indices = @transform_4, window_bounds = array<i64: 19, 512>}, {pipeline_mode = #tpu.pipeline_mode<synchronous>, transform_indices = @transform_5, window_bounds = array<i64: 16, 512>}]} {
    %get3A = arith.constant 0 : index
    %get3A_0 = arith.constant 0 : index
    %get3A_1 = arith.constant 0 : index
    %get3A_2 = arith.constant 0 : index
    %get3A_3 = vector.load %arg2[%get3A, %get3A_0, %get3A_1, %get3A_2] : memref<1x19x16x512xf32, #tpu.memory_space<vmem>>, vector<1x19x16x512xf32>
    %get3A_4 = vector.shape_cast %get3A_3 : vector<1x19x16x512xf32> to vector<19x16x512xf32>
    %get3A_5 = arith.constant 0 : index
    %get3A_6 = arith.constant 0 : index
    %get3A_7 = arith.constant 0 : index
    %get3A_8 = vector.load %arg3[%get3A_5, %get3A_6, %get3A_7] : memref<1x16x512xi32, #tpu.memory_space<vmem>>, vector<1x16x512xi32>
    %get3A_9 = vector.shape_cast %get3A_8 : vector<1x16x512xi32> to vector<16x512xi32>
    %iota3A = tpu.iota {dimensions = array<i32: 0>} : vector<19x16x512xi32>
    %broadcast_in_dim3A = vector.shape_cast %get3A_9 : vector<16x512xi32> to vector<1x16x512xi32>
    %eq3A = vector.broadcast %broadcast_in_dim3A : vector<1x16x512xi32> to vector<19x16x512xi32>
    %eq3A_10 = arith.cmpi eq, %eq3A, %iota3A : vector<19x16x512xi32>
    %reduce_max3A = arith.constant dense<0xFF800000> : vector<16x512xf32>
    %reduce_max3A_11 = vector.multi_reduction <maximumf>, %get3A_4, %reduce_max3A [0] : vector<19x16x512xf32> to vector<16x512xf32>
    %broadcast_in_dim3A_12 = vector.shape_cast %reduce_max3A_11 : vector<16x512xf32> to vector<1x16x512xf32>
    %sub3A = vector.broadcast %broadcast_in_dim3A_12 : vector<1x16x512xf32> to vector<19x16x512xf32>
    %sub3A_13 = arith.subf %get3A_4, %sub3A : vector<19x16x512xf32>
    %exp3A = math.exp %sub3A_13 : vector<19x16x512xf32>
    %reduce_sum3A = arith.constant dense<0.000000e+00> : vector<16x512xf32>
    %reduce_sum3A_14 = vector.multi_reduction <add>, %exp3A, %reduce_sum3A [0] : vector<19x16x512xf32> to vector<16x512xf32>
    %div3A = arith.constant 1.000000e+00 : f32
    %div3A_15 = vector.broadcast %div3A : f32 to vector<16x512xf32>
    %div3A_16 = arith.divf %div3A_15, %reduce_sum3A_14 : vector<16x512xf32>
    %log3A = math.log %reduce_sum3A_14 : vector<16x512xf32>
    %add3A = arith.addf %reduce_max3A_11, %log3A : vector<16x512xf32>
    %jit3A = arith.constant 0.000000e+00 : f32
    %broadcast_in_dim3A_17 = vector.broadcast %jit3A : f32 to vector<19x16x512xf32>
    %select_n3A = arith.select %eq3A_10, %exp3A, %broadcast_in_dim3A_17 : vector<19x16x512xi1>, vector<19x16x512xf32>
    %broadcast_in_dim3A_18 = vector.shape_cast %div3A_16 : vector<16x512xf32> to vector<1x16x512xf32>
    %mul3A = vector.broadcast %broadcast_in_dim3A_18 : vector<1x16x512xf32> to vector<19x16x512xf32>
    %mul3A_19 = arith.mulf %select_n3A, %mul3A : vector<19x16x512xf32>
    %reduce_sum3A_20 = arith.constant dense<0.000000e+00> : vector<16x512xf32>
    %reduce_sum3A_21 = vector.multi_reduction <add>, %mul3A_19, %reduce_sum3A_20 [0] : vector<19x16x512xf32> to vector<16x512xf32>
    %jit3A_22 = arith.constant 0.000000e+00 : f32
    %broadcast_in_dim3A_23 = vector.broadcast %jit3A_22 : f32 to vector<19x16x512xf32>
    %select_n3A_24 = arith.select %eq3A_10, %get3A_4, %broadcast_in_dim3A_23 : vector<19x16x512xi1>, vector<19x16x512xf32>
    %reduce_sum3A_25 = arith.constant dense<0.000000e+00> : vector<16x512xf32>
    %reduce_sum3A_26 = vector.multi_reduction <add>, %select_n3A_24, %reduce_sum3A_25 [0] : vector<19x16x512xf32> to vector<16x512xf32>
    %sub3A_27 = arith.subf %reduce_sum3A_26, %add3A : vector<16x512xf32>
    %sub3A_28 = arith.constant 1.000000e+00 : f32
    %sub3A_29 = vector.broadcast %sub3A_28 : f32 to vector<16x512xf32>
    %sub3A_30 = arith.subf %sub3A_29, %reduce_sum3A_21 : vector<16x512xf32>
    %integer_pow3A = arith.mulf %sub3A_30, %sub3A_30 : vector<16x512xf32>
    %neg3A = arith.constant 0.000000e+00 : f32
    %neg3A_31 = vector.broadcast %neg3A : f32 to vector<16x512xf32>
    %neg3A_32 = arith.subf %neg3A_31, %sub3A_27 : vector<16x512xf32>
    %mul3A_33 = arith.mulf %integer_pow3A, %neg3A_32 : vector<16x512xf32>
    %mul3A_34 = arith.constant 4.000000e+02 : f32
    %mul3A_35 = vector.broadcast %mul3A_34 : f32 to vector<16x512xf32>
    %mul3A_36 = arith.mulf %mul3A_35, %div3A_16 : vector<16x512xf32>
    %broadcast_in_dim3A_37 = vector.shape_cast %mul3A_36 : vector<16x512xf32> to vector<1x16x512xf32>
    %mul3A_38 = vector.broadcast %broadcast_in_dim3A_37 : vector<1x16x512xf32> to vector<19x16x512xf32>
    %mul3A_39 = arith.mulf %exp3A, %mul3A_38 : vector<19x16x512xf32>
    %convert_element_type3A = arith.fptosi %mul3A_39 : vector<19x16x512xf32> to vector<19x16x512xi32>
    %min3A = arith.constant 399 : i32
    %min3A_40 = vector.broadcast %min3A : i32 to vector<19x16x512xi32>
    %min3A_41 = arith.minsi %convert_element_type3A, %min3A_40 : vector<19x16x512xi32>
    %mul3A_42 = arith.constant 400 : i32
    %mul3A_43 = vector.broadcast %mul3A_42 : i32 to vector<19x16x512xi32>
    %mul3A_44 = arith.muli %iota3A, %mul3A_43 : vector<19x16x512xi32>
    %add3A_45 = arith.addi %mul3A_44, %min3A_41 : vector<19x16x512xi32>
    %jit3A_46 = arith.constant 7600 : i32
    %broadcast_in_dim3A_47 = vector.broadcast %jit3A_46 : i32 to vector<19x16x512xi32>
    %select_n3A_48 = arith.select %eq3A_10, %broadcast_in_dim3A_47, %add3A_45 : vector<19x16x512xi1>, vector<19x16x512xi32>
    %slice3A = vector.extract_strided_slice %select_n3A_48 {offsets = [0, 0, 0], sizes = [19, 16, 256], strides = [1, 1, 1]} : vector<19x16x512xi32> to vector<19x16x256xi32>
    %slice3A_49 = vector.extract_strided_slice %select_n3A_48 {offsets = [0, 0, 256], sizes = [19, 16, 256], strides = [1, 1, 1]} : vector<19x16x512xi32> to vector<19x16x256xi32>
    %shift_left3A = arith.constant 16 : i32
    %shift_left3A_50 = vector.broadcast %shift_left3A : i32 to vector<19x16x256xi32>
    %shift_left3A_51 = arith.shli %slice3A_49, %shift_left3A_50 : vector<19x16x256xi32>
    %or3A = arith.ori %slice3A, %shift_left3A_51 : vector<19x16x256xi32>
    %broadcast_in_dim3A_52 = vector.shape_cast %or3A : vector<19x16x256xi32> to vector<1x19x16x256xi32>
    %swap3A = arith.constant 0 : index
    %swap3A_53 = arith.constant 0 : index
    %swap3A_54 = arith.constant 0 : index
    %swap3A_55 = arith.constant 0 : index
    %swap3A_56 = vector.load %arg4[%swap3A, %swap3A_53, %swap3A_54, %swap3A_55] : memref<1x19x16x256xi32, #tpu.memory_space<vmem>>, vector<1x19x16x256xi32>
    tpu.vector_store %arg4[%swap3A, %swap3A_53, %swap3A_54, %swap3A_55], %broadcast_in_dim3A_52 {strides = array<i32>} : memref<1x19x16x256xi32, #tpu.memory_space<vmem>>, vector<1x19x16x256xi32>,
    %convert_element_type3A_57 = arith.extui %eq3A_10 : vector<19x16x512xi1> to vector<19x16x512xi32>
    %convert_element_type3A_58 = arith.sitofp %convert_element_type3A_57 : vector<19x16x512xi32> to vector<19x16x512xf32>
    %reduce_sum3A_59 = arith.constant dense<0.000000e+00> : vector<19x512xf32>
    %reduce_sum3A_60 = vector.multi_reduction <add>, %convert_element_type3A_58, %reduce_sum3A_59 [1] : vector<19x16x512xf32> to vector<19x512xf32>
    %reduce_sum3A_61 = arith.constant dense<0.000000e+00> : vector<19x512xf32>
    %reduce_sum3A_62 = vector.multi_reduction <add>, %mul3A_19, %reduce_sum3A_61 [1] : vector<19x16x512xf32> to vector<19x512xf32>
    %eq3A_63 = arith.constant 0 : i32
    %eq3A_64 = arith.cmpi eq, %arg0, %eq3A_63 : i32
    %eq3A_65 = arith.constant 0 : i32
    %eq3A_66 = arith.cmpi eq, %arg1, %eq3A_65 : i32
    %and3A = arith.andi %eq3A_64, %eq3A_66 : i1
    %convert_element_type3A_67 = arith.extui %and3A : i1 to i32
    %cond3A = arith.constant 0 : i32
    %cond3A_68 = arith.cmpi ne, %convert_element_type3A_67, %cond3A : i32
    scf.if %cond3A_68 {
      %broadcast_in_dim3A_90 = arith.constant 0.000000e+00 : f32
      %broadcast_in_dim3A_91 = vector.broadcast %broadcast_in_dim3A_90 : f32 to vector<19x512xf32>
      %swap3A_92 = arith.constant 0 : index
      %swap3A_93 = arith.constant 0 : index
      %swap3A_94 = vector.load %arg5[%swap3A_92, %swap3A_93] : memref<19x512xf32, #tpu.memory_space<vmem>>, vector<19x512xf32>
      tpu.vector_store %arg5[%swap3A_92, %swap3A_93], %broadcast_in_dim3A_91 {strides = array<i32>} : memref<19x512xf32, #tpu.memory_space<vmem>>, vector<19x512xf32>,
      %broadcast_in_dim3A_95 = arith.constant 0.000000e+00 : f32
      %broadcast_in_dim3A_96 = vector.broadcast %broadcast_in_dim3A_95 : f32 to vector<19x512xf32>
      %swap3A_97 = arith.constant 0 : index
      %swap3A_98 = arith.constant 0 : index
      %swap3A_99 = vector.load %arg6[%swap3A_97, %swap3A_98] : memref<19x512xf32, #tpu.memory_space<vmem>>, vector<19x512xf32>
      tpu.vector_store %arg6[%swap3A_97, %swap3A_98], %broadcast_in_dim3A_96 {strides = array<i32>} : memref<19x512xf32, #tpu.memory_space<vmem>>, vector<19x512xf32>,
      %broadcast_in_dim3A_100 = arith.constant 0.000000e+00 : f32
      %broadcast_in_dim3A_101 = vector.broadcast %broadcast_in_dim3A_100 : f32 to vector<16x512xf32>
      %swap3A_102 = arith.constant 0 : index
      %swap3A_103 = arith.constant 0 : index
      %swap3A_104 = vector.load %arg7[%swap3A_102, %swap3A_103] : memref<16x512xf32, #tpu.memory_space<vmem>>, vector<16x512xf32>
      tpu.vector_store %arg7[%swap3A_102, %swap3A_103], %broadcast_in_dim3A_101 {strides = array<i32>} : memref<16x512xf32, #tpu.memory_space<vmem>>, vector<16x512xf32>,
    } else {
    }
    %get3A_69 = arith.constant 0 : index
    %get3A_70 = arith.constant 0 : index
    %get3A_71 = vector.load %arg5[%get3A_69, %get3A_70] : memref<19x512xf32, #tpu.memory_space<vmem>>, vector<19x512xf32>
    %add3A_72 = arith.addf %get3A_71, %reduce_sum3A_60 : vector<19x512xf32>
    %swap3A_73 = arith.constant 0 : index
    %swap3A_74 = arith.constant 0 : index
    %swap3A_75 = vector.load %arg5[%swap3A_73, %swap3A_74] : memref<19x512xf32, #tpu.memory_space<vmem>>, vector<19x512xf32>
    tpu.vector_store %arg5[%swap3A_73, %swap3A_74], %add3A_72 {strides = array<i32>} : memref<19x512xf32, #tpu.memory_space<vmem>>, vector<19x512xf32>,
    %get3A_76 = arith.constant 0 : index
    %get3A_77 = arith.constant 0 : index
    %get3A_78 = vector.load %arg6[%get3A_76, %get3A_77] : memref<19x512xf32, #tpu.memory_space<vmem>>, vector<19x512xf32>
    %add3A_79 = arith.addf %get3A_78, %reduce_sum3A_62 : vector<19x512xf32>
    %swap3A_80 = arith.constant 0 : index
    %swap3A_81 = arith.constant 0 : index
    %swap3A_82 = vector.load %arg6[%swap3A_80, %swap3A_81] : memref<19x512xf32, #tpu.memory_space<vmem>>, vector<19x512xf32>
    tpu.vector_store %arg6[%swap3A_80, %swap3A_81], %add3A_79 {strides = array<i32>} : memref<19x512xf32, #tpu.memory_space<vmem>>, vector<19x512xf32>,
    %get3A_83 = arith.constant 0 : index
    %get3A_84 = arith.constant 0 : index
    %get3A_85 = vector.load %arg7[%get3A_83, %get3A_84] : memref<16x512xf32, #tpu.memory_space<vmem>>, vector<16x512xf32>
    %add3A_86 = arith.addf %get3A_85, %mul3A_33 : vector<16x512xf32>
    %swap3A_87 = arith.constant 0 : index
    %swap3A_88 = arith.constant 0 : index
    %swap3A_89 = vector.load %arg7[%swap3A_87, %swap3A_88] : memref<16x512xf32, #tpu.memory_space<vmem>>, vector<16x512xf32>
    tpu.vector_store %arg7[%swap3A_87, %swap3A_88], %add3A_86 {strides = array<i32>} : memref<16x512xf32, #tpu.memory_space<vmem>>, vector<16x512xf32>,
    return
  }
  func.func @transform_0(%arg0: i32, %arg1: i32) -> (i32, i32, i32, i32) {
    %add3A = arith.constant 0 : i32
    %add3A_0 = arith.addi %add3A, %arg0 : i32
    %c0_i32 = arith.constant 0 : i32
    %c0_i32_1 = arith.constant 0 : i32
    %c0_i32_2 = arith.constant 0 : i32
    return %add3A_0, %c0_i32, %arg1, %c0_i32_1 : i32, i32, i32, i32
  }
  func.func @transform_1(%arg0: i32, %arg1: i32) -> (i32, i32, i32) {
    %add3A = arith.constant 0 : i32
    %add3A_0 = arith.addi %add3A, %arg0 : i32
    %c0_i32 = arith.constant 0 : i32
    %c0_i32_1 = arith.constant 0 : i32
    return %add3A_0, %arg1, %c0_i32 : i32, i32, i32
  }
  func.func @transform_2(%arg0: i32, %arg1: i32) -> (i32, i32, i32, i32) {
    %c0_i32 = arith.constant 0 : i32
    %c0_i32_0 = arith.constant 0 : i32
    %c0_i32_1 = arith.constant 0 : i32
    return %arg0, %c0_i32, %arg1, %c0_i32_0 : i32, i32, i32, i32
  }
  func.func @transform_3(%arg0: i32, %arg1: i32) -> (i32, i32) {
    %c0_i32 = arith.constant 0 : i32
    %c0_i32_0 = arith.constant 0 : i32
    %c0_i32_1 = arith.constant 0 : i32
    return %c0_i32, %c0_i32_0 : i32, i32
  }
  func.func @transform_4(%arg0: i32, %arg1: i32) -> (i32, i32) {
    %c0_i32 = arith.constant 0 : i32
    %c0_i32_0 = arith.constant 0 : i32
    %c0_i32_1 = arith.constant 0 : i32
    return %c0_i32, %c0_i32_0 : i32, i32
  }
  func.func @transform_5(%arg0: i32, %arg1: i32) -> (i32, i32) {
    %c0_i32 = arith.constant 0 : i32
    %c0_i32_0 = arith.constant 0 : i32
    %c0_i32_1 = arith.constant 0 : i32
    return %c0_i32, %c0_i32_0 : i32, i32
  }
}

module attributes {stable_mosaic.version = 14 : i64} {
  func.func @_stage3_body(%arg0: memref<32x19x400xf32, #tpu.memory_space<vmem>>, %arg1: memref<1x19x512xf32, #tpu.memory_space<vmem>>, %arg2: memref<1x19x512xf32, #tpu.memory_space<vmem>>, %arg3: memref<1x16x512xf32, #tpu.memory_space<vmem>>, %arg4: memref<1x1xf32, #tpu.memory_space<vmem>>) attributes {dimension_semantics = [], scalar_prefetch = 0 : i64, scratch_operands = 0 : i64, tpu.core_type = #tpu.core_type<tc>} {
    %get3A = arith.constant 0 : index
    %get3A_0 = arith.constant 0 : index
    %get3A_1 = arith.constant 0 : index
    %get3A_2 = vector.load %arg0[%get3A, %get3A_0, %get3A_1] : memref<32x19x400xf32, #tpu.memory_space<vmem>>, vector<32x19x400xf32>
    %reduce_sum3A = arith.constant dense<0.000000e+00> : vector<19x400xf32>
    %reduce_sum3A_3 = vector.multi_reduction <add>, %get3A_2, %reduce_sum3A [0] : vector<32x19x400xf32> to vector<19x400xf32>
    %get3A_4 = arith.constant 0 : index
    %get3A_5 = arith.constant 0 : index
    %get3A_6 = arith.constant 0 : index
    %get3A_7 = vector.load %arg1[%get3A_4, %get3A_5, %get3A_6] : memref<1x19x512xf32, #tpu.memory_space<vmem>>, vector<1x19x512xf32>
    %reduce_sum3A_8 = arith.constant dense<0.000000e+00> : vector<19xf32>
    %reduce_sum3A_9 = vector.multi_reduction <add>, %get3A_7, %reduce_sum3A_8 [0, 2] : vector<1x19x512xf32> to vector<19xf32>
    %broadcast_in_dim3A = vector.shape_cast %reduce_sum3A_9 : vector<19xf32> to vector<19x1xf32>
    %get3A_10 = arith.constant 0 : index
    %get3A_11 = arith.constant 0 : index
    %get3A_12 = arith.constant 0 : index
    %get3A_13 = vector.load %arg2[%get3A_10, %get3A_11, %get3A_12] : memref<1x19x512xf32, #tpu.memory_space<vmem>>, vector<1x19x512xf32>
    %reduce_sum3A_14 = arith.constant dense<0.000000e+00> : vector<19xf32>
    %reduce_sum3A_15 = vector.multi_reduction <add>, %get3A_13, %reduce_sum3A_14 [0, 2] : vector<1x19x512xf32> to vector<19xf32>
    %broadcast_in_dim3A_16 = vector.shape_cast %reduce_sum3A_15 : vector<19xf32> to vector<19x1xf32>
    %iota3A = tpu.iota {dimensions = array<i32: 0>} : vector<400x400xi32>
    %iota3A_17 = tpu.iota {dimensions = array<i32: 1>} : vector<400x400xi32>
    %ge3A = arith.cmpi sge, %iota3A, %iota3A_17 : vector<400x400xi32>
    %convert_element_type3A = arith.extui %ge3A : vector<400x400xi1> to vector<400x400xi32>
    %convert_element_type3A_18 = arith.sitofp %convert_element_type3A : vector<400x400xi32> to vector<400x400xf32>
    %dot_general3A = arith.constant dense<0.000000e+00> : vector<19x400xf32>
    %dot_general3A_19 = tpu.matmul %reduce_sum3A_3, %convert_element_type3A_18, %dot_general3A {dimension_numbers = #tpu.dot_dimension_numbers<[1], [0], [0], [1], [0, 0, 1, 1], [], []>, transpose_lhs_hint = false} : vector<19x400xf32>, vector<400x400xf32>, vector<19x400xf32> -> vector<19x400xf32>
    %add3A = vector.broadcast %broadcast_in_dim3A : vector<19x1xf32> to vector<19x400xf32>
    %add3A_20 = arith.addf %add3A, %dot_general3A_19 : vector<19x400xf32>
    %max3A = arith.constant 1.000000e+00 : f32
    %max3A_21 = vector.broadcast %max3A : f32 to vector<19x400xf32>
    %max3A_22 = arith.maximumf %add3A_20, %max3A_21 : vector<19x400xf32>
    %div3A = arith.divf %dot_general3A_19, %max3A_22 : vector<19x400xf32>
    %reduce_sum3A_23 = arith.constant dense<0.000000e+00> : vector<19xf32>
    %reduce_sum3A_24 = vector.multi_reduction <add>, %div3A, %reduce_sum3A_23 [1] : vector<19x400xf32> to vector<19xf32>
    %broadcast_in_dim3A_25 = vector.shape_cast %reduce_sum3A_24 : vector<19xf32> to vector<19x1xf32>
    %slice3A = vector.extract_strided_slice %div3A {offsets = [0, 0], sizes = [19, 1], strides = [1, 1]} : vector<19x400xf32> to vector<19x1xf32>
    %mul3A = arith.constant 5.000000e-01 : f32
    %mul3A_26 = vector.broadcast %mul3A : f32 to vector<19x1xf32>
    %mul3A_27 = arith.mulf %mul3A_26, %slice3A : vector<19x1xf32>
    %sub3A = arith.subf %broadcast_in_dim3A_25, %mul3A_27 : vector<19x1xf32>
    %div3A_28 = arith.constant 4.000000e+02 : f32
    %div3A_29 = vector.broadcast %div3A_28 : f32 to vector<19x1xf32>
    %div3A_30 = arith.divf %sub3A, %div3A_29 : vector<19x1xf32>
    %gt3A = arith.constant 0.000000e+00 : f32
    %gt3A_31 = vector.broadcast %gt3A : f32 to vector<19x1xf32>
    %gt3A_32 = arith.cmpf ogt, %broadcast_in_dim3A, %gt3A_31 : vector<19x1xf32>
    %div3A_33 = arith.constant 0x49800000 : f32
    %div3A_34 = vector.broadcast %div3A_33 : f32 to vector<19x1xf32>
    %div3A_35 = arith.divf %broadcast_in_dim3A_16, %div3A_34 : vector<19x1xf32>
    %sub3A_36 = arith.constant 1.000000e+00 : f32
    %sub3A_37 = vector.broadcast %sub3A_36 : f32 to vector<19x1xf32>
    %sub3A_38 = arith.subf %sub3A_37, %div3A_35 : vector<19x1xf32>
    %add3A_39 = arith.addf %sub3A_38, %div3A_30 : vector<19x1xf32>
    %jit3A = arith.constant 0.000000e+00 : f32
    %broadcast_in_dim3A_40 = vector.broadcast %jit3A : f32 to vector<19x1xf32>
    %select_n3A = arith.select %gt3A_32, %add3A_39, %broadcast_in_dim3A_40 : vector<19x1xi1>, vector<19x1xf32>
    %reduce_sum3A_41 = vector.shape_cast %select_n3A : vector<19x1xf32> to vector<1x19x1xf32>
    %reduce_sum3A_42 = arith.constant dense<0.000000e+00> : vector<1xf32>
    %reduce_sum3A_43 = vector.multi_reduction <add>, %reduce_sum3A_41, %reduce_sum3A_42 [1, 2] : vector<1x19x1xf32> to vector<1xf32>
    %reduce_sum3A_44 = vector.shape_cast %reduce_sum3A_43 : vector<1xf32> to vector<1x1x1xf32>
    %reduce_sum3A_45 = vector.extract %reduce_sum3A_44[0, 0, 0] : f32 from vector<1x1x1xf32>
    %div3A_46 = arith.constant 1.900000e+01 : f32
    %div3A_47 = arith.divf %reduce_sum3A_45, %div3A_46 : f32
    %get3A_48 = arith.constant 0 : index
    %get3A_49 = arith.constant 0 : index
    %get3A_50 = arith.constant 0 : index
    %get3A_51 = vector.load %arg3[%get3A_48, %get3A_49, %get3A_50] : memref<1x16x512xf32, #tpu.memory_space<vmem>>, vector<1x16x512xf32>
    %reduce_sum3A_52 = vector.shape_cast %get3A_51 : vector<1x16x512xf32> to vector<1x1x16x512xf32>
    %reduce_sum3A_53 = arith.constant dense<0.000000e+00> : vector<1xf32>
    %reduce_sum3A_54 = vector.multi_reduction <add>, %reduce_sum3A_52, %reduce_sum3A_53 [1, 2, 3] : vector<1x1x16x512xf32> to vector<1xf32>
    %reduce_sum3A_55 = vector.shape_cast %reduce_sum3A_54 : vector<1xf32> to vector<1x1x1x1xf32>
    %reduce_sum3A_56 = vector.extract %reduce_sum3A_55[0, 0, 0, 0] : f32 from vector<1x1x1x1xf32>
    %div3A_57 = arith.constant 0x49800000 : f32
    %div3A_58 = arith.divf %reduce_sum3A_56, %div3A_57 : f32
    %mul3A_59 = arith.constant 4.000000e-01 : f32
    %mul3A_60 = arith.mulf %mul3A_59, %div3A_58 : f32
    %mul3A_61 = arith.constant 3.000000e-01 : f32
    %mul3A_62 = arith.mulf %mul3A_61, %div3A_47 : f32
    %add3A_63 = arith.addf %mul3A_60, %mul3A_62 : f32
    %reshape3A = vector.broadcast %add3A_63 : f32 to vector<1x1xf32>
    %swap3A = arith.constant 0 : index
    %swap3A_64 = arith.constant 0 : index
    %swap3A_65 = vector.load %arg4[%swap3A, %swap3A_64] : memref<1x1xf32, #tpu.memory_space<vmem>>, vector<1x1xf32>
    tpu.vector_store %arg4[%swap3A, %swap3A_64], %reshape3A {strides = array<i32>} : memref<1x1xf32, #tpu.memory_space<vmem>>, vector<1x1xf32>,
    return
  }
}

</mosaic_0001>

<sc_bundles>
// kernel: kernel.5.cloned.1.call-start
scs
__scs_entry_jumppad:
0x0: {  	(pc) =	sbr.rel $0x88, $3  }
0x1: {  	(tag) =	ssettag $0x0;
	lr =	simm.s32 $0x1  }
0x2: {  	[smem:$0x3F9F] =	sst lr;
	_ =	strace $0xD0000000  }
0x3: {  	_ = 	snop  }
0x4: {  	_ = 	snop  }
0x5: {  	_ = 	snop  }
0x6: {  	_ = 	snop  }
0x7: {  	_ = 	snop  }
__scs_overlays_trampoline_lowered:
0x8: {  	[smem:$0x3FAE] =	sst s0  }
0x9: {  	[smem:$0x3FAF] =	sst s1  }
0xa: {  	[smem:$0x3FB0] =	sst s2  }
0xb: {  	[smem:$0x3FB1] =	sst s3  }
0xc: {  	[smem:$0x3FB2] =	sst s4  }
0xd: {  	[smem:$0x3FB3] =	sst s5  }
0xe: {  	[smem:$0x3FB4] =	sst s6  }
0xf: {  	[smem:$0x3FB5] =	sst s7  }
0x10: {  	[smem:$0x3FB6] =	sst s8  }
0x11: {  	[smem:$0x3FB7] =	sst s9;
	s0 =	simm.s32 @!p0 $0x0  }
0x12: {  	s1 =	sld [smem:$0x3F9D];
	s0 =	simm.s32 @p0 $0x1  }
0x13: {  	[smem:$0x3FB8] =	sst s0;
	s0 =	simm.s32 @!p1 $0x0  }
0x14: {  	s2 =	sld [smem:$0x3F9C];
	s0 =	simm.s32 @p1 $0x1  }
0x15: {  	[smem:$0x3FB9] =	sst s0;
	s0 =	simm.s32 @!p2 $0x0  }
0x16: {  	s3 =	sld [smem:$0x3FDB];
	s0 =	simm.s32 @p2 $0x1  }
0x17: {  	s4 =	simm.s32 $0x1BF5;
	[smem:$0x3FBB] =	sst s0  }
0x18: {  	s0 =	sld [smem:$0x3F9E];
	_ =	swait.ge [sflag:s4], $0x0  }
0x19: {  	s7 =	sld [smem:$0x3F9F]  }
0x1a: {  	s8 =	sadd.s32 $0xFFFFE003, lr  }
0x1b: {  	s9 =	sadd.s32 $0xFFFFFEF7, lr;
	s5 =	simm.s32 $0xFFFFFFFF;
	p2 =	slt.u32 s8, $0xFFFFF086  }
0x1c: {  	p1 =	slt.u32 s9, $0xF7A;
	s5 =	simm.s32 @!p2 $0x0  }
0x1d: {  	s5 =	simm.s32 @p1 $0x1;
	p0 =	seq.s32 s7, s2  }
0x1e: {  	s7 =	smul.u32 @!p0 $0xF7A, s2;
	p2 =	seq.s32 @!p0 s5, $0x0  }
0x1f: {  	s9 =	smul.u32 $0xF7A, s1;
	s8 =	simm.s32 @!p0 $0x1BF5;
	p2 =	por !p2, p0  }
0x20: {  	[sflag:s8] =	ssyncset.s32 @!p0 $0xFFFFF086;
	s6 =	sadd.s32 @!p0 s3, s7;
	s7 =	simm.s32 @!p0 $0x108  }
0x21: {  	s3 =	sadd.s32 s3, s9;
	s6 =	sadd.s32 @!p0 $0x88, s6;
	s7 =	simm.s32 @p2 $0x1082  }
0x22: {  	[simem:s7], [sflag:s8] =	dma.local @!p0 [hbm:s6], $0xF7A  }
0x23: {  	s9 =	sor.u32 $0xD0000000, s2;
	s6 =	simm.s32 $0x108;
	_ =	swait.ge @!p0 [sflag:s8], $0x0  }
0x24: {  	s3 =	sadd.s32 $0x88, s3;
	s6 =	simm.s32 @!p1 $0x1082;
	[sflag:s4] =	ssyncset.s32 $0xFFFFF086  }
0x25: {  	[simem:s6], [sflag:s4] =	dma.local [hbm:s3], $0xF7A  }
0x26: {  	[smem:$0x3F9F] =	sst s1;
	(tag) =	ssettag s2;
	_ =	strace s9  }
0x27: {  	s1 =	sld [smem:$0x3FAF]  }
0x28: {  	s2 =	sld [smem:$0x3FB0]  }
0x29: {  	s4 =	sld [smem:$0x3FB2]  }
0x2a: {  	p0 =	seq.s32 s5, $0x0;
	s5 =	sld [smem:$0x3FB3]  }
0x2b: {  	s6 =	sld [smem:$0x3FB4]  }
0x2c: {  	s7 =	sld [smem:$0x3FB5]  }
0x2d: {  	s3 =	simm.s32 $0x108;
	s8 =	sld [smem:$0x3FB6]  }
0x2e: {  	s3 =	simm.s32 @!p0 $0x1082;
	s9 =	sld [smem:$0x3FB7]  }
0x2f: {  	lr =	sadd.s32 s0, s3;
	s0 =	sld [smem:$0x3FAE]  }
0x30: {  	s3 =	sld [smem:$0x3FB1]  }
0x31: {  	[smem:$0x3FBA] =	sst s10  }
0x32: {  	s10 =	sld [smem:$0x3FB8];
	_ =	sdelay $0x3  }
0x33: {  	p0 =	seq.s32 s10, $0x1;
	s10 =	sld [smem:$0x3FBA];
	_ =	sdelay $0x3  }
0x34: {  	[smem:$0x3FBA] =	sst s10  }
0x35: {  	s10 =	sld [smem:$0x3FB9];
	_ =	sdelay $0x3  }
0x36: {  	p1 =	seq.s32 s10, $0x1;
	s10 =	sld [smem:$0x3FBA];
	_ =	sdelay $0x3  }
0x37: {  	[smem:$0x3FBA] =	sst s10  }
0x38: {  	s10 =	sld [smem:$0x3FBB]  }
0x39: {  	_ = 	snop;
	(pc) =	sbr.ind lr, $3  }
0x3a: {  	_ = 	snop  }
0x3b: {  	_ = 	snop  }
0x3c: {  	p2 =	seq.s32 s10, $0x1;
	s10 =	sld [smem:$0x3FBA]  }
0x3d: {  	_ =	shalt  }
0x3e: {  	_ =	shalt  }
0x3f: {  	_ =	shalt  }
0x40: {  	_ =	shalt  }
0x41: {  	_ =	shalt  }
0x42: {  	_ =	shalt  }
0x43: {  	_ =	shalt  }
0x44: {  	_ =	shalt  }
0x45: {  	_ =	shalt  }
0x46: {  	_ =	shalt  }
0x47: {  	_ =	shalt  }
0x48: {  	_ =	shalt  }
0x49: {  	_ =	shalt  }
0x4a: {  	_ =	shalt  }
0x4b: {  	_ =	shalt  }
0x4c: {  	_ =	shalt  }
0x4d: {  	_ =	shalt  }
0x4e: {  	_ =	shalt  }
0x4f: {  	_ =	shalt  }
0x50: {  	_ =	shalt  }
0x51: {  	_ =	shalt  }
0x52: {  	_ =	shalt  }
0x53: {  	_ =	shalt  }
0x54: {  	_ =	shalt  }
0x55: {  	_ =	shalt  }
0x56: {  	_ =	shalt  }
0x57: {  	_ =	shalt  }
0x58: {  	_ =	shalt  }
0x59: {  	_ =	shalt  }
0x5a: {  	_ =	shalt  }
0x5b: {  	_ =	shalt  }
0x5c: {  	_ =	shalt  }
0x5d: {  	_ =	shalt  }
0x5e: {  	_ =	shalt  }
0x5f: {  	_ =	shalt  }
0x60: {  	_ =	shalt  }
0x61: {  	_ =	shalt  }
0x62: {  	_ =	shalt  }
0x63: {  	_ =	shalt  }
0x64: {  	_ =	shalt  }
0x65: {  	_ =	shalt  }
0x66: {  	_ =	shalt  }
0x67: {  	_ =	shalt  }
0x68: {  	_ =	shalt  }
0x69: {  	_ =	shalt  }
0x6a: {  	_ =	shalt  }
0x6b: {  	_ =	shalt  }
0x6c: {  	_ =	shalt  }
0x6d: {  	_ =	shalt  }
0x6e: {  	_ =	shalt  }
0x6f: {  	_ =	shalt  }
0x70: {  	_ =	shalt  }
0x71: {  	_ =	shalt  }
0x72: {  	_ =	shalt  }
0x73: {  	_ =	shalt  }
0x74: {  	_ =	shalt  }
0x75: {  	_ =	shalt  }
0x76: {  	_ =	shalt  }
0x77: {  	_ =	shalt  }
0x78: {  	_ =	shalt  }
0x79: {  	_ =	shalt  }
0x7a: {  	_ =	shalt  }
0x7b: {  	_ =	shalt  }
0x7c: {  	_ =	shalt  }
0x7d: {  	_ =	shalt  }
0x7e: {  	_ =	shalt  }
0x7f: {  	_ =	shalt  }
0x80: {  	_ =	shalt  }
0x81: {  	_ =	shalt  }
0x82: {  	_ =	shalt  }
0x83: {  	_ =	shalt  }
0x84: {  	_ =	shalt  }
0x85: {  	_ =	shalt  }
0x86: {  	_ =	shalt  }
0x87: {  	_ =	shalt  }
.Lfunc_end0:
.L_simem_size_0:
called_computation.1_lowered:
.L_overlay_start_0:
0x88: {  	s2 =	sld [smem:$0x3FD9]  }
0x89: {  	s3 =	sld [smem:$0x3FFE];
	_ =	sdelay $0x1  }
0x8a: {  	s1 =	srdreg.scid  }
0x8b: {  	s0 =	sand.u32 $0x1, s1  }
0x8c: {  	s16 =	sshll.u32 s0, $0xA;
	s2 =	sadd.s32 s3, s2  }
0x8d: {  	s2 =	sadd.s32 s2, s16  }
0x8e: {  	[smem:$0x3FC6] =	sst s2  }
0x8f: {  	_ = 	snop  }
0x90: {  	(tm) =	ssettm $0x1  }
0x91: {  	s17 =	sld [smem:$0x3FFB];
	_ =	sdelay $0x3  }
0x92: {  	_ =	strace s17  }
0x93: {  	s2 =	sld [smem:$0x3FFC];
	_ =	sdelay $0x3  }
0x94: {  	_ =	strace s2  }
0x95: {  	s2 =	sld [smem:$0x3FFD];
	_ =	sdelay $0x3  }
0x96: {  	_ =	strace s2  }
0x97: {  	_ =	strace $0x8FFFFFFF  }
0x98: {  	s18 =	sld [smem:$0x3FDB];
	_ =	sdelay $0x1  }
0x99: {  	s19 =	simm.s32 $_scs_section_size  }
0x9a: {  	s4 =	simm.s32 $_size__tile_overlayer_lowered;
	s5 =	simm.s32 $_tile_overlayer_lowered  }
0x9b: {  	s22 =	simm.s32 $0x1BFF;
	s21 =	sshll.u32 s5, $0x1;
	s2 =	sadd.s32 s19, s18  }
0x9c: {  	s6 =	simm.s32 $0x0;
	s20 =	sshll.u32 s4, $0x1;
	s4 =	sadd.s32 s21, s2  }
0x9d: {  	[timem:s6], [sflag:s22] =	dma.local [hbm:s4], s20  }
0x9e: {  	_ =	swait.ge [sflag:s22], s20  }
0x9f: {  	s3 =	ssub.s32 $0x0, s20;
	[sflag:s22] =	ssyncset.done $0x0  }
0xa0: {  	[sflag:s22] =	ssyncadd.s32 s3;
	_ =	sdelay $0x1  }
0xa1: {  	s23 =	simm.s32 $0x1B8B  }
0xa2: {  	_ =	swait.ge [sflag:s23], $0x1  }
0xa3: {  	[sflag:s23] =	ssyncset.done $0x0  }
0xa4: {  	s25 =	simm.s32 $0x1B8E;
	s24 =	sld [smem:$0x3FFE];
	[sflag:s23] =	ssyncadd.s32 $0xFFFFFFFF  }
0xa5: {  	s26 =	simm.s32 $execute0_lowered;
	[smem:$0x3FD2] =	sst s25  }
0xa6: {  	s4 =	sshll.u32 s26, $0x1;
	_ =	strace $0x80000049;
	[dreg:$0x1] =	wrdreg $0xFFFFFFFF  }
0xa7: {  	s28 =	simm.s32 $_size_execute0_lowered;
	s2 =	sadd.s32 s2, s4;
	[dreg:$0x0] =	wrdreg $0x0  }
0xa8: {  	s4 =	sshll.u32 s28, $0x1;
	[dreg:$0x2] =	wrdreg s2  }
0xa9: {  	[dreg:$0x3] =	wrdreg s4  }
0xaa: {  	[dreg:$0x4] =	wrdreg $0xC0  }
0xab: {  	_ =	task [dreg:s6], $0x5FFFF  }
0xac: {  	[dreg:$0x1] =	wrdreg $0xFFFFFFFF  }
0xad: {  	[dreg:$0x0] =	wrdreg $0x60  }
0xae: {  	[dreg:$0x2] =	wrdreg s24  }
0xaf: {  	[dreg:$0x3] =	wrdreg $0x9  }
0xb0: {  	_ =	task.clear_ibuf [dreg:s6], $0x4FFFF;
	_ =	strace $0x90000049  }
0xb1: {  	s29 =	simm.s32 $0x9;
	_ =	strace $0x8000004B  }
0xb2: {  	_ =	swait.ge [sflag:s29], $0x1  }
0xb3: {  	[sflag:s29] =	ssyncadd.s32 $0xFFFFFFFF  }
0xb4: {  	_ =	strace $0x9000004B  }
0xb5: {  	_ =	sfence  }
0xb6: {  	s30 =	sld [smem:$0x0];
	_ =	sdelay $0x2  }
0xb7: {  	s31 =	sshll.u32 s1, $0xD;
	s1 =	sshrl.u32 s1, $0x2  }
0xb8: {  	s3 =	sand.u32 $0x4000, s31;
	s1 =	sadd.s32 s1, s30  }
0xb9: {  	s0 =	sor.u32 s3, s0;
	s1 =	sshll.u32 s1, $0x11  }
0xba: {  	s0 =	sor.u32 s1, s0  }
0xbb: {  	s0 =	sadd.s32 $0x8F2B, s0  }
0xbc: {  	[sflag:s0] =	ssyncadd.remote.s32 $0x1  }
0xbd: {  	_ =	sfence.sel $0xFFFF  }
0xbe: {  	[dreg:$0x0] =	wrdreg $0xFFFFFFFF;
	(pc) =	sbr.abs _section_cstart, $3  }
0xbf: {  	[dreg:$0x1] =	wrdreg $0xFFFFFFFF  }
0xc0: {  	_ =	task.clear_ibuf [dreg:s6], $0x2FFFF;
	_ =	strace $0x9FFFFFFF  }
0xc1: {  	(tm) =	ssettm $0x7FFFFFFF  }
tec
execute0_lowered:
.L_overlay_start_1:
0x0: {  	(tag) =	ssettag $0x1  }
0x1: {  	v0 =	vlaneseq.u32  }
0x2: {  	s1 =	srdreg.scid;
	v2 =	vand.u32 $0x7, v0;
	v1 =	vmul.u32 $0x10, v0  }
0x3: {  	s0 =	stileid.u32;
	s4 =	rddreg [dreg:$0x0];
	v3 =	vimm.f32 $1.000000000e+00;
	v22 =	vmul.u32 $0x10, v2;
	v2 =	vimm.f32 $0.0e+00  }
0x4: {  	s2 =	simm.s32 $0x0;
	s11 =	simm.s32 $0x1;
	s12 =	simm.s32 $0x1000;
	v5 =	vor.u32 $0x1, v1;
	v6 =	vor.u32 $0x2, v1;
	v7 =	vor.u32 $0x3, v1  }
0x5: {  	s13 =	simm.s32 $0x2;
	s5 =	sand.u32 $0x1, s1;
	s3 =	sshll.u32 s0, $0x1;
	v8 =	vor.u32 $0x4, v1;
	v9 =	vor.u32 $0x5, v1;
	v10 =	vor.u32 $0x6, v1  }
0x6: {  	s14 =	simm.s32 $0x3;
	s1 =	rddreg [dreg:$0x1];
	s3 =	sor.u32 s5, s3;
	v11 =	vor.u32 $0x7, v1;
	v12 =	vor.u32 $0x8, v1;
	v13 =	vor.u32 $0x9, v1  }
0x7: {  	[smem:$0x7FF] =	sst s2;
	s5 =	ssub.s32 $0x2, s5;
	s7 =	smul.u32 $0x4C000, s3;
	v14 =	vor.u32 $0xA, v1;
	v15 =	vor.u32 $0xB, v1;
	v16 =	vor.u32 $0xC, v1  }
0x8: {  	_ =	strace $0x8000004A;
	s6 =	smul.u32 $0x3B6, s3;
	s31 =	sshrl.u32 s5, $0x1;
	v17 =	vor.u32 $0xD, v1;
	v18 =	vor.u32 $0xE, v1;
	v19 =	vor.u32 $0xF, v1  }
0x9: {  	s15 =	simm.s32 $0x0;
	s3 =	sadd.s32 $0x130C00, s4;
	v23 =	vor.u32 $0x1D800, v1;
	v24 =	vor.u32 $0x1D801, v1;
	v25 =	vor.u32 $0x1D802, v1;
	s10 =	ssub.s32 s5, s31  }
0xa: {  	v26 =	vor.u32 $0x1D803, v1;
	v27 =	vor.u32 $0x1D804, v1;
	v28 =	vor.u32 $0x1D805, v1;
	s8 =	sshrl.u32 s7, $0x3;
	s9 =	sadd.s32 s6, s4;
	s6 =	sor.u32 $0x1000, s7  }
0xb: {  	v29 =	vor.u32 $0x1D806, v1;
	v30 =	vor.u32 $0x1D807, v1;
	v4 =	vor.u32 $0xFFFFFC80, v22;
	s7 =	sor.u32 $0x1800, s7;
	s4 =	sadd.s32 s3, s8;
	s8 =	sadd.s32 $0xC00, s9  }
0xc: {  	v20 =	vor.u32 $0xFFFFFD80, v22;
	v21 =	vor.u32 $0xFFFFFE80, v22;
	v22 =	vor.u32 $0xFFFFFF80, v22;
	s9 =	smax.u32 s10, $0x1;
	s10 =	simm.s32 $0x800;
	s5 =	sadd.s32 $0x100, s4  }
.LBB2_1:
0xd: {  	s16 =	simm.s32 $0x1040  }
0xe: {  	[tilespmem:s16+$0xFFFFFFC0] =	vst v2  }
0xf: {  	[tilespmem:s16+$0x30] =	vst v2  }
0x10: {  	[tilespmem:s16+$0x20] =	vst v2  }
0x11: {  	[tilespmem:s16+$0x10] =	vst v2  }
0x12: {  	[tilespmem:s16+$0x0] =	vst v2  }
0x13: {  	[tilespmem:s16+$0xFFFFFFF0] =	vst v2  }
0x14: {  	s17 =	simm.s32 $0x0;
	[tilespmem:s16+$0xFFFFFFE0] =	vst v2  }
.LBB2_2:
0x15: {  	s17 =	sadd.s32 $0x8, s17;
	[tilespmem:s16+$0xFFFFFFD0] =	vst v2;
	s16 =	sadd.s32 $0x80, s16  }
0x16: {  	[tilespmem:s16+$0xFFFFFFC0] =	vst v2;
	p0 =	slt.u32 s17, $0x1DA8  }
0x17: {  	[tilespmem:s16+$0x30] =	vst v2  }
.Ltmp0:
0x18: {  	[tilespmem:s16+$0x20] =	vst v2;
	(pc) =	sbr.rel @p0 .LBB2_2-.Ltmp0, $4  }
0x19: {  	[tilespmem:s16+$0x10] =	vst v2  }
0x1a: {  	[tilespmem:s16+$0x0] =	vst v2  }
0x1b: {  	[tilespmem:s16+$0xFFFFFFF0] =	vst v2  }
0x1c: {  	[tilespmem:s16+$0xFFFFFFE0] =	vst v2  }
0x1d: {  	[tilespmem:s16+$0xFFFFFFD0] =	vst v2  }
0x1e: {  	s16 =	simm.s32 $0x0;
	[tilespmem:$0x1EB00] =	vst v2  }
0x1f: {  	[tilespmem:s16], [sflag:$0x1] =	stream.linear.gather [hbm4b:s4+s16], $0x800, $0x38;
	[tilespmem:$0x1EB80] =	vst v63  }
0x20: {  	_ = 	snop  }
0x21: {  	[tilespmem:s10], [sflag:$0x2] =	stream.linear.gather [hbm4b:s5+s16], $0x800, $0x38;
	[tilespmem:$0x1EB80] =	vst v63  }
.LBB2_4:
0x22: {  	_ =	swait.ge [sflag:s11], $0x800  }
0x23: {  	[sflag:s11] =	ssyncset.done $0x0  }
0x24: {  	s17 =	simm.s32 $0xFFFFFFF8;
	s18 =	simm.s32 $0x40;
	[sflag:s11] =	ssyncadd.s32 $0xFFFFF800  }
.LBB2_5:
0x25: {  	v31 =	vld [tilespmem:s18+$0xFFFFFFC0];
	_ =	sdelay $0x4  }
0x26: {  	v32 =	vshll.u32 v31, $0x4  }
0x27: {  	v31 =	vshra.s32 v31, $0xC;
	v32 =	vor.u32 v0, v32  }
0x28: {  	v31 =	vand.u32 $0xFFFFFFF0, v31;
	v32 =	vand.u32 $0xFFFFF, v32  }
0x29: {  	v31 =	vor.u32 v0, v31;
	_ =	sdelay $0x3  }
0x2a: {  	[tilespmem:v32+s12+$0x0] =	vst.idx.add.f32.msk $0xffff, v3  }
0x2b: {  	[tilespmem:v31+s12+$0x0] =	vst.idx.add.f32.msk $0xffff, v3  }
0x2c: {  	v31 =	vld [tilespmem:s18+$0xFFFFFFD0];
	_ =	sdelay $0x4  }
0x2d: {  	v57 =	vshll.u32 v31, $0x4  }
0x2e: {  	v31 =	vshra.s32 v31, $0xC;
	v32 =	vor.u32 v0, v57  }
0x2f: {  	v31 =	vand.u32 $0xFFFFFFF0, v31;
	v32 =	vand.u32 $0xFFFFF, v32  }
0x30: {  	v31 =	vor.u32 v0, v31;
	_ =	sdelay $0x3  }
0x31: {  	[tilespmem:v32+s12+$0x0] =	vst.idx.add.f32.msk $0xffff, v3  }
0x32: {  	[tilespmem:v31+s12+$0x0] =	vst.idx.add.f32.msk $0xffff, v3  }
0x33: {  	v31 =	vld [tilespmem:s18+$0xFFFFFFE0];
	_ =	sdelay $0x4  }
0x34: {  	v58 =	vshll.u32 v31, $0x4  }
0x35: {  	v31 =	vshra.s32 v31, $0xC;
	v32 =	vor.u32 v0, v58  }
0x36: {  	v31 =	vand.u32 $0xFFFFFFF0, v31;
	v32 =	vand.u32 $0xFFFFF, v32  }
0x37: {  	v31 =	vor.u32 v0, v31;
	_ =	sdelay $0x3  }
0x38: {  	[tilespmem:v32+s12+$0x0] =	vst.idx.add.f32.msk $0xffff, v3  }
0x39: {  	[tilespmem:v31+s12+$0x0] =	vst.idx.add.f32.msk $0xffff, v3  }
0x3a: {  	v31 =	vld [tilespmem:s18+$0xFFFFFFF0];
	_ =	sdelay $0x4  }
0x3b: {  	v59 =	vshll.u32 v31, $0x4  }
0x3c: {  	v31 =	vshra.s32 v31, $0xC;
	v32 =	vor.u32 v0, v59  }
0x3d: {  	v31 =	vand.u32 $0xFFFFFFF0, v31;
	v32 =	vand.u32 $0xFFFFF, v32  }
0x3e: {  	v31 =	vor.u32 v0, v31;
	_ =	sdelay $0x3  }
0x3f: {  	[tilespmem:v32+s12+$0x0] =	vst.idx.add.f32.msk $0xffff, v3  }
0x40: {  	[tilespmem:v31+s12+$0x0] =	vst.idx.add.f32.msk $0xffff, v3  }
0x41: {  	v31 =	vld [tilespmem:s18+$0x0];
	_ =	sdelay $0x4  }
0x42: {  	v60 =	vshll.u32 v31, $0x4  }
0x43: {  	v31 =	vshra.s32 v31, $0xC;
	v32 =	vor.u32 v0, v60  }
0x44: {  	v31 =	vand.u32 $0xFFFFFFF0, v31;
	v32 =	vand.u32 $0xFFFFF, v32  }
0x45: {  	v31 =	vor.u32 v0, v31;
	_ =	sdelay $0x3  }
0x46: {  	[tilespmem:v32+s12+$0x0] =	vst.idx.add.f32.msk $0xffff, v3  }
0x47: {  	[tilespmem:v31+s12+$0x0] =	vst.idx.add.f32.msk $0xffff, v3  }
0x48: {  	v31 =	vld [tilespmem:s18+$0x10];
	_ =	sdelay $0x4  }
0x49: {  	v61 =	vshll.u32 v31, $0x4  }
0x4a: {  	v31 =	vshra.s32 v31, $0xC;
	v32 =	vor.u32 v0, v61  }
0x4b: {  	v31 =	vand.u32 $0xFFFFFFF0, v31;
	v32 =	vand.u32 $0xFFFFF, v32  }
0x4c: {  	v31 =	vor.u32 v0, v31;
	_ =	sdelay $0x3  }
0x4d: {  	[tilespmem:v32+s12+$0x0] =	vst.idx.add.f32.msk $0xffff, v3  }
0x4e: {  	[tilespmem:v31+s12+$0x0] =	vst.idx.add.f32.msk $0xffff, v3  }
0x4f: {  	v31 =	vld [tilespmem:s18+$0x20];
	_ =	sdelay $0x4  }
0x50: {  	v62 =	vshll.u32 v31, $0x4  }
0x51: {  	v31 =	vshra.s32 v31, $0xC;
	v32 =	vor.u32 v0, v62  }
0x52: {  	v31 =	vand.u32 $0xFFFFFFF0, v31;
	v32 =	vand.u32 $0xFFFFF, v32  }
0x53: {  	v31 =	vor.u32 v0, v31;
	_ =	sdelay $0x3  }
0x54: {  	[tilespmem:v32+s12+$0x0] =	vst.idx.add.f32.msk $0xffff, v3  }
0x55: {  	[tilespmem:v31+s12+$0x0] =	vst.idx.add.f32.msk $0xffff, v3  }
0x56: {  	v31 =	vld [tilespmem:s18+$0x30];
	_ =	sdelay $0x4  }
0x57: {  	v63 =	vshll.u32 v31, $0x4  }
0x58: {  	v31 =	vshra.s32 v31, $0xC;
	v32 =	vor.u32 v0, v63  }
0x59: {  	s17 =	sadd.s32 $0x8, s17;
	v31 =	vand.u32 $0xFFFFFFF0, v31;
	v32 =	vand.u32 $0xFFFFF, v32  }
0x5a: {  	p0 =	slt.u32 s17, $0x78;
	v31 =	vor.u32 v0, v31  }
.Ltmp1:
0x5b: {  	_ = 	snop;
	(pc) =	sbr.rel @p0 .LBB2_5-.Ltmp1, $3  }
0x5c: {  	_ =	sdelay $0x1  }
0x5d: {  	[tilespmem:v32+s12+$0x0] =	vst.idx.add.f32.msk $0xffff, v3  }
0x5e: {  	s18 =	sadd.s32 $0x80, s18;
	[tilespmem:v31+s12+$0x0] =	vst.idx.add.f32.msk $0xffff, v3  }
0x5f: {  	s17 =	sshll.u32 s16, $0xC  }
0x60: {  	s18 =	sadd.s32 s17, s6  }
0x61: {  	s18 =	sshrl.u32 s18, $0x3  }
0x62: {  	s18 =	sadd.s32 s3, s18  }
0x63: {  	[tilespmem:s2], [sflag:$0x1] =	stream.linear.gather [hbm4b:s18+s2], $0x800, $0x38;
	[tilespmem:$0x1EB80] =	vst v63  }
0x64: {  	_ =	swait.ge [sflag:s13], $0x800  }
0x65: {  	[sflag:s13] =	ssyncset.done $0x0  }
0x66: {  	s19 =	simm.s32 $0x840;
	s18 =	simm.s32 $0xFFFFFFF8;
	[sflag:s13] =	ssyncadd.s32 $0xFFFFF800  }
.LBB2_7:
0x67: {  	v31 =	vld [tilespmem:s19+$0xFFFFFFC0];
	_ =	sdelay $0x4  }
0x68: {  	v32 =	vshll.u32 v31, $0x4  }
0x69: {  	v31 =	vshra.s32 v31, $0xC;
	v32 =	vor.u32 v0, v32  }
0x6a: {  	v31 =	vand.u32 $0xFFFFFFF0, v31;
	v32 =	vand.u32 $0xFFFFF, v32  }
0x6b: {  	v31 =	vor.u32 v0, v31;
	_ =	sdelay $0x3  }
0x6c: {  	[tilespmem:v32+s12+$0x0] =	vst.idx.add.f32.msk $0xffff, v3  }
0x6d: {  	[tilespmem:v31+s12+$0x0] =	vst.idx.add.f32.msk $0xffff, v3  }
0x6e: {  	v31 =	vld [tilespmem:s19+$0xFFFFFFD0];
	_ =	sdelay $0x4  }
0x6f: {  	v57 =	vshll.u32 v31, $0x4  }
0x70: {  	v31 =	vshra.s32 v31, $0xC;
	v32 =	vor.u32 v0, v57  }
0x71: {  	v31 =	vand.u32 $0xFFFFFFF0, v31;
	v32 =	vand.u32 $0xFFFFF, v32  }
0x72: {  	v31 =	vor.u32 v0, v31;
	_ =	sdelay $0x3  }
0x73: {  	[tilespmem:v32+s12+$0x0] =	vst.idx.add.f32.msk $0xffff, v3  }
0x74: {  	[tilespmem:v31+s12+$0x0] =	vst.idx.add.f32.msk $0xffff, v3  }
0x75: {  	v31 =	vld [tilespmem:s19+$0xFFFFFFE0];
	_ =	sdelay $0x4  }
0x76: {  	v58 =	vshll.u32 v31, $0x4  }
0x77: {  	v31 =	vshra.s32 v31, $0xC;
	v32 =	vor.u32 v0, v58  }
0x78: {  	v31 =	vand.u32 $0xFFFFFFF0, v31;
	v32 =	vand.u32 $0xFFFFF, v32  }
0x79: {  	v31 =	vor.u32 v0, v31;
	_ =	sdelay $0x3  }
0x7a: {  	[tilespmem:v32+s12+$0x0] =	vst.idx.add.f32.msk $0xffff, v3  }
0x7b: {  	[tilespmem:v31+s12+$0x0] =	vst.idx.add.f32.msk $0xffff, v3  }
0x7c: {  	v31 =	vld [tilespmem:s19+$0xFFFFFFF0];
	_ =	sdelay $0x4  }
0x7d: {  	v59 =	vshll.u32 v31, $0x4  }
0x7e: {  	v31 =	vshra.s32 v31, $0xC;
	v32 =	vor.u32 v0, v59  }
0x7f: {  	v31 =	vand.u32 $0xFFFFFFF0, v31;
	v32 =	vand.u32 $0xFFFFF, v32  }
0x80: {  	v31 =	vor.u32 v0, v31;
	_ =	sdelay $0x3  }
0x81: {  	[tilespmem:v32+s12+$0x0] =	vst.idx.add.f32.msk $0xffff, v3  }
0x82: {  	[tilespmem:v31+s12+$0x0] =	vst.idx.add.f32.msk $0xffff, v3  }
0x83: {  	v31 =	vld [tilespmem:s19+$0x0];
	_ =	sdelay $0x4  }
0x84: {  	v60 =	vshll.u32 v31, $0x4  }
0x85: {  	v31 =	vshra.s32 v31, $0xC;
	v32 =	vor.u32 v0, v60  }
0x86: {  	v31 =	vand.u32 $0xFFFFFFF0, v31;
	v32 =	vand.u32 $0xFFFFF, v32  }
0x87: {  	v31 =	vor.u32 v0, v31;
	_ =	sdelay $0x3  }
0x88: {  	[tilespmem:v32+s12+$0x0] =	vst.idx.add.f32.msk $0xffff, v3  }
0x89: {  	[tilespmem:v31+s12+$0x0] =	vst.idx.add.f32.msk $0xffff, v3  }
0x8a: {  	v31 =	vld [tilespmem:s19+$0x10];
	_ =	sdelay $0x4  }
0x8b: {  	v61 =	vshll.u32 v31, $0x4  }
0x8c: {  	v31 =	vshra.s32 v31, $0xC;
	v32 =	vor.u32 v0, v61  }
0x8d: {  	v31 =	vand.u32 $0xFFFFFFF0, v31;
	v32 =	vand.u32 $0xFFFFF, v32  }
0x8e: {  	v31 =	vor.u32 v0, v31;
	_ =	sdelay $0x3  }
0x8f: {  	[tilespmem:v32+s12+$0x0] =	vst.idx.add.f32.msk $0xffff, v3  }
0x90: {  	[tilespmem:v31+s12+$0x0] =	vst.idx.add.f32.msk $0xffff, v3  }
0x91: {  	v31 =	vld [tilespmem:s19+$0x20];
	_ =	sdelay $0x4  }
0x92: {  	v62 =	vshll.u32 v31, $0x4  }
0x93: {  	v31 =	vshra.s32 v31, $0xC;
	v32 =	vor.u32 v0, v62  }
0x94: {  	v31 =	vand.u32 $0xFFFFFFF0, v31;
	v32 =	vand.u32 $0xFFFFF, v32  }
0x95: {  	v31 =	vor.u32 v0, v31;
	_ =	sdelay $0x3  }
0x96: {  	[tilespmem:v32+s12+$0x0] =	vst.idx.add.f32.msk $0xffff, v3  }
0x97: {  	[tilespmem:v31+s12+$0x0] =	vst.idx.add.f32.msk $0xffff, v3  }
0x98: {  	v31 =	vld [tilespmem:s19+$0x30];
	_ =	sdelay $0x4  }
0x99: {  	v63 =	vshll.u32 v31, $0x4  }
0x9a: {  	v31 =	vshra.s32 v31, $0xC;
	v32 =	vor.u32 v0, v63  }
0x9b: {  	s18 =	sadd.s32 $0x8, s18;
	v31 =	vand.u32 $0xFFFFFFF0, v31;
	v32 =	vand.u32 $0xFFFFF, v32  }
0x9c: {  	p0 =	slt.u32 s18, $0x78;
	v31 =	vor.u32 v0, v31  }
.Ltmp2:
0x9d: {  	_ = 	snop;
	(pc) =	sbr.rel @p0 .LBB2_7-.Ltmp2, $3  }
0x9e: {  	_ =	sdelay $0x1  }
0x9f: {  	[tilespmem:v32+s12+$0x0] =	vst.idx.add.f32.msk $0xffff, v3  }
0xa0: {  	s19 =	sadd.s32 $0x80, s19;
	[tilespmem:v31+s12+$0x0] =	vst.idx.add.f32.msk $0xffff, v3  }
0xa1: {  	s16 =	sadd.s32 $0x1, s16  }
0xa2: {  	p0 =	sne.s32 s16, $0x4B  }
.Ltmp3:
0xa3: {  	_ = 	snop;
	(pc) =	sbr.rel @p0 .LBB2_4-.Ltmp3, $4  }
0xa4: {  	s17 =	sadd.s32 s17, s7  }
0xa5: {  	s17 =	sshrl.u32 s17, $0x3  }
0xa6: {  	s17 =	sadd.s32 s3, s17  }
0xa7: {  	[tilespmem:s10], [sflag:$0x2] =	stream.linear.gather [hbm4b:s17+s2], $0x800, $0x38;
	[tilespmem:$0x1EB80] =	vst v63  }
0xa8: {  	_ =	swait.ge [sflag:s11], $0x800  }
0xa9: {  	[sflag:s11] =	ssyncset.done $0x0  }
0xaa: {  	s16 =	simm.s32 $0xFFFFFFF8;
	s17 =	simm.s32 $0x40;
	[sflag:s11] =	ssyncadd.s32 $0xFFFFF800  }
.LBB2_10:
0xab: {  	v31 =	vld [tilespmem:s17+$0xFFFFFFC0];
	_ =	sdelay $0x4  }
0xac: {  	v32 =	vshll.u32 v31, $0x4  }
0xad: {  	v31 =	vshra.s32 v31, $0xC;
	v32 =	vor.u32 v0, v32  }
0xae: {  	v31 =	vand.u32 $0xFFFFFFF0, v31;
	v32 =	vand.u32 $0xFFFFF, v32  }
0xaf: {  	v31 =	vor.u32 v0, v31;
	_ =	sdelay $0x3  }
0xb0: {  	[tilespmem:v32+s12+$0x0] =	vst.idx.add.f32.msk $0xffff, v3  }
0xb1: {  	[tilespmem:v31+s12+$0x0] =	vst.idx.add.f32.msk $0xffff, v3  }
0xb2: {  	v31 =	vld [tilespmem:s17+$0xFFFFFFD0];
	_ =	sdelay $0x4  }
0xb3: {  	v57 =	vshll.u32 v31, $0x4  }
0xb4: {  	v31 =	vshra.s32 v31, $0xC;
	v32 =	vor.u32 v0, v57  }
0xb5: {  	v31 =	vand.u32 $0xFFFFFFF0, v31;
	v32 =	vand.u32 $0xFFFFF, v32  }
0xb6: {  	v31 =	vor.u32 v0, v31;
	_ =	sdelay $0x3  }
0xb7: {  	[tilespmem:v32+s12+$0x0] =	vst.idx.add.f32.msk $0xffff, v3  }
0xb8: {  	[tilespmem:v31+s12+$0x0] =	vst.idx.add.f32.msk $0xffff, v3  }
0xb9: {  	v31 =	vld [tilespmem:s17+$0xFFFFFFE0];
	_ =	sdelay $0x4  }
0xba: {  	v58 =	vshll.u32 v31, $0x4  }
0xbb: {  	v31 =	vshra.s32 v31, $0xC;
	v32 =	vor.u32 v0, v58  }
0xbc: {  	v31 =	vand.u32 $0xFFFFFFF0, v31;
	v32 =	vand.u32 $0xFFFFF, v32  }
0xbd: {  	v31 =	vor.u32 v0, v31;
	_ =	sdelay $0x3  }
0xbe: {  	[tilespmem:v32+s12+$0x0] =	vst.idx.add.f32.msk $0xffff, v3  }
0xbf: {  	[tilespmem:v31+s12+$0x0] =	vst.idx.add.f32.msk $0xffff, v3  }
0xc0: {  	v31 =	vld [tilespmem:s17+$0xFFFFFFF0];
	_ =	sdelay $0x4  }
0xc1: {  	v59 =	vshll.u32 v31, $0x4  }
0xc2: {  	v31 =	vshra.s32 v31, $0xC;
	v32 =	vor.u32 v0, v59  }
0xc3: {  	v31 =	vand.u32 $0xFFFFFFF0, v31;
	v32 =	vand.u32 $0xFFFFF, v32  }
0xc4: {  	v31 =	vor.u32 v0, v31;
	_ =	sdelay $0x3  }
0xc5: {  	[tilespmem:v32+s12+$0x0] =	vst.idx.add.f32.msk $0xffff, v3  }
0xc6: {  	[tilespmem:v31+s12+$0x0] =	vst.idx.add.f32.msk $0xffff, v3  }
0xc7: {  	v31 =	vld [tilespmem:s17+$0x0];
	_ =	sdelay $0x4  }
0xc8: {  	v60 =	vshll.u32 v31, $0x4  }
0xc9: {  	v31 =	vshra.s32 v31, $0xC;
	v32 =	vor.u32 v0, v60  }
0xca: {  	v31 =	vand.u32 $0xFFFFFFF0, v31;
	v32 =	vand.u32 $0xFFFFF, v32  }
0xcb: {  	v31 =	vor.u32 v0, v31;
	_ =	sdelay $0x3  }
0xcc: {  	[tilespmem:v32+s12+$0x0] =	vst.idx.add.f32.msk $0xffff, v3  }
0xcd: {  	[tilespmem:v31+s12+$0x0] =	vst.idx.add.f32.msk $0xffff, v3  }
0xce: {  	v31 =	vld [tilespmem:s17+$0x10];
	_ =	sdelay $0x4  }
0xcf: {  	v61 =	vshll.u32 v31, $0x4  }
0xd0: {  	v31 =	vshra.s32 v31, $0xC;
	v32 =	vor.u32 v0, v61  }
0xd1: {  	v31 =	vand.u32 $0xFFFFFFF0, v31;
	v32 =	vand.u32 $0xFFFFF, v32  }
0xd2: {  	v31 =	vor.u32 v0, v31;
	_ =	sdelay $0x3  }
0xd3: {  	[tilespmem:v32+s12+$0x0] =	vst.idx.add.f32.msk $0xffff, v3  }
0xd4: {  	[tilespmem:v31+s12+$0x0] =	vst.idx.add.f32.msk $0xffff, v3  }
0xd5: {  	v31 =	vld [tilespmem:s17+$0x20];
	_ =	sdelay $0x4  }
0xd6: {  	v62 =	vshll.u32 v31, $0x4  }
0xd7: {  	v31 =	vshra.s32 v31, $0xC;
	v32 =	vor.u32 v0, v62  }
0xd8: {  	v31 =	vand.u32 $0xFFFFFFF0, v31;
	v32 =	vand.u32 $0xFFFFF, v32  }
0xd9: {  	v31 =	vor.u32 v0, v31;
	_ =	sdelay $0x3  }
0xda: {  	[tilespmem:v32+s12+$0x0] =	vst.idx.add.f32.msk $0xffff, v3  }
0xdb: {  	[tilespmem:v31+s12+$0x0] =	vst.idx.add.f32.msk $0xffff, v3  }
0xdc: {  	v31 =	vld [tilespmem:s17+$0x30];
	_ =	sdelay $0x4  }
0xdd: {  	v63 =	vshll.u32 v31, $0x4  }
0xde: {  	v31 =	vshra.s32 v31, $0xC;
	v32 =	vor.u32 v0, v63  }
0xdf: {  	s16 =	sadd.s32 $0x8, s16;
	v31 =	vand.u32 $0xFFFFFFF0, v31;
	v32 =	vand.u32 $0xFFFFF, v32  }
0xe0: {  	p0 =	slt.u32 s16, $0x78;
	v31 =	vor.u32 v0, v31  }
.Ltmp4:
0xe1: {  	_ = 	snop;
	(pc) =	sbr.rel @p0 .LBB2_10-.Ltmp4, $3  }
0xe2: {  	_ =	sdelay $0x1  }
0xe3: {  	[tilespmem:v32+s12+$0x0] =	vst.idx.add.f32.msk $0xffff, v3  }
0xe4: {  	s17 =	sadd.s32 $0x80, s17;
	[tilespmem:v31+s12+$0x0] =	vst.idx.add.f32.msk $0xffff, v3  }
0xe5: {  	_ =	swait.ge [sflag:s13], $0x800  }
0xe6: {  	[sflag:s13] =	ssyncset.done $0x0  }
0xe7: {  	s17 =	simm.s32 $0xFFFFFFF8;
	s18 =	simm.s32 $0x840;
	[sflag:s13] =	ssyncadd.s32 $0xFFFFF800  }
.LBB2_12:
0xe8: {  	v31 =	vld [tilespmem:s18+$0xFFFFFFC0];
	_ =	sdelay $0x4  }
0xe9: {  	v32 =	vshll.u32 v31, $0x4  }
0xea: {  	v31 =	vshra.s32 v31, $0xC;
	v32 =	vor.u32 v0, v32  }
0xeb: {  	v31 =	vand.u32 $0xFFFFFFF0, v31;
	v32 =	vand.u32 $0xFFFFF, v32  }
0xec: {  	v31 =	vor.u32 v0, v31;
	_ =	sdelay $0x3  }
0xed: {  	[tilespmem:v32+s12+$0x0] =	vst.idx.add.f32.msk $0xffff, v3  }
0xee: {  	[tilespmem:v31+s12+$0x0] =	vst.idx.add.f32.msk $0xffff, v3  }
0xef: {  	v31 =	vld [tilespmem:s18+$0xFFFFFFD0];
	_ =	sdelay $0x4  }
0xf0: {  	v57 =	vshll.u32 v31, $0x4  }
0xf1: {  	v31 =	vshra.s32 v31, $0xC;
	v32 =	vor.u32 v0, v57  }
0xf2: {  	v31 =	vand.u32 $0xFFFFFFF0, v31;
	v32 =	vand.u32 $0xFFFFF, v32  }
0xf3: {  	v31 =	vor.u32 v0, v31;
	_ =	sdelay $0x3  }
0xf4: {  	[tilespmem:v32+s12+$0x0] =	vst.idx.add.f32.msk $0xffff, v3  }
0xf5: {  	[tilespmem:v31+s12+$0x0] =	vst.idx.add.f32.msk $0xffff, v3  }
0xf6: {  	v31 =	vld [tilespmem:s18+$0xFFFFFFE0];
	_ =	sdelay $0x4  }
0xf7: {  	v58 =	vshll.u32 v31, $0x4  }
0xf8: {  	v31 =	vshra.s32 v31, $0xC;
	v32 =	vor.u32 v0, v58  }
0xf9: {  	v31 =	vand.u32 $0xFFFFFFF0, v31;
	v32 =	vand.u32 $0xFFFFF, v32  }
0xfa: {  	v31 =	vor.u32 v0, v31;
	_ =	sdelay $0x3  }
0xfb: {  	[tilespmem:v32+s12+$0x0] =	vst.idx.add.f32.msk $0xffff, v3  }
0xfc: {  	[tilespmem:v31+s12+$0x0] =	vst.idx.add.f32.msk $0xffff, v3  }
0xfd: {  	v31 =	vld [tilespmem:s18+$0xFFFFFFF0];
	_ =	sdelay $0x4  }
0xfe: {  	v59 =	vshll.u32 v31, $0x4  }
0xff: {  	v31 =	vshra.s32 v31, $0xC;
	v32 =	vor.u32 v0, v59  }
0x100: {  	v31 =	vand.u32 $0xFFFFFFF0, v31;
	v32 =	vand.u32 $0xFFFFF, v32  }
0x101: {  	v31 =	vor.u32 v0, v31;
	_ =	sdelay $0x3  }
0x102: {  	[tilespmem:v32+s12+$0x0] =	vst.idx.add.f32.msk $0xffff, v3  }
0x103: {  	[tilespmem:v31+s12+$0x0] =	vst.idx.add.f32.msk $0xffff, v3  }
0x104: {  	v31 =	vld [tilespmem:s18+$0x0];
	_ =	sdelay $0x4  }
0x105: {  	v60 =	vshll.u32 v31, $0x4  }
0x106: {  	v31 =	vshra.s32 v31, $0xC;
	v32 =	vor.u32 v0, v60  }
0x107: {  	v31 =	vand.u32 $0xFFFFFFF0, v31;
	v32 =	vand.u32 $0xFFFFF, v32  }
0x108: {  	v31 =	vor.u32 v0, v31;
	_ =	sdelay $0x3  }
0x109: {  	[tilespmem:v32+s12+$0x0] =	vst.idx.add.f32.msk $0xffff, v3  }
0x10a: {  	[tilespmem:v31+s12+$0x0] =	vst.idx.add.f32.msk $0xffff, v3  }
0x10b: {  	v31 =	vld [tilespmem:s18+$0x10];
	_ =	sdelay $0x4  }
0x10c: {  	v61 =	vshll.u32 v31, $0x4  }
0x10d: {  	v31 =	vshra.s32 v31, $0xC;
	v32 =	vor.u32 v0, v61  }
0x10e: {  	v31 =	vand.u32 $0xFFFFFFF0, v31;
	v32 =	vand.u32 $0xFFFFF, v32  }
0x10f: {  	v31 =	vor.u32 v0, v31;
	_ =	sdelay $0x3  }
0x110: {  	[tilespmem:v32+s12+$0x0] =	vst.idx.add.f32.msk $0xffff, v3  }
0x111: {  	[tilespmem:v31+s12+$0x0] =	vst.idx.add.f32.msk $0xffff, v3  }
0x112: {  	v31 =	vld [tilespmem:s18+$0x20];
	_ =	sdelay $0x4  }
0x113: {  	v62 =	vshll.u32 v31, $0x4  }
0x114: {  	v31 =	vshra.s32 v31, $0xC;
	v32 =	vor.u32 v0, v62  }
0x115: {  	v31 =	vand.u32 $0xFFFFFFF0, v31;
	v32 =	vand.u32 $0xFFFFF, v32  }
0x116: {  	v31 =	vor.u32 v0, v31;
	_ =	sdelay $0x3  }
0x117: {  	[tilespmem:v32+s12+$0x0] =	vst.idx.add.f32.msk $0xffff, v3  }
0x118: {  	[tilespmem:v31+s12+$0x0] =	vst.idx.add.f32.msk $0xffff, v3  }
0x119: {  	v31 =	vld [tilespmem:s18+$0x30];
	_ =	sdelay $0x4  }
0x11a: {  	v63 =	vshll.u32 v31, $0x4  }
0x11b: {  	v31 =	vshra.s32 v31, $0xC;
	v32 =	vor.u32 v0, v63  }
0x11c: {  	s17 =	sadd.s32 $0x8, s17;
	v31 =	vand.u32 $0xFFFFFFF0, v31;
	v32 =	vand.u32 $0xFFFFF, v32  }
0x11d: {  	p0 =	slt.u32 s17, $0x78;
	v31 =	vor.u32 v0, v31  }
.Ltmp5:
0x11e: {  	_ = 	snop;
	(pc) =	sbr.rel @p0 .LBB2_12-.Ltmp5, $3  }
0x11f: {  	_ =	sdelay $0x1  }
0x120: {  	[tilespmem:v32+s12+$0x0] =	vst.idx.add.f32.msk $0xffff, v3  }
0x121: {  	s19 =	simm.s32 $0x0;
	s16 =	simm.s32 $0x1020;
	s18 =	sadd.s32 $0x80, s18;
	[tilespmem:v31+s12+$0x0] =	vst.idx.add.f32.msk $0xffff, v3  }
0x122: {  	v31 =	vor.u32 s19, v1  }
0x123: {  	v31 =	vand.u32 v4, v31;
	_ =	sdelay $0x1  }
0x124: {  	v32 =	vor.u32 s19, v5;
	_ =	sdelay $0x1  }
0x125: {  	v33 =	vor.u32 s19, v6  }
0x126: {  	v31 =	vld.idx.msk [tilespmem:v31+s12+$0x0], $0xffff  }
0x127: {  	v34 =	vor.u32 s19, v7  }
0x128: {  	v32 =	vld.idx.msk [tilespmem:v32+s12+$0x0], $0xffff  }
0x129: {  	v35 =	vor.u32 s19, v8  }
0x12a: {  	v33 =	vld.idx.msk [tilespmem:v33+s12+$0x0], $0xffff  }
0x12b: {  	v36 =	vor.u32 s19, v9;
	v31 =	vadd.f32 $0.0e+00, v31  }
0x12c: {  	v34 =	vld.idx.msk [tilespmem:v34+s12+$0x0], $0xffff  }
0x12d: {  	v37 =	vor.u32 s19, v10;
	v31 =	vadd.f32 v32, v31  }
0x12e: {  	v54 =	vld.idx.msk [tilespmem:v35+s12+$0x0], $0xffff  }
0x12f: {  	v55 =	vor.u32 s19, v11;
	v31 =	vadd.f32 v33, v31  }
0x130: {  	v56 =	vld.idx.msk [tilespmem:v36+s12+$0x0], $0xffff  }
0x131: {  	v57 =	vor.u32 s19, v12;
	v31 =	vadd.f32 v34, v31  }
0x132: {  	v58 =	vld.idx.msk [tilespmem:v37+s12+$0x0], $0xffff  }
0x133: {  	v59 =	vor.u32 s19, v13;
	v31 =	vadd.f32 v54, v31  }
0x134: {  	v60 =	vld.idx.msk [tilespmem:v55+s12+$0x0], $0xffff  }
0x135: {  	v61 =	vor.u32 s19, v14;
	v31 =	vadd.f32 v56, v31  }
0x136: {  	v62 =	vld.idx.msk [tilespmem:v57+s12+$0x0], $0xffff  }
0x137: {  	v63 =	vor.u32 s19, v15;
	v31 =	vadd.f32 v58, v31  }
0x138: {  	v40 =	vld.idx.msk [tilespmem:v59+s12+$0x0], $0xffff  }
0x139: {  	v41 =	vor.u32 s19, v16;
	v31 =	vadd.f32 v60, v31  }
0x13a: {  	v42 =	vld.idx.msk [tilespmem:v61+s12+$0x0], $0xffff  }
0x13b: {  	v43 =	vor.u32 s19, v17;
	v31 =	vadd.f32 v62, v31  }
0x13c: {  	v44 =	vld.idx.msk [tilespmem:v63+s12+$0x0], $0xffff  }
0x13d: {  	v45 =	vor.u32 s19, v18;
	v31 =	vadd.f32 v40, v31  }
0x13e: {  	v46 =	vld.idx.msk [tilespmem:v41+s12+$0x0], $0xffff  }
0x13f: {  	v47 =	vor.u32 s19, v19;
	v31 =	vadd.f32 v42, v31  }
0x140: {  	v48 =	vld.idx.msk [tilespmem:v43+s12+$0x0], $0xffff  }
0x141: {  	v31 =	vadd.f32 v44, v31  }
0x142: {  	v49 =	vld.idx.msk [tilespmem:v45+s12+$0x0], $0xffff  }
0x143: {  	v31 =	vadd.f32 v46, v31  }
0x144: {  	v50 =	vld.idx.msk [tilespmem:v47+s12+$0x0], $0xffff  }
0x145: {  	s17 =	simm.s32 $0x100;
	v31 =	vadd.f32 v48, v31  }
0x146: {  	v51 =	vor.u32 s17, v1  }
0x147: {  	v32 =	vand.u32 v20, v51;
	v31 =	vadd.f32 v49, v31;
	_ =	sdelay $0x1  }
0x148: {  	v52 =	vor.u32 s17, v5;
	v31 =	vadd.f32 v50, v31;
	_ =	sdelay $0x1  }
0x149: {  	[tilespmem:s16+$0xFFFFFFE0] =	vst v31;
	v31 =	vor.u32 s17, v6  }
0x14a: {  	v32 =	vld.idx.msk [tilespmem:v32+s12+$0x0], $0xffff  }
0x14b: {  	v53 =	vor.u32 s17, v7  }
0x14c: {  	v33 =	vld.idx.msk [tilespmem:v52+s12+$0x0], $0xffff  }
0x14d: {  	v54 =	vor.u32 s17, v8  }
0x14e: {  	v31 =	vld.idx.msk [tilespmem:v31+s12+$0x0], $0xffff  }
0x14f: {  	v55 =	vor.u32 s17, v9;
	v32 =	vadd.f32 $0.0e+00, v32  }
0x150: {  	v34 =	vld.idx.msk [tilespmem:v53+s12+$0x0], $0xffff  }
0x151: {  	v56 =	vor.u32 s17, v10;
	v32 =	vadd.f32 v33, v32  }
0x152: {  	v57 =	vld.idx.msk [tilespmem:v54+s12+$0x0], $0xffff  }
0x153: {  	v58 =	vor.u32 s17, v11;
	v31 =	vadd.f32 v31, v32  }
0x154: {  	v59 =	vld.idx.msk [tilespmem:v55+s12+$0x0], $0xffff  }
0x155: {  	v60 =	vor.u32 s17, v12;
	v31 =	vadd.f32 v34, v31  }
0x156: {  	v61 =	vld.idx.msk [tilespmem:v56+s12+$0x0], $0xffff  }
0x157: {  	v62 =	vor.u32 s17, v13;
	v31 =	vadd.f32 v57, v31  }
0x158: {  	v63 =	vld.idx.msk [tilespmem:v58+s12+$0x0], $0xffff  }
0x159: {  	v40 =	vor.u32 s17, v14;
	v31 =	vadd.f32 v59, v31  }
0x15a: {  	v41 =	vld.idx.msk [tilespmem:v60+s12+$0x0], $0xffff  }
0x15b: {  	v42 =	vor.u32 s17, v15;
	v31 =	vadd.f32 v61, v31  }
0x15c: {  	v43 =	vld.idx.msk [tilespmem:v62+s12+$0x0], $0xffff  }
0x15d: {  	v44 =	vor.u32 s17, v16;
	v31 =	vadd.f32 v63, v31  }
0x15e: {  	v45 =	vld.idx.msk [tilespmem:v40+s12+$0x0], $0xffff  }
0x15f: {  	v46 =	vor.u32 s17, v17;
	v31 =	vadd.f32 v41, v31  }
0x160: {  	v47 =	vld.idx.msk [tilespmem:v42+s12+$0x0], $0xffff  }
0x161: {  	v48 =	vor.u32 s17, v18;
	v31 =	vadd.f32 v43, v31  }
0x162: {  	v49 =	vld.idx.msk [tilespmem:v44+s12+$0x0], $0xffff  }
0x163: {  	v50 =	vor.u32 s17, v19;
	v31 =	vadd.f32 v45, v31  }
0x164: {  	v51 =	vld.idx.msk [tilespmem:v46+s12+$0x0], $0xffff  }
0x165: {  	v31 =	vadd.f32 v47, v31  }
0x166: {  	v52 =	vld.idx.msk [tilespmem:v48+s12+$0x0], $0xffff  }
0x167: {  	v31 =	vadd.f32 v49, v31  }
0x168: {  	v53 =	vld.idx.msk [tilespmem:v50+s12+$0x0], $0xffff  }
0x169: {  	s30 =	simm.s32 $0x200;
	v31 =	vadd.f32 v51, v31  }
0x16a: {  	v54 =	vor.u32 s30, v1  }
0x16b: {  	v55 =	vand.u32 v21, v54;
	v31 =	vadd.f32 v52, v31;
	_ =	sdelay $0x1  }
0x16c: {  	v56 =	vor.u32 s30, v5;
	v31 =	vadd.f32 v53, v31;
	_ =	sdelay $0x1  }
0x16d: {  	[tilespmem:s16+$0xFFFFFFF0] =	vst v31;
	v31 =	vor.u32 s30, v6  }
0x16e: {  	v32 =	vld.idx.msk [tilespmem:v55+s12+$0x0], $0xffff  }
0x16f: {  	v57 =	vor.u32 s30, v7  }
0x170: {  	v33 =	vld.idx.msk [tilespmem:v56+s12+$0x0], $0xffff  }
0x171: {  	v58 =	vor.u32 s30, v8  }
0x172: {  	v31 =	vld.idx.msk [tilespmem:v31+s12+$0x0], $0xffff  }
0x173: {  	v59 =	vor.u32 s30, v9;
	v32 =	vadd.f32 $0.0e+00, v32  }
0x174: {  	v34 =	vld.idx.msk [tilespmem:v57+s12+$0x0], $0xffff  }
0x175: {  	v60 =	vor.u32 s30, v10;
	v32 =	vadd.f32 v33, v32  }
0x176: {  	v61 =	vld.idx.msk [tilespmem:v58+s12+$0x0], $0xffff  }
0x177: {  	v62 =	vor.u32 s30, v11;
	v31 =	vadd.f32 v31, v32  }
0x178: {  	v63 =	vld.idx.msk [tilespmem:v59+s12+$0x0], $0xffff  }
0x179: {  	v40 =	vor.u32 s30, v12;
	v31 =	vadd.f32 v34, v31  }
0x17a: {  	v41 =	vld.idx.msk [tilespmem:v60+s12+$0x0], $0xffff  }
0x17b: {  	v42 =	vor.u32 s30, v13;
	v31 =	vadd.f32 v61, v31  }
0x17c: {  	v43 =	vld.idx.msk [tilespmem:v62+s12+$0x0], $0xffff  }
0x17d: {  	v44 =	vor.u32 s30, v14;
	v31 =	vadd.f32 v63, v31  }
0x17e: {  	v45 =	vld.idx.msk [tilespmem:v40+s12+$0x0], $0xffff  }
0x17f: {  	v46 =	vor.u32 s30, v15;
	v31 =	vadd.f32 v41, v31  }
0x180: {  	v47 =	vld.idx.msk [tilespmem:v42+s12+$0x0], $0xffff  }
0x181: {  	v48 =	vor.u32 s30, v16;
	v31 =	vadd.f32 v43, v31  }
0x182: {  	v49 =	vld.idx.msk [tilespmem:v44+s12+$0x0], $0xffff  }
0x183: {  	v50 =	vor.u32 s30, v17;
	v31 =	vadd.f32 v45, v31  }
0x184: {  	v51 =	vld.idx.msk [tilespmem:v46+s12+$0x0], $0xffff  }
0x185: {  	v52 =	vor.u32 s30, v18;
	v31 =	vadd.f32 v47, v31  }
0x186: {  	v53 =	vld.idx.msk [tilespmem:v48+s12+$0x0], $0xffff  }
0x187: {  	v54 =	vor.u32 s30, v19;
	v31 =	vadd.f32 v49, v31  }
0x188: {  	v55 =	vld.idx.msk [tilespmem:v50+s12+$0x0], $0xffff  }
0x189: {  	v31 =	vadd.f32 v51, v31  }
0x18a: {  	v56 =	vld.idx.msk [tilespmem:v52+s12+$0x0], $0xffff  }
0x18b: {  	v31 =	vadd.f32 v53, v31  }
0x18c: {  	v57 =	vld.idx.msk [tilespmem:v54+s12+$0x0], $0xffff  }
0x18d: {  	s31 =	simm.s32 $0x300;
	v31 =	vadd.f32 v55, v31  }
0x18e: {  	v58 =	vor.u32 s31, v1  }
0x18f: {  	v59 =	vand.u32 v22, v58;
	v31 =	vadd.f32 v56, v31;
	_ =	sdelay $0x1  }
0x190: {  	v60 =	vor.u32 s31, v5;
	v31 =	vadd.f32 v57, v31;
	_ =	sdelay $0x1  }
0x191: {  	v61 =	vor.u32 s31, v6;
	[tilespmem:s16+$0x0] =	vst v31  }
0x192: {  	v31 =	vld.idx.msk [tilespmem:v59+s12+$0x0], $0xffff  }
0x193: {  	v62 =	vor.u32 s31, v7  }
0x194: {  	v33 =	vld.idx.msk [tilespmem:v60+s12+$0x0], $0xffff  }
0x195: {  	v63 =	vor.u32 s31, v8  }
0x196: {  	v34 =	vld.idx.msk [tilespmem:v61+s12+$0x0], $0xffff  }
0x197: {  	v40 =	vor.u32 s31, v9;
	v31 =	vadd.f32 $0.0e+00, v31  }
0x198: {  	v32 =	vld.idx.msk [tilespmem:v62+s12+$0x0], $0xffff  }
0x199: {  	v41 =	vor.u32 s31, v10;
	v31 =	vadd.f32 v33, v31  }
0x19a: {  	v42 =	vld.idx.msk [tilespmem:v63+s12+$0x0], $0xffff  }
0x19b: {  	v43 =	vor.u32 s31, v11;
	v31 =	vadd.f32 v34, v31  }
0x19c: {  	v44 =	vld.idx.msk [tilespmem:v40+s12+$0x0], $0xffff  }
0x19d: {  	v45 =	vor.u32 s31, v12;
	v31 =	vadd.f32 v32, v31  }
0x19e: {  	v46 =	vld.idx.msk [tilespmem:v41+s12+$0x0], $0xffff  }
0x19f: {  	v47 =	vor.u32 s31, v13;
	v31 =	vadd.f32 v42, v31  }
0x1a0: {  	v48 =	vld.idx.msk [tilespmem:v43+s12+$0x0], $0xffff  }
0x1a1: {  	v49 =	vor.u32 s31, v14;
	v31 =	vadd.f32 v44, v31  }
0x1a2: {  	v50 =	vld.idx.msk [tilespmem:v45+s12+$0x0], $0xffff  }
0x1a3: {  	v51 =	vor.u32 s31, v15;
	v31 =	vadd.f32 v46, v31  }
0x1a4: {  	v52 =	vld.idx.msk [tilespmem:v47+s12+$0x0], $0xffff  }
0x1a5: {  	v53 =	vor.u32 s31, v16;
	v31 =	vadd.f32 v48, v31  }
0x1a6: {  	v54 =	vld.idx.msk [tilespmem:v49+s12+$0x0], $0xffff  }
0x1a7: {  	v55 =	vor.u32 s31, v17;
	v31 =	vadd.f32 v50, v31  }
0x1a8: {  	v56 =	vld.idx.msk [tilespmem:v51+s12+$0x0], $0xffff  }
0x1a9: {  	v57 =	vor.u32 s31, v18;
	v31 =	vadd.f32 v52, v31  }
0x1aa: {  	v58 =	vld.idx.msk [tilespmem:v53+s12+$0x0], $0xffff  }
0x1ab: {  	v59 =	vor.u32 s31, v19;
	v31 =	vadd.f32 v54, v31  }
0x1ac: {  	v60 =	vld.idx.msk [tilespmem:v55+s12+$0x0], $0xffff  }
0x1ad: {  	v31 =	vadd.f32 v56, v31  }
0x1ae: {  	v61 =	vld.idx.msk [tilespmem:v57+s12+$0x0], $0xffff  }
0x1af: {  	v31 =	vadd.f32 v58, v31  }
0x1b0: {  	v62 =	vld.idx.msk [tilespmem:v59+s12+$0x0], $0xffff  }
0x1b1: {  	s17 =	simm.s32 $0x400;
	v31 =	vadd.f32 v60, v31  }
0x1b2: {  	v63 =	vor.u32 s17, v1  }
0x1b3: {  	v33 =	vand.u32 v4, v63;
	v34 =	vadd.f32 v61, v31;
	_ =	sdelay $0x1  }
0x1b4: {  	v32 =	vor.u32 s17, v5;
	v34 =	vadd.f32 v62, v34  }
0x1b5: {  	s18 =	simm.s32 $0x4;
	s19 =	simm.s32 $0x800;
	v31 =	vor.u32 s17, v6  }
.LBB2_14:
0x1b6: {  	v35 =	vor.u32 s19, v6;
	s18 =	sadd.s32 $0x4, s18;
	[tilespmem:s16+$0x10] =	vst v34;
	s16 =	sadd.s32 $0x40, s16  }
0x1b7: {  	p0 =	slt.u32 s18, $0x1D4;
	v33 =	vld.idx.msk [tilespmem:v33+s12+$0x0], $0xffff  }
0x1b8: {  	v34 =	vor.u32 s17, v7  }
0x1b9: {  	v32 =	vld.idx.msk [tilespmem:v32+s12+$0x0], $0xffff  }
0x1ba: {  	v36 =	vor.u32 s17, v8  }
0x1bb: {  	v37 =	vld.idx.msk [tilespmem:v31+s12+$0x0], $0xffff;
	v31 =	vmov v35  }
0x1bc: {  	v35 =	vor.u32 s17, v9  }
0x1bd: {  	v33 =	vadd.f32 $0.0e+00, v33;
	v34 =	vld.idx.msk [tilespmem:v34+s12+$0x0], $0xffff  }
0x1be: {  	v38 =	vor.u32 s17, v10  }
0x1bf: {  	v32 =	vadd.f32 v32, v33;
	v33 =	vld.idx.msk [tilespmem:v36+s12+$0x0], $0xffff  }
0x1c0: {  	v36 =	vor.u32 s17, v11  }
0x1c1: {  	v32 =	vadd.f32 v37, v32;
	v35 =	vld.idx.msk [tilespmem:v35+s12+$0x0], $0xffff  }
0x1c2: {  	v37 =	vor.u32 s17, v12  }
0x1c3: {  	v32 =	vadd.f32 v34, v32;
	v34 =	vld.idx.msk [tilespmem:v38+s12+$0x0], $0xffff  }
0x1c4: {  	v38 =	vor.u32 s17, v13  }
0x1c5: {  	v32 =	vadd.f32 v33, v32;
	v33 =	vld.idx.msk [tilespmem:v36+s12+$0x0], $0xffff  }
0x1c6: {  	v36 =	vor.u32 s17, v14  }
0x1c7: {  	v32 =	vadd.f32 v35, v32;
	v35 =	vld.idx.msk [tilespmem:v37+s12+$0x0], $0xffff  }
0x1c8: {  	v37 =	vor.u32 s17, v15  }
0x1c9: {  	v32 =	vadd.f32 v34, v32;
	v34 =	vld.idx.msk [tilespmem:v38+s12+$0x0], $0xffff  }
0x1ca: {  	v38 =	vor.u32 s17, v16  }
0x1cb: {  	v32 =	vadd.f32 v33, v32;
	v33 =	vld.idx.msk [tilespmem:v36+s12+$0x0], $0xffff  }
0x1cc: {  	v36 =	vor.u32 s17, v17  }
0x1cd: {  	v32 =	vadd.f32 v35, v32;
	v35 =	vld.idx.msk [tilespmem:v37+s12+$0x0], $0xffff  }
0x1ce: {  	v37 =	vor.u32 s17, v18  }
0x1cf: {  	v32 =	vadd.f32 v34, v32;
	v34 =	vld.idx.msk [tilespmem:v38+s12+$0x0], $0xffff  }
0x1d0: {  	v38 =	vor.u32 s17, v19  }
0x1d1: {  	v32 =	vadd.f32 v33, v32;
	v33 =	vld.idx.msk [tilespmem:v36+s12+$0x0], $0xffff;
	_ =	sdelay $0x1  }
0x1d2: {  	v32 =	vadd.f32 v35, v32;
	v35 =	vld.idx.msk [tilespmem:v37+s12+$0x0], $0xffff;
	_ =	sdelay $0x1  }
0x1d3: {  	v32 =	vadd.f32 v34, v32;
	v34 =	vld.idx.msk [tilespmem:v38+s12+$0x0], $0xffff;
	_ =	sdelay $0x1  }
0x1d4: {  	s20 =	sadd.s32 $0x100, s17;
	v32 =	vadd.f32 v33, v32  }
0x1d5: {  	v33 =	vor.u32 s20, v1  }
0x1d6: {  	v33 =	vand.u32 v20, v33;
	v32 =	vadd.f32 v35, v32;
	_ =	sdelay $0x1  }
0x1d7: {  	v32 =	vadd.f32 v34, v32;
	v34 =	vor.u32 s20, v5;
	_ =	sdelay $0x1  }
0x1d8: {  	[tilespmem:s16+$0xFFFFFFE0] =	vst v32;
	v32 =	vor.u32 s20, v6  }
0x1d9: {  	v33 =	vld.idx.msk [tilespmem:v33+s12+$0x0], $0xffff  }
0x1da: {  	v35 =	vor.u32 s20, v7  }
0x1db: {  	v34 =	vld.idx.msk [tilespmem:v34+s12+$0x0], $0xffff  }
0x1dc: {  	v36 =	vor.u32 s20, v8  }
0x1dd: {  	v32 =	vld.idx.msk [tilespmem:v32+s12+$0x0], $0xffff  }
0x1de: {  	v37 =	vor.u32 s20, v9  }
0x1df: {  	v33 =	vadd.f32 $0.0e+00, v33;
	v35 =	vld.idx.msk [tilespmem:v35+s12+$0x0], $0xffff  }
0x1e0: {  	v38 =	vor.u32 s20, v10  }
0x1e1: {  	v33 =	vadd.f32 v34, v33;
	v34 =	vld.idx.msk [tilespmem:v36+s12+$0x0], $0xffff  }
0x1e2: {  	v36 =	vor.u32 s20, v11  }
0x1e3: {  	v32 =	vadd.f32 v32, v33;
	v33 =	vld.idx.msk [tilespmem:v37+s12+$0x0], $0xffff  }
0x1e4: {  	v37 =	vor.u32 s20, v12  }
0x1e5: {  	v32 =	vadd.f32 v35, v32;
	v35 =	vld.idx.msk [tilespmem:v38+s12+$0x0], $0xffff  }
0x1e6: {  	v38 =	vor.u32 s20, v13  }
0x1e7: {  	v32 =	vadd.f32 v34, v32;
	v34 =	vld.idx.msk [tilespmem:v36+s12+$0x0], $0xffff  }
0x1e8: {  	v36 =	vor.u32 s20, v14  }
0x1e9: {  	v32 =	vadd.f32 v33, v32;
	v33 =	vld.idx.msk [tilespmem:v37+s12+$0x0], $0xffff  }
0x1ea: {  	v37 =	vor.u32 s20, v15  }
0x1eb: {  	v32 =	vadd.f32 v35, v32;
	v35 =	vld.idx.msk [tilespmem:v38+s12+$0x0], $0xffff  }
0x1ec: {  	v38 =	vor.u32 s20, v16  }
0x1ed: {  	v32 =	vadd.f32 v34, v32;
	v34 =	vld.idx.msk [tilespmem:v36+s12+$0x0], $0xffff  }
0x1ee: {  	v36 =	vor.u32 s20, v17  }
0x1ef: {  	v32 =	vadd.f32 v33, v32;
	v33 =	vld.idx.msk [tilespmem:v37+s12+$0x0], $0xffff  }
0x1f0: {  	v37 =	vor.u32 s20, v18  }
0x1f1: {  	v32 =	vadd.f32 v35, v32;
	v35 =	vld.idx.msk [tilespmem:v38+s12+$0x0], $0xffff  }
0x1f2: {  	v38 =	vor.u32 s20, v19  }
0x1f3: {  	v32 =	vadd.f32 v34, v32;
	v34 =	vld.idx.msk [tilespmem:v36+s12+$0x0], $0xffff;
	_ =	sdelay $0x1  }
0x1f4: {  	v32 =	vadd.f32 v33, v32;
	v33 =	vld.idx.msk [tilespmem:v37+s12+$0x0], $0xffff;
	_ =	sdelay $0x1  }
0x1f5: {  	v32 =	vadd.f32 v35, v32;
	v35 =	vld.idx.msk [tilespmem:v38+s12+$0x0], $0xffff;
	_ =	sdelay $0x1  }
0x1f6: {  	s20 =	sadd.s32 $0x200, s17;
	v32 =	vadd.f32 v34, v32  }
0x1f7: {  	v34 =	vor.u32 s20, v1  }
0x1f8: {  	v32 =	vadd.f32 v33, v32;
	v33 =	vand.u32 v21, v34;
	_ =	sdelay $0x1  }
0x1f9: {  	v34 =	vor.u32 s20, v5;
	v32 =	vadd.f32 v35, v32;
	_ =	sdelay $0x1  }
0x1fa: {  	[tilespmem:s16+$0xFFFFFFF0] =	vst v32;
	v32 =	vor.u32 s20, v6  }
0x1fb: {  	v33 =	vld.idx.msk [tilespmem:v33+s12+$0x0], $0xffff  }
0x1fc: {  	v35 =	vor.u32 s20, v7  }
0x1fd: {  	v34 =	vld.idx.msk [tilespmem:v34+s12+$0x0], $0xffff  }
0x1fe: {  	v36 =	vor.u32 s20, v8  }
0x1ff: {  	v32 =	vld.idx.msk [tilespmem:v32+s12+$0x0], $0xffff  }
0x200: {  	v37 =	vor.u32 s20, v9  }
0x201: {  	v33 =	vadd.f32 $0.0e+00, v33;
	v35 =	vld.idx.msk [tilespmem:v35+s12+$0x0], $0xffff  }
0x202: {  	v38 =	vor.u32 s20, v10  }
0x203: {  	v33 =	vadd.f32 v34, v33;
	v34 =	vld.idx.msk [tilespmem:v36+s12+$0x0], $0xffff  }
0x204: {  	v36 =	vor.u32 s20, v11  }
0x205: {  	v32 =	vadd.f32 v32, v33;
	v33 =	vld.idx.msk [tilespmem:v37+s12+$0x0], $0xffff  }
0x206: {  	v37 =	vor.u32 s20, v12  }
0x207: {  	v32 =	vadd.f32 v35, v32;
	v35 =	vld.idx.msk [tilespmem:v38+s12+$0x0], $0xffff  }
0x208: {  	v38 =	vor.u32 s20, v13  }
0x209: {  	v32 =	vadd.f32 v34, v32;
	v34 =	vld.idx.msk [tilespmem:v36+s12+$0x0], $0xffff  }
0x20a: {  	v36 =	vor.u32 s20, v14  }
0x20b: {  	v32 =	vadd.f32 v33, v32;
	v33 =	vld.idx.msk [tilespmem:v37+s12+$0x0], $0xffff  }
0x20c: {  	v37 =	vor.u32 s20, v15  }
0x20d: {  	v32 =	vadd.f32 v35, v32;
	v35 =	vld.idx.msk [tilespmem:v38+s12+$0x0], $0xffff  }
0x20e: {  	v38 =	vor.u32 s20, v16  }
0x20f: {  	v32 =	vadd.f32 v34, v32;
	v34 =	vld.idx.msk [tilespmem:v36+s12+$0x0], $0xffff  }
0x210: {  	v36 =	vor.u32 s20, v17  }
0x211: {  	v32 =	vadd.f32 v33, v32;
	v33 =	vld.idx.msk [tilespmem:v37+s12+$0x0], $0xffff  }
0x212: {  	v37 =	vor.u32 s20, v18  }
0x213: {  	v32 =	vadd.f32 v35, v32;
	v35 =	vld.idx.msk [tilespmem:v38+s12+$0x0], $0xffff  }
0x214: {  	v38 =	vor.u32 s20, v19  }
0x215: {  	v32 =	vadd.f32 v34, v32;
	v34 =	vld.idx.msk [tilespmem:v36+s12+$0x0], $0xffff;
	_ =	sdelay $0x1  }
0x216: {  	v32 =	vadd.f32 v33, v32;
	v33 =	vld.idx.msk [tilespmem:v37+s12+$0x0], $0xffff;
	_ =	sdelay $0x1  }
0x217: {  	v32 =	vadd.f32 v35, v32;
	v35 =	vld.idx.msk [tilespmem:v38+s12+$0x0], $0xffff;
	_ =	sdelay $0x1  }
0x218: {  	s20 =	sadd.s32 $0x300, s17;
	s17 =	smov.u32 s19;
	v32 =	vadd.f32 v34, v32  }
0x219: {  	v34 =	vor.u32 s20, v1  }
0x21a: {  	v32 =	vadd.f32 v33, v32;
	v33 =	vand.u32 v22, v34  }
0x21b: {  	v34 =	vor.u32 s20, v5  }
0x21c: {  	v32 =	vadd.f32 v35, v32;
	v35 =	vor.u32 s20, v6  }
0x21d: {  	v36 =	vor.u32 s20, v7  }
0x21e: {  	[tilespmem:s16+$0x0] =	vst v32;
	v32 =	vor.u32 s20, v8  }
0x21f: {  	v37 =	vor.u32 s20, v9;
	v33 =	vld.idx.msk [tilespmem:v33+s12+$0x0], $0xffff  }
0x220: {  	v38 =	vor.u32 s20, v10;
	v34 =	vld.idx.msk [tilespmem:v34+s12+$0x0], $0xffff  }
0x221: {  	v39 =	vor.u32 s20, v11;
	v35 =	vld.idx.msk [tilespmem:v35+s12+$0x0], $0xffff  }
0x222: {  	v40 =	vor.u32 s20, v12;
	v36 =	vld.idx.msk [tilespmem:v36+s12+$0x0], $0xffff  }
0x223: {  	v41 =	vor.u32 s20, v13;
	v32 =	vld.idx.msk [tilespmem:v32+s12+$0x0], $0xffff  }
0x224: {  	v42 =	vor.u32 s20, v14;
	v37 =	vld.idx.msk [tilespmem:v37+s12+$0x0], $0xffff  }
0x225: {  	v43 =	vor.u32 s20, v15;
	v33 =	vadd.f32 $0.0e+00, v33;
	v38 =	vld.idx.msk [tilespmem:v38+s12+$0x0], $0xffff  }
0x226: {  	v44 =	vor.u32 s20, v16;
	v39 =	vld.idx.msk [tilespmem:v39+s12+$0x0], $0xffff  }
0x227: {  	v33 =	vadd.f32 v34, v33;
	v34 =	vld.idx.msk [tilespmem:v40+s12+$0x0], $0xffff;
	v40 =	vor.u32 s20, v17  }
0x228: {  	v45 =	vor.u32 s20, v18;
	v41 =	vld.idx.msk [tilespmem:v41+s12+$0x0], $0xffff  }
0x229: {  	v33 =	vadd.f32 v35, v33;
	v35 =	vld.idx.msk [tilespmem:v42+s12+$0x0], $0xffff;
	v42 =	vor.u32 s20, v19  }
0x22a: {  	v43 =	vld.idx.msk [tilespmem:v43+s12+$0x0], $0xffff  }
0x22b: {  	v33 =	vadd.f32 v36, v33;
	v36 =	vld.idx.msk [tilespmem:v44+s12+$0x0], $0xffff  }
0x22c: {  	v40 =	vld.idx.msk [tilespmem:v40+s12+$0x0], $0xffff  }
0x22d: {  	v32 =	vadd.f32 v32, v33;
	v44 =	vld.idx.msk [tilespmem:v45+s12+$0x0], $0xffff  }
0x22e: {  	v42 =	vld.idx.msk [tilespmem:v42+s12+$0x0], $0xffff  }
0x22f: {  	v32 =	vadd.f32 v37, v32;
	_ =	sdelay $0x1  }
0x230: {  	v32 =	vadd.f32 v38, v32;
	_ =	sdelay $0x1  }
0x231: {  	v32 =	vadd.f32 v39, v32;
	_ =	sdelay $0x1  }
0x232: {  	v32 =	vadd.f32 v34, v32;
	_ =	sdelay $0x1  }
0x233: {  	v32 =	vadd.f32 v41, v32;
	_ =	sdelay $0x1  }
0x234: {  	v32 =	vadd.f32 v35, v32;
	_ =	sdelay $0x1  }
0x235: {  	v32 =	vadd.f32 v43, v32;
	_ =	sdelay $0x1  }
0x236: {  	v32 =	vadd.f32 v36, v32;
	_ =	sdelay $0x1  }
0x237: {  	v32 =	vadd.f32 v40, v32  }
.Ltmp6:
0x238: {  	v33 =	vor.u32 s19, v1;
	(pc) =	sbr.rel @p0 .LBB2_14-.Ltmp6, $3  }
0x239: {  	v33 =	vand.u32 v4, v33;
	v34 =	vadd.f32 v44, v32;
	_ =	sdelay $0x1  }
0x23a: {  	v32 =	vor.u32 s19, v5;
	v34 =	vadd.f32 v42, v34  }
0x23b: {  	s19 =	sadd.s32 $0x400, s19  }
0x23c: {  	_ =	sdelay $0x2  }
0x23d: {  	[tilespmem:s16+$0x10] =	vst v34  }
0x23e: {  	v33 =	vld.idx.msk [tilespmem:v33+s12+$0x0], $0xffff  }
0x23f: {  	v43 =	vor.u32 s17, v7  }
0x240: {  	v32 =	vld.idx.msk [tilespmem:v32+s12+$0x0], $0xffff  }
0x241: {  	v35 =	vor.u32 s17, v8  }
0x242: {  	v31 =	vld.idx.msk [tilespmem:v31+s12+$0x0], $0xffff  }
0x243: {  	v36 =	vor.u32 s17, v9;
	v33 =	vadd.f32 $0.0e+00, v33  }
0x244: {  	v34 =	vld.idx.msk [tilespmem:v43+s12+$0x0], $0xffff  }
0x245: {  	v37 =	vor.u32 s17, v10;
	v32 =	vadd.f32 v32, v33  }
0x246: {  	v44 =	vld.idx.msk [tilespmem:v35+s12+$0x0], $0xffff  }
0x247: {  	v45 =	vor.u32 s17, v11;
	v31 =	vadd.f32 v31, v32  }
0x248: {  	v46 =	vld.idx.msk [tilespmem:v36+s12+$0x0], $0xffff  }
0x249: {  	v47 =	vor.u32 s17, v12;
	v31 =	vadd.f32 v34, v31  }
0x24a: {  	v48 =	vld.idx.msk [tilespmem:v37+s12+$0x0], $0xffff  }
0x24b: {  	v49 =	vor.u32 s17, v13;
	v31 =	vadd.f32 v44, v31  }
0x24c: {  	v50 =	vld.idx.msk [tilespmem:v45+s12+$0x0], $0xffff  }
0x24d: {  	v51 =	vor.u32 s17, v14;
	v31 =	vadd.f32 v46, v31  }
0x24e: {  	v52 =	vld.idx.msk [tilespmem:v47+s12+$0x0], $0xffff  }
0x24f: {  	v53 =	vor.u32 s17, v15;
	v31 =	vadd.f32 v48, v31  }
0x250: {  	v54 =	vld.idx.msk [tilespmem:v49+s12+$0x0], $0xffff  }
0x251: {  	v55 =	vor.u32 s17, v16;
	v31 =	vadd.f32 v50, v31  }
0x252: {  	v56 =	vld.idx.msk [tilespmem:v51+s12+$0x0], $0xffff  }
0x253: {  	v57 =	vor.u32 s17, v17;
	v31 =	vadd.f32 v52, v31  }
0x254: {  	v58 =	vld.idx.msk [tilespmem:v53+s12+$0x0], $0xffff  }
0x255: {  	v59 =	vor.u32 s17, v18;
	v31 =	vadd.f32 v54, v31  }
0x256: {  	v60 =	vld.idx.msk [tilespmem:v55+s12+$0x0], $0xffff  }
0x257: {  	v61 =	vor.u32 s17, v19;
	v31 =	vadd.f32 v56, v31  }
0x258: {  	v62 =	vld.idx.msk [tilespmem:v57+s12+$0x0], $0xffff  }
0x259: {  	v31 =	vadd.f32 v58, v31  }
0x25a: {  	v63 =	vld.idx.msk [tilespmem:v59+s12+$0x0], $0xffff  }
0x25b: {  	v31 =	vadd.f32 v60, v31  }
0x25c: {  	v36 =	vld.idx.msk [tilespmem:v61+s12+$0x0], $0xffff  }
0x25d: {  	s18 =	sadd.s32 $0x100, s17;
	v31 =	vadd.f32 v62, v31  }
0x25e: {  	v37 =	vor.u32 s18, v1  }
0x25f: {  	v38 =	vand.u32 v20, v37;
	v31 =	vadd.f32 v63, v31;
	_ =	sdelay $0x1  }
0x260: {  	v39 =	vor.u32 s18, v5;
	v31 =	vadd.f32 v36, v31  }
0x261: {  	s29 =	sadd.s32 $0x40, s16  }
0x262: {  	[tilespmem:s29+$0xFFFFFFE0] =	vst v31;
	v31 =	vor.u32 s18, v6  }
0x263: {  	v32 =	vld.idx.msk [tilespmem:v38+s12+$0x0], $0xffff  }
0x264: {  	v40 =	vor.u32 s18, v7  }
0x265: {  	v33 =	vld.idx.msk [tilespmem:v39+s12+$0x0], $0xffff  }
0x266: {  	v41 =	vor.u32 s18, v8  }
0x267: {  	v31 =	vld.idx.msk [tilespmem:v31+s12+$0x0], $0xffff  }
0x268: {  	v42 =	vor.u32 s18, v9;
	v32 =	vadd.f32 $0.0e+00, v32  }
0x269: {  	v34 =	vld.idx.msk [tilespmem:v40+s12+$0x0], $0xffff  }
0x26a: {  	v43 =	vor.u32 s18, v10;
	v32 =	vadd.f32 v33, v32  }
0x26b: {  	v44 =	vld.idx.msk [tilespmem:v41+s12+$0x0], $0xffff  }
0x26c: {  	v45 =	vor.u32 s18, v11;
	v31 =	vadd.f32 v31, v32  }
0x26d: {  	v46 =	vld.idx.msk [tilespmem:v42+s12+$0x0], $0xffff  }
0x26e: {  	v47 =	vor.u32 s18, v12;
	v31 =	vadd.f32 v34, v31  }
0x26f: {  	v48 =	vld.idx.msk [tilespmem:v43+s12+$0x0], $0xffff  }
0x270: {  	v49 =	vor.u32 s18, v13;
	v31 =	vadd.f32 v44, v31  }
0x271: {  	v50 =	vld.idx.msk [tilespmem:v45+s12+$0x0], $0xffff  }
0x272: {  	v51 =	vor.u32 s18, v14;
	v31 =	vadd.f32 v46, v31  }
0x273: {  	v52 =	vld.idx.msk [tilespmem:v47+s12+$0x0], $0xffff  }
0x274: {  	v53 =	vor.u32 s18, v15;
	v31 =	vadd.f32 v48, v31  }
0x275: {  	v54 =	vld.idx.msk [tilespmem:v49+s12+$0x0], $0xffff  }
0x276: {  	v55 =	vor.u32 s18, v16;
	v31 =	vadd.f32 v50, v31  }
0x277: {  	v56 =	vld.idx.msk [tilespmem:v51+s12+$0x0], $0xffff  }
0x278: {  	v57 =	vor.u32 s18, v17;
	v31 =	vadd.f32 v52, v31  }
0x279: {  	v58 =	vld.idx.msk [tilespmem:v53+s12+$0x0], $0xffff  }
0x27a: {  	v59 =	vor.u32 s18, v18;
	v31 =	vadd.f32 v54, v31  }
0x27b: {  	v60 =	vld.idx.msk [tilespmem:v55+s12+$0x0], $0xffff  }
0x27c: {  	v61 =	vor.u32 s18, v19;
	v31 =	vadd.f32 v56, v31  }
0x27d: {  	v62 =	vld.idx.msk [tilespmem:v57+s12+$0x0], $0xffff  }
0x27e: {  	v31 =	vadd.f32 v58, v31  }
0x27f: {  	v63 =	vld.idx.msk [tilespmem:v59+s12+$0x0], $0xffff  }
0x280: {  	v31 =	vadd.f32 v60, v31  }
0x281: {  	v36 =	vld.idx.msk [tilespmem:v61+s12+$0x0], $0xffff  }
0x282: {  	s30 =	sadd.s32 $0x200, s17;
	v31 =	vadd.f32 v62, v31  }
0x283: {  	v37 =	vor.u32 s30, v1  }
0x284: {  	v38 =	vand.u32 v21, v37;
	v31 =	vadd.f32 v63, v31;
	_ =	sdelay $0x1  }
0x285: {  	v39 =	vor.u32 s30, v5;
	v31 =	vadd.f32 v36, v31;
	_ =	sdelay $0x1  }
0x286: {  	[tilespmem:s29+$0xFFFFFFF0] =	vst v31;
	v31 =	vor.u32 s30, v6  }
0x287: {  	v32 =	vld.idx.msk [tilespmem:v38+s12+$0x0], $0xffff  }
0x288: {  	v40 =	vor.u32 s30, v7  }
0x289: {  	v33 =	vld.idx.msk [tilespmem:v39+s12+$0x0], $0xffff  }
0x28a: {  	v41 =	vor.u32 s30, v8  }
0x28b: {  	v31 =	vld.idx.msk [tilespmem:v31+s12+$0x0], $0xffff  }
0x28c: {  	v42 =	vor.u32 s30, v9;
	v32 =	vadd.f32 $0.0e+00, v32  }
0x28d: {  	v34 =	vld.idx.msk [tilespmem:v40+s12+$0x0], $0xffff  }
0x28e: {  	v43 =	vor.u32 s30, v10;
	v32 =	vadd.f32 v33, v32  }
0x28f: {  	v44 =	vld.idx.msk [tilespmem:v41+s12+$0x0], $0xffff  }
0x290: {  	v45 =	vor.u32 s30, v11;
	v31 =	vadd.f32 v31, v32  }
0x291: {  	v46 =	vld.idx.msk [tilespmem:v42+s12+$0x0], $0xffff  }
0x292: {  	v47 =	vor.u32 s30, v12;
	v31 =	vadd.f32 v34, v31  }
0x293: {  	v48 =	vld.idx.msk [tilespmem:v43+s12+$0x0], $0xffff  }
0x294: {  	v49 =	vor.u32 s30, v13;
	v31 =	vadd.f32 v44, v31  }
0x295: {  	v50 =	vld.idx.msk [tilespmem:v45+s12+$0x0], $0xffff  }
0x296: {  	v51 =	vor.u32 s30, v14;
	v31 =	vadd.f32 v46, v31  }
0x297: {  	v52 =	vld.idx.msk [tilespmem:v47+s12+$0x0], $0xffff  }
0x298: {  	v53 =	vor.u32 s30, v15;
	v31 =	vadd.f32 v48, v31  }
0x299: {  	v54 =	vld.idx.msk [tilespmem:v49+s12+$0x0], $0xffff  }
0x29a: {  	v55 =	vor.u32 s30, v16;
	v31 =	vadd.f32 v50, v31  }
0x29b: {  	v56 =	vld.idx.msk [tilespmem:v51+s12+$0x0], $0xffff  }
0x29c: {  	v57 =	vor.u32 s30, v17;
	v31 =	vadd.f32 v52, v31  }
0x29d: {  	v58 =	vld.idx.msk [tilespmem:v53+s12+$0x0], $0xffff  }
0x29e: {  	v59 =	vor.u32 s30, v18;
	v31 =	vadd.f32 v54, v31  }
0x29f: {  	v60 =	vld.idx.msk [tilespmem:v55+s12+$0x0], $0xffff  }
0x2a0: {  	v61 =	vor.u32 s30, v19;
	v31 =	vadd.f32 v56, v31  }
0x2a1: {  	v62 =	vld.idx.msk [tilespmem:v57+s12+$0x0], $0xffff  }
0x2a2: {  	v31 =	vadd.f32 v58, v31  }
0x2a3: {  	v63 =	vld.idx.msk [tilespmem:v59+s12+$0x0], $0xffff  }
0x2a4: {  	v31 =	vadd.f32 v60, v31  }
0x2a5: {  	v36 =	vld.idx.msk [tilespmem:v61+s12+$0x0], $0xffff  }
0x2a6: {  	s31 =	sadd.s32 $0x300, s17;
	v31 =	vadd.f32 v62, v31  }
0x2a7: {  	v37 =	vor.u32 s31, v1  }
0x2a8: {  	v38 =	vand.u32 v22, v37;
	v31 =	vadd.f32 v63, v31;
	_ =	sdelay $0x1  }
0x2a9: {  	v39 =	vor.u32 s31, v5;
	v31 =	vadd.f32 v36, v31;
	_ =	sdelay $0x1  }
0x2aa: {  	v40 =	vor.u32 s31, v6;
	[tilespmem:s29+$0x0] =	vst v31  }
0x2ab: {  	v31 =	vld.idx.msk [tilespmem:v38+s12+$0x0], $0xffff  }
0x2ac: {  	v41 =	vor.u32 s31, v7  }
0x2ad: {  	v33 =	vld.idx.msk [tilespmem:v39+s12+$0x0], $0xffff  }
0x2ae: {  	v42 =	vor.u32 s31, v8  }
0x2af: {  	v34 =	vld.idx.msk [tilespmem:v40+s12+$0x0], $0xffff  }
0x2b0: {  	v43 =	vor.u32 s31, v9;
	v31 =	vadd.f32 $0.0e+00, v31  }
0x2b1: {  	v32 =	vld.idx.msk [tilespmem:v41+s12+$0x0], $0xffff  }
0x2b2: {  	v44 =	vor.u32 s31, v10;
	v31 =	vadd.f32 v33, v31  }
0x2b3: {  	v45 =	vld.idx.msk [tilespmem:v42+s12+$0x0], $0xffff  }
0x2b4: {  	v46 =	vor.u32 s31, v11;
	v31 =	vadd.f32 v34, v31  }
0x2b5: {  	v47 =	vld.idx.msk [tilespmem:v43+s12+$0x0], $0xffff  }
0x2b6: {  	v48 =	vor.u32 s31, v12;
	v31 =	vadd.f32 v32, v31  }
0x2b7: {  	v49 =	vld.idx.msk [tilespmem:v44+s12+$0x0], $0xffff  }
0x2b8: {  	v50 =	vor.u32 s31, v13;
	v31 =	vadd.f32 v45, v31  }
0x2b9: {  	v51 =	vld.idx.msk [tilespmem:v46+s12+$0x0], $0xffff  }
0x2ba: {  	v52 =	vor.u32 s31, v14;
	v31 =	vadd.f32 v47, v31  }
0x2bb: {  	v53 =	vld.idx.msk [tilespmem:v48+s12+$0x0], $0xffff  }
0x2bc: {  	v54 =	vor.u32 s31, v15;
	v31 =	vadd.f32 v49, v31  }
0x2bd: {  	v55 =	vld.idx.msk [tilespmem:v50+s12+$0x0], $0xffff  }
0x2be: {  	v56 =	vor.u32 s31, v16;
	v31 =	vadd.f32 v51, v31  }
0x2bf: {  	v57 =	vld.idx.msk [tilespmem:v52+s12+$0x0], $0xffff  }
0x2c0: {  	v58 =	vor.u32 s31, v17;
	v31 =	vadd.f32 v53, v31  }
0x2c1: {  	v59 =	vld.idx.msk [tilespmem:v54+s12+$0x0], $0xffff  }
0x2c2: {  	v60 =	vor.u32 s31, v18;
	v31 =	vadd.f32 v55, v31  }
0x2c3: {  	v61 =	vld.idx.msk [tilespmem:v56+s12+$0x0], $0xffff  }
0x2c4: {  	v62 =	vor.u32 s31, v19;
	v31 =	vadd.f32 v57, v31  }
0x2c5: {  	v63 =	vld.idx.msk [tilespmem:v58+s12+$0x0], $0xffff  }
0x2c6: {  	v31 =	vadd.f32 v59, v31  }
0x2c7: {  	v36 =	vld.idx.msk [tilespmem:v60+s12+$0x0], $0xffff  }
0x2c8: {  	v31 =	vadd.f32 v61, v31  }
0x2c9: {  	v38 =	vld.idx.msk [tilespmem:v62+s12+$0x0], $0xffff  }
0x2ca: {  	v31 =	vadd.f32 v63, v31;
	_ =	sdelay $0x1  }
0x2cb: {  	v31 =	vadd.f32 v36, v31;
	_ =	sdelay $0x1  }
0x2cc: {  	v31 =	vadd.f32 v38, v31;
	_ =	sdelay $0x1  }
0x2cd: {  	[tilespmem:s29+$0x10] =	vst v31  }
0x2ce: {  	v31 =	vld.idx.msk [tilespmem:v23+s12+$0x0], $0xffff;
	_ =	sdelay $0x1  }
0x2cf: {  	v39 =	vld.idx.msk [tilespmem:v24+s12+$0x0], $0xffff;
	_ =	sdelay $0x1  }
0x2d0: {  	v40 =	vld.idx.msk [tilespmem:v25+s12+$0x0], $0xffff  }
0x2d1: {  	v31 =	vadd.f32 $0.0e+00, v31  }
0x2d2: {  	v41 =	vld.idx.msk [tilespmem:v26+s12+$0x0], $0xffff  }
0x2d3: {  	v31 =	vadd.f32 v39, v31  }
0x2d4: {  	v42 =	vld.idx.msk [tilespmem:v27+s12+$0x0], $0xffff  }
0x2d5: {  	v31 =	vadd.f32 v40, v31  }
0x2d6: {  	v43 =	vld.idx.msk [tilespmem:v28+s12+$0x0], $0xffff  }
0x2d7: {  	v44 =	vor.u32 $0x1D808, v1;
	v31 =	vadd.f32 v41, v31  }
0x2d8: {  	v45 =	vld.idx.msk [tilespmem:v29+s12+$0x0], $0xffff  }
0x2d9: {  	v46 =	vor.u32 $0x1D809, v1;
	v31 =	vadd.f32 v42, v31  }
0x2da: {  	v47 =	vld.idx.msk [tilespmem:v30+s12+$0x0], $0xffff  }
0x2db: {  	v48 =	vor.u32 $0x1D80A, v1;
	v31 =	vadd.f32 v43, v31  }
0x2dc: {  	v34 =	vld.idx.msk [tilespmem:v44+s12+$0x0], $0xffff  }
0x2dd: {  	v49 =	vor.u32 $0x1D80B, v1;
	v31 =	vadd.f32 v45, v31  }
0x2de: {  	v32 =	vld.idx.msk [tilespmem:v46+s12+$0x0], $0xffff  }
0x2df: {  	v50 =	vor.u32 $0x1D80C, v1;
	v31 =	vadd.f32 v47, v31  }
0x2e0: {  	v33 =	vld.idx.msk [tilespmem:v48+s12+$0x0], $0xffff  }
0x2e1: {  	v51 =	vor.u32 $0x1D80D, v1;
	v31 =	vadd.f32 v34, v31  }
0x2e2: {  	v35 =	vld.idx.msk [tilespmem:v49+s12+$0x0], $0xffff  }
0x2e3: {  	v52 =	vor.u32 $0x1D80E, v1;
	v31 =	vadd.f32 v32, v31  }
0x2e4: {  	v36 =	vld.idx.msk [tilespmem:v50+s12+$0x0], $0xffff  }
0x2e5: {  	v53 =	vor.u32 $0x1D80F, v1;
	v31 =	vadd.f32 v33, v31  }
0x2e6: {  	v34 =	vld.idx.msk [tilespmem:v51+s12+$0x0], $0xffff  }
0x2e7: {  	v31 =	vadd.f32 v35, v31  }
0x2e8: {  	v32 =	vld.idx.msk [tilespmem:v52+s12+$0x0], $0xffff  }
0x2e9: {  	v31 =	vadd.f32 v36, v31  }
0x2ea: {  	v33 =	vld.idx.msk [tilespmem:v53+s12+$0x0], $0xffff  }
0x2eb: {  	v31 =	vadd.f32 v34, v31;
	_ =	sdelay $0x1  }
0x2ec: {  	v54 =	vor.u32 $0x1D900, v1;
	v31 =	vadd.f32 v32, v31;
	_ =	sdelay $0x1  }
0x2ed: {  	v55 =	vor.u32 $0x1D901, v1;
	v31 =	vadd.f32 v33, v31;
	_ =	sdelay $0x1  }
0x2ee: {  	[tilespmem:$0x2D80] =	vst v31;
	v31 =	vor.u32 $0x1D902, v1  }
0x2ef: {  	v32 =	vld.idx.msk [tilespmem:v54+s12+$0x0], $0xffff  }
0x2f0: {  	v56 =	vor.u32 $0x1D903, v1  }
0x2f1: {  	v33 =	vld.idx.msk [tilespmem:v55+s12+$0x0], $0xffff  }
0x2f2: {  	v57 =	vor.u32 $0x1D904, v1  }
0x2f3: {  	v31 =	vld.idx.msk [tilespmem:v31+s12+$0x0], $0xffff  }
0x2f4: {  	v58 =	vor.u32 $0x1D905, v1;
	v32 =	vadd.f32 $0.0e+00, v32  }
0x2f5: {  	v34 =	vld.idx.msk [tilespmem:v56+s12+$0x0], $0xffff  }
0x2f6: {  	v59 =	vor.u32 $0x1D906, v1;
	v32 =	vadd.f32 v33, v32  }
0x2f7: {  	v35 =	vld.idx.msk [tilespmem:v57+s12+$0x0], $0xffff  }
0x2f8: {  	v60 =	vor.u32 $0x1D907, v1;
	v31 =	vadd.f32 v31, v32  }
0x2f9: {  	v36 =	vld.idx.msk [tilespmem:v58+s12+$0x0], $0xffff  }
0x2fa: {  	v61 =	vor.u32 $0x1D908, v1;
	v31 =	vadd.f32 v34, v31  }
0x2fb: {  	v33 =	vld.idx.msk [tilespmem:v59+s12+$0x0], $0xffff  }
0x2fc: {  	v62 =	vor.u32 $0x1D909, v1;
	v31 =	vadd.f32 v35, v31  }
0x2fd: {  	v32 =	vld.idx.msk [tilespmem:v60+s12+$0x0], $0xffff  }
0x2fe: {  	v63 =	vor.u32 $0x1D90A, v1;
	v31 =	vadd.f32 v36, v31  }
0x2ff: {  	v34 =	vld.idx.msk [tilespmem:v61+s12+$0x0], $0xffff  }
0x300: {  	v40 =	vor.u32 $0x1D90B, v1;
	v31 =	vadd.f32 v33, v31  }
0x301: {  	v35 =	vld.idx.msk [tilespmem:v62+s12+$0x0], $0xffff  }
0x302: {  	v41 =	vor.u32 $0x1D90C, v1;
	v31 =	vadd.f32 v32, v31  }
0x303: {  	v36 =	vld.idx.msk [tilespmem:v63+s12+$0x0], $0xffff  }
0x304: {  	v42 =	vor.u32 $0x1D90D, v1;
	v31 =	vadd.f32 v34, v31  }
0x305: {  	v33 =	vld.idx.msk [tilespmem:v40+s12+$0x0], $0xffff  }
0x306: {  	v43 =	vor.u32 $0x1D90E, v1;
	v31 =	vadd.f32 v35, v31  }
0x307: {  	v32 =	vld.idx.msk [tilespmem:v41+s12+$0x0], $0xffff  }
0x308: {  	v44 =	vor.u32 $0x1D90F, v1;
	v31 =	vadd.f32 v36, v31  }
0x309: {  	v34 =	vld.idx.msk [tilespmem:v42+s12+$0x0], $0xffff  }
0x30a: {  	v31 =	vadd.f32 v33, v31  }
0x30b: {  	v45 =	vld.idx.msk [tilespmem:v43+s12+$0x0], $0xffff  }
0x30c: {  	v31 =	vadd.f32 v32, v31  }
0x30d: {  	v46 =	vld.idx.msk [tilespmem:v44+s12+$0x0], $0xffff  }
0x30e: {  	v31 =	vadd.f32 v34, v31;
	_ =	sdelay $0x1  }
0x30f: {  	v47 =	vor.u32 $0x1DA00, v1;
	v31 =	vadd.f32 v45, v31;
	_ =	sdelay $0x1  }
0x310: {  	v48 =	vor.u32 $0x1DA01, v1;
	v31 =	vadd.f32 v46, v31;
	_ =	sdelay $0x1  }
0x311: {  	[tilespmem:$0x2D90] =	vst v31;
	v31 =	vor.u32 $0x1DA02, v1  }
0x312: {  	v33 =	vld.idx.msk [tilespmem:v47+s12+$0x0], $0xffff  }
0x313: {  	v49 =	vor.u32 $0x1DA03, v1  }
0x314: {  	v32 =	vld.idx.msk [tilespmem:v48+s12+$0x0], $0xffff  }
0x315: {  	v50 =	vor.u32 $0x1DA04, v1  }
0x316: {  	v31 =	vld.idx.msk [tilespmem:v31+s12+$0x0], $0xffff  }
0x317: {  	v51 =	vor.u32 $0x1DA05, v1;
	v33 =	vadd.f32 $0.0e+00, v33  }
0x318: {  	v34 =	vld.idx.msk [tilespmem:v49+s12+$0x0], $0xffff  }
0x319: {  	v52 =	vor.u32 $0x1DA06, v1;
	v32 =	vadd.f32 v32, v33  }
0x31a: {  	v35 =	vld.idx.msk [tilespmem:v50+s12+$0x0], $0xffff  }
0x31b: {  	v53 =	vor.u32 $0x1DA07, v1;
	v31 =	vadd.f32 v31, v32  }
0x31c: {  	v36 =	vld.idx.msk [tilespmem:v51+s12+$0x0], $0xffff  }
0x31d: {  	v54 =	vor.u32 $0x1DA08, v1;
	v31 =	vadd.f32 v34, v31  }
0x31e: {  	v33 =	vld.idx.msk [tilespmem:v52+s12+$0x0], $0xffff  }
0x31f: {  	v55 =	vor.u32 $0x1DA09, v1;
	v31 =	vadd.f32 v35, v31  }
0x320: {  	v32 =	vld.idx.msk [tilespmem:v53+s12+$0x0], $0xffff  }
0x321: {  	v56 =	vor.u32 $0x1DA0A, v1;
	v31 =	vadd.f32 v36, v31  }
0x322: {  	v34 =	vld.idx.msk [tilespmem:v54+s12+$0x0], $0xffff  }
0x323: {  	v57 =	vor.u32 $0x1DA0B, v1;
	v31 =	vadd.f32 v33, v31  }
0x324: {  	v35 =	vld.idx.msk [tilespmem:v55+s12+$0x0], $0xffff  }
0x325: {  	v58 =	vor.u32 $0x1DA0C, v1;
	v31 =	vadd.f32 v32, v31  }
0x326: {  	v36 =	vld.idx.msk [tilespmem:v56+s12+$0x0], $0xffff  }
0x327: {  	v59 =	vor.u32 $0x1DA0D, v1;
	v31 =	vadd.f32 v34, v31  }
0x328: {  	v33 =	vld.idx.msk [tilespmem:v57+s12+$0x0], $0xffff  }
0x329: {  	v60 =	vor.u32 $0x1DA0E, v1;
	v31 =	vadd.f32 v35, v31  }
0x32a: {  	v32 =	vld.idx.msk [tilespmem:v58+s12+$0x0], $0xffff  }
0x32b: {  	v61 =	vor.u32 $0x1DA0F, v1;
	v31 =	vadd.f32 v36, v31  }
0x32c: {  	v34 =	vld.idx.msk [tilespmem:v59+s12+$0x0], $0xffff  }
0x32d: {  	v31 =	vadd.f32 v33, v31  }
0x32e: {  	v62 =	vld.idx.msk [tilespmem:v60+s12+$0x0], $0xffff  }
0x32f: {  	v31 =	vadd.f32 v32, v31  }
0x330: {  	v63 =	vld.idx.msk [tilespmem:v61+s12+$0x0], $0xffff  }
0x331: {  	v31 =	vadd.f32 v34, v31;
	_ =	sdelay $0x1  }
0x332: {  	v31 =	vadd.f32 v62, v31;
	_ =	sdelay $0x1  }
0x333: {  	s15 =	sadd.s32 $0x1, s15;
	v31 =	vadd.f32 v63, v31  }
0x334: {  	p0 =	sne.s32 s15, s9  }
.Ltmp7:
0x335: {  	[tilespmem:$0x2DA0] =	vst v31;
	(pc) =	sbr.rel @p0 .LBB2_1-.Ltmp7, $4  }
0x336: {  	[hbm4b:s8+s2] =	stream.linear.scatter [tilespmem:s12], [sflag:$0x3], $0x1DB0, $0x38;
	[tilespmem:$0x1EB80] =	vst v63  }
0x337: {  	_ =	swait.ge [sflag:s14], $0x1DB0  }
0x338: {  	[sflag:s14] =	ssyncset.done $0x0  }
0x339: {  	[sflag:s14] =	ssyncadd.s32 $0xFFFFE250  }
0x33a: {  	_ =	sfence.sel $0x180000  }
0x33b: {  	[bflag:$0x0] =	sbarrier.arrive $0xFFFF  }
0x33c: {  	p0 =	sne.s32 s0, $0x0;
	_ =	strace $0x9000004A  }
0x33d: {  	s0 =	sadd.s32 @!p0 $0x100000, s1;
	[bflag:$0x2] =	sbarrier.arrive $0xFFFF  }
0x33e: {  	[sflag:s0] =	ssyncadd.tile.s32 @!p0 $0x1;
	_ =	shalt  }
.Lfunc_end2:
_tile_overlayer_lowered:
.L_overlay_start_2:
0x33f: {  	(tag) =	ssettag $0x2  }
0x340: {  	s0 =	rddreg [dreg:$0x0];
	s2 =	stileid.u32  }
0x341: {  	s1 =	rddreg [dreg:$0x1];
	p0 =	sne.s32 s2, $0x0  }
0x342: {  	s3 =	rddreg [dreg:$0x2];
	[bflag:$0x3] =	sbarrier.arrive $0xFFFF;
	s2 =	simm.s32 @!p0 $0x1C03  }
0x343: {  	[timem:s3], [sflag:s2] =	dma.local @!p0 [hbm:s0], s1  }
0x344: {  	s0 =	simm.s32 @!p0 $0x3  }
0x345: {  	_ =	swait.ge @!p0 [sflag:s0], s1  }
0x346: {  	s1 =	ssub.s32 @!p0 $0x0, s1;
	[sflag:s0] =	ssyncset.done @!p0 $0x0  }
0x347: {  	[sflag:s0] =	ssyncadd.s32 @!p0 s1  }
0x348: {  	[bflag:$0x3] =	sbarrier.arrive $0xFFFF  }
0x349: {  	_ =	shalt  }

// kernel: sparse-core-data-format-call.cloned.1.call-start
scs
called_computation_lowered:
.L_overlay_start_0:
0x0: {  	s1 =	sld [smem:$0x3FD9]  }
0x1: {  	s2 =	sld [smem:$0x3FFE];
	_ =	sdelay $0x1  }
0x2: {  	s3 =	srdreg.scid  }
0x3: {  	s0 =	sand.u32 $0x1, s3  }
0x4: {  	s17 =	sshll.u32 s0, $0xA;
	s1 =	sadd.s32 s2, s1  }
0x5: {  	s1 =	sadd.s32 s1, s17  }
0x6: {  	[smem:$0x3FC6] =	sst s1  }
0x7: {  	_ = 	snop  }
0x8: {  	(tm) =	ssettm $0x1  }
0x9: {  	s18 =	sld [smem:$0x3FFB];
	_ =	sdelay $0x3  }
0xa: {  	_ =	strace s18  }
0xb: {  	s1 =	sld [smem:$0x3FFC];
	_ =	sdelay $0x3  }
0xc: {  	_ =	strace s1  }
0xd: {  	s1 =	sld [smem:$0x3FFD];
	_ =	sdelay $0x3  }
0xe: {  	_ =	strace s1  }
0xf: {  	_ =	strace $0x8FFFFFFF  }
0x10: {  	s19 =	sld [smem:$0x3FDB];
	_ =	sdelay $0x1  }
0x11: {  	s20 =	simm.s32 $_scs_section_size  }
0x12: {  	s4 =	simm.s32 $_size__tile_overlayer_lowered;
	s5 =	simm.s32 $_tile_overlayer_lowered  }
0x13: {  	s23 =	simm.s32 $0x1BFF;
	s22 =	sshll.u32 s5, $0x1;
	s1 =	sadd.s32 s20, s19  }
0x14: {  	s6 =	simm.s32 $0x0;
	s21 =	sshll.u32 s4, $0x1;
	s4 =	sadd.s32 s22, s1  }
0x15: {  	[timem:s6], [sflag:s23] =	dma.local [hbm:s4], s21  }
0x16: {  	_ =	swait.ge [sflag:s23], s21  }
0x17: {  	s2 =	ssub.s32 $0x0, s21;
	[sflag:s23] =	ssyncset.done $0x0  }
0x18: {  	[sflag:s23] =	ssyncadd.s32 s2;
	_ =	sdelay $0x1  }
0x19: {  	s24 =	simm.s32 $0x1B8B  }
0x1a: {  	_ =	swait.ge [sflag:s24], $0x1  }
0x1b: {  	[sflag:s24] =	ssyncset.done $0x0  }
0x1c: {  	s26 =	simm.s32 $0x1B8E;
	s25 =	sld [smem:$0x3FFE];
	[sflag:s24] =	ssyncadd.s32 $0xFFFFFFFF  }
0x1d: {  	s27 =	simm.s32 $execute0_lowered;
	[smem:$0x3FD2] =	sst s26  }
0x1e: {  	s4 =	sshll.u32 s27, $0x1;
	_ =	strace $0x80000046;
	[dreg:$0x1] =	wrdreg $0xFFFFFFFF  }
0x1f: {  	s28 =	simm.s32 $_size_execute0_lowered;
	s1 =	sadd.s32 s1, s4;
	[dreg:$0x0] =	wrdreg $0x0  }
0x20: {  	s4 =	sshll.u32 s28, $0x1;
	[dreg:$0x2] =	wrdreg s1  }
0x21: {  	[dreg:$0x3] =	wrdreg s4  }
0x22: {  	[dreg:$0x4] =	wrdreg $0xC0  }
0x23: {  	_ =	task [dreg:s6], $0x5FFFF  }
0x24: {  	[dreg:$0x1] =	wrdreg $0xFFFFFFFF  }
0x25: {  	[dreg:$0x0] =	wrdreg $0x60  }
0x26: {  	[dreg:$0x2] =	wrdreg s25  }
0x27: {  	[dreg:$0x3] =	wrdreg $0x9  }
0x28: {  	_ =	task.clear_ibuf [dreg:s6], $0x4FFFF;
	_ =	strace $0x90000046  }
0x29: {  	s29 =	simm.s32 $0x9;
	_ =	strace $0x80000048  }
0x2a: {  	_ =	swait.ge [sflag:s29], $0x1  }
0x2b: {  	[sflag:s29] =	ssyncadd.s32 $0xFFFFFFFF  }
0x2c: {  	_ =	strace $0x90000048  }
0x2d: {  	_ =	sfence  }
0x2e: {  	s30 =	sld [smem:$0x0];
	_ =	sdelay $0x2  }
0x2f: {  	s31 =	sshll.u32 s3, $0xD;
	s3 =	sshrl.u32 s3, $0x2  }
0x30: {  	s2 =	sand.u32 $0x4000, s31;
	s1 =	sadd.s32 s3, s30  }
0x31: {  	s0 =	sor.u32 s2, s0;
	s1 =	sshll.u32 s1, $0x11  }
0x32: {  	s0 =	sor.u32 s1, s0  }
0x33: {  	s0 =	sadd.s32 $0x8F2B, s0  }
0x34: {  	[sflag:s0] =	ssyncadd.remote.s32 $0x1  }
0x35: {  	_ =	sfence.sel $0xFFFF  }
0x36: {  	[dreg:$0x0] =	wrdreg $0xFFFFFFFF;
	(pc) =	sbr.abs _section_cstart, $3  }
0x37: {  	[dreg:$0x1] =	wrdreg $0xFFFFFFFF  }
0x38: {  	_ =	task.clear_ibuf [dreg:s6], $0x2FFFF;
	_ =	strace $0x9FFFFFFF  }
0x39: {  	(tm) =	ssettm $0x7FFFFFFF  }
tec
execute0_lowered:
.L_overlay_start_1:
0x0: {  	(tag) =	ssettag $0x1  }
0x1: {  	s0 =	srdreg.scid  }
0x2: {  	s1 =	sshll.u32 s0, $0x4  }
0x3: {  	s4 =	rddreg [dreg:$0x0];
	s0 =	stileid.u32;
	s1 =	sand.u32 $0x10, s1  }
0x4: {  	s7 =	simm.s32 $0x1;
	s8 =	simm.s32 $0x2;
	s1 =	sor.u32 s0, s1  }
0x5: {  	s9 =	simm.s32 $0x0;
	s12 =	simm.s32 $0x0;
	s2 =	sshll.u32 s1, $0x3  }
0x6: {  	s11 =	simm.s32 $0x0;
	s3 =	sadd.s32 $0xC00, s4;
	s6 =	ssub.s32 $0x1300, s2  }
.Ltmp0:
0x7: {  	s4 =	sadd.s32 $0x130C00, s4;
	s5 =	sand.u32 $0xF8, s6;
	(pc) =	sbr.rel .LBB1_1-.Ltmp0, $4  }
0x8: {  	s1 =	rddreg [dreg:$0x1];
	_ =	strace $0x80000047;
	p0 =	sne.s32 s5, $0x0  }
0x9: {  	s6 =	sshrl.u32 s6, $0x8;
	s5 =	simm.s32 $0x1;
	s7 =	simm.s32 @!p0 $0x0  }
0xa: {  	s10 =	smov.u32 s2;
	[sflag:s5] =	ssyncpa.u1 $0x0;
	s6 =	sadd.s32 s7, s6  }
0xb: {  	[sflag:s8] =	ssyncpa.u1 $0x0;
	s8 =	simm.s32 $0x0;
	s7 =	sadd.s32 $0x1, s6  }
.LBB1_9:
0xc: {  	s14 =	sadd.s32 $0x100, s10  }
0xd: {  	p1 =	sgt.s32 s14, $0x12FF  }
0xe: {  	s14 =	smov.u32 @p1 s2;
	p1 =	sne.s32 s11, s7  }
.Ltmp1:
0xf: {  	p0 =	slt.u32 s11, $0x2;
	(pc) =	sbr.rel @!p1 .LBB1_10-.Ltmp1, $4  }
0x10: {  	s13 =	simm.s32 @!p0 $0x2  }
0x11: {  	s15 =	sadd.s32 $0x1, s11;
	_ =	swait.ge @!p0 [sflag:s13], $0x4000  }
0x12: {  	s12 =	smov.u32 s10;
	s9 =	sadd.s32 $0x4000, s9;
	[sflag:s13] =	ssyncset.done @!p0 $0x0  }
0x13: {  	s11 =	smov.u32 s15;
	s10 =	smov.u32 s14;
	[sflag:s13] =	ssyncadd.s32 @!p0 $0xFFFFC000  }
.LBB1_1:
0x14: {  	p0 =	sge.u32 s11, s6  }
0x15: {  	s13 =	sxor.u32 @!p0 $0xFFFFFFFF, s11  }
0x16: {  	s31 =	sadd.s32 $0xFFFFFFFF, s11;
	s14 =	sshll.u32 @!p0 s10, $0x8;
	s13 =	sshll.u32 @!p0 s13, $0xE  }
0x17: {  	s15 =	simm.s32 @!p0 $0x0;
	s14 =	sadd.s32 @!p0 s3, s14;
	s13 =	sand.u32 @!p0 $0x4000, s13  }
0x18: {  	[tilespmem:s13], [sflag:$0x1] =	stream.linear.gather @!p0 [hbm4b:s14+s15], $0x4000, $0x38;
	[tilespmem:$0x10000] =	vst v63  }
0x19: {  	p0 =	sge.u32 s31, s6  }
.Ltmp2:
0x1a: {  	_ = 	snop;
	(pc) =	sbr.rel @p0 .LBB1_9-.Ltmp2, $1  }
0x1b: {  	_ =	sdelay $0x3  }
0x1c: {  	s13 =	sshll.u32 s9, $0x2;
	_ =	swait.ge [sflag:s5], $0x4000;
	s14 =	sshll.u32 s11, $0xE  }
0x1d: {  	s16 =	simm.s32 $0x0;
	s17 =	simm.s32 $0x0;
	s15 =	sand.u32 $0x10000, s13  }
0x1e: {  	[sflag:s5] =	ssyncset.done $0x0;
	s31 =	sand.u32 $0x4000, s14;
	s14 =	sshrl.u32 s15, $0x2  }
0x1f: {  	[sflag:s5] =	ssyncadd.s32 $0xFFFFC000;
	s13 =	sor.u32 $0x8000, s31;
	s15 =	sor.u32 $0x8000, s14  }
.LBB1_3:
0x20: {  	s18 =	sshra.s32 s16, $0x2  }
0x21: {  	v0 =	vmov s18;
	_ =	sdelay $0x3  }
0x22: {  	p1 =	por $0x1, $0x1;
	s18 =	simm.s32 $0x0  }
.LBB1_4:
0x23: {  	_ = 	snop  }
0x24: {  	s19 =	sshll.u32 s18, $0xA  }
0x25: {  	s19 =	sand.u32 $0x3FFFFC00, s19  }
0x26: {  	s19 =	sadd.s32 s19, s14  }
0x27: {  	v5 =	vld.idx.msk [tilespmem:v0+s19+$0x70 ss:$0x1], $0xffff  }
0x28: {  	v6 =	vld.idx.msk [tilespmem:v0+s19+$0x10 ss:$0x1], $0xffff  }
0x29: {  	v7 =	vld.idx.msk [tilespmem:v0+s19+$0x20 ss:$0x1], $0xffff  }
0x2a: {  	s31 =	sshll.u32 s18, $0x7;
	v1 =	vld.idx.msk [tilespmem:v0+s19+$0x30 ss:$0x1], $0xffff  }
0x2b: {  	s18 =	sand.u32 $0x3FFFFF80, s31;
	v2 =	vld.idx.msk [tilespmem:v0+s19+$0x40 ss:$0x1], $0xffff  }
0x2c: {  	s18 =	sadd.s32 s18, s15;
	v3 =	vld.idx.msk [tilespmem:v0+s19+$0x50 ss:$0x1], $0xffff  }
0x2d: {  	v4 =	vld.idx.msk [tilespmem:v0+s19+$0x60 ss:$0x1], $0xffff;
	[tilespmem:v0+s18+$0x70 ss:$0x1] =	vst.idx.msk $0xffff, v5  }
0x2e: {  	v5 =	vld.idx.msk [tilespmem:v0+s19+$0x0 ss:$0x1], $0xffff;
	[tilespmem:v0+s18+$0x10 ss:$0x1] =	vst.idx.msk $0xffff, v6;
	s19 =	sadd.s32 $0x80, s19  }
0x2f: {  	p0 =	por p1, p1;
	s20 =	simm.s32 $0x6;
	[tilespmem:v0+s18+$0x20 ss:$0x1] =	vst.idx.msk $0xffff, v7;
	v6 =	vld.idx.msk [tilespmem:v0+s19+$0x70 ss:$0x1], $0xffff  }
.LBB1_5:
0x30: {  	p1 =	sne.s32 s20, $0x1;
	v7 =	vld.idx.msk [tilespmem:v0+s19+$0x10 ss:$0x1], $0xffff;
	[tilespmem:v0+s18+$0x30 ss:$0x1] =	vst.idx.msk $0xffff, v1  }
0x31: {  	v8 =	vld.idx.msk [tilespmem:v0+s19+$0x20 ss:$0x1], $0xffff;
	[tilespmem:v0+s18+$0x40 ss:$0x1] =	vst.idx.msk $0xffff, v2  }
0x32: {  	v1 =	vld.idx.msk [tilespmem:v0+s19+$0x30 ss:$0x1], $0xffff;
	[tilespmem:v0+s18+$0x50 ss:$0x1] =	vst.idx.msk $0xffff, v3  }
.Ltmp3:
0x33: {  	v2 =	vld.idx.msk [tilespmem:v0+s19+$0x40 ss:$0x1], $0xffff;
	[tilespmem:v0+s18+$0x60 ss:$0x1] =	vst.idx.msk $0xffff, v4;
	(pc) =	sbr.rel @p1 .LBB1_5-.Ltmp3, $4  }
0x34: {  	v3 =	vld.idx.msk [tilespmem:v0+s19+$0x50 ss:$0x1], $0xffff;
	[tilespmem:v0+s18+$0x0 ss:$0x1] =	vst.idx.msk $0xffff, v5;
	s18 =	sadd.s32 $0x100, s18  }
0x35: {  	v4 =	vld.idx.msk [tilespmem:v0+s19+$0x60 ss:$0x1], $0xffff;
	[tilespmem:v0+s18+$0x70 ss:$0x1] =	vst.idx.msk $0xffff, v6  }
0x36: {  	v5 =	vld.idx.msk [tilespmem:v0+s19+$0x0 ss:$0x1], $0xffff;
	[tilespmem:v0+s18+$0x10 ss:$0x1] =	vst.idx.msk $0xffff, v7;
	s19 =	sadd.s32 $0x80, s19  }
0x37: {  	s20 =	sadd.s32 $0xFFFFFFFF, s20;
	v6 =	vld.idx.msk [tilespmem:v0+s19+$0x70 ss:$0x1], $0xffff;
	[tilespmem:v0+s18+$0x20 ss:$0x1] =	vst.idx.msk $0xffff, v8  }
0x38: {  	_ =	sdelay $0x3  }
0x39: {  	[tilespmem:v0+s18+$0x30 ss:$0x1] =	vst.idx.msk $0xffff, v1  }
0x3a: {  	v1 =	vld.idx.msk [tilespmem:v0+s19+$0x10 ss:$0x1], $0xffff;
	[tilespmem:v0+s18+$0x40 ss:$0x1] =	vst.idx.msk $0xffff, v2  }
0x3b: {  	v2 =	vld.idx.msk [tilespmem:v0+s19+$0x20 ss:$0x1], $0xffff;
	[tilespmem:v0+s18+$0x50 ss:$0x1] =	vst.idx.msk $0xffff, v3  }
0x3c: {  	v61 =	vld.idx.msk [tilespmem:v0+s19+$0x40 ss:$0x1], $0xffff;
	[tilespmem:v0+s18+$0x60 ss:$0x1] =	vst.idx.msk $0xffff, v4  }
0x3d: {  	s31 =	sadd.s32 $0x100, s18;
	v62 =	vld.idx.msk [tilespmem:v0+s19+$0x50 ss:$0x1], $0xffff;
	[tilespmem:v0+s18+$0x0 ss:$0x1] =	vst.idx.msk $0xffff, v5  }
0x3e: {  	v63 =	vld.idx.msk [tilespmem:v0+s19+$0x60 ss:$0x1], $0xffff;
	[tilespmem:v0+s31+$0x70 ss:$0x1] =	vst.idx.msk $0xffff, v6  }
0x3f: {  	v3 =	vld.idx.msk [tilespmem:v0+s19+$0x30 ss:$0x1], $0xffff;
	[tilespmem:v0+s31+$0x10 ss:$0x1] =	vst.idx.msk $0xffff, v1  }
0x40: {  	v1 =	vld.idx.msk [tilespmem:v0+s19+$0x0 ss:$0x1], $0xffff;
	[tilespmem:v0+s31+$0x20 ss:$0x1] =	vst.idx.msk $0xffff, v2  }
.Ltmp4:
0x41: {  	[tilespmem:v0+s31+$0x40 ss:$0x1] =	vst.idx.msk $0xffff, v61;
	(pc) =	sbr.rel @p0 .LBB1_4-.Ltmp4, $4  }
0x42: {  	[tilespmem:v0+s31+$0x50 ss:$0x1] =	vst.idx.msk $0xffff, v62  }
0x43: {  	[tilespmem:v0+s31+$0x60 ss:$0x1] =	vst.idx.msk $0xffff, v63  }
0x44: {  	[tilespmem:v0+s31+$0x30 ss:$0x1] =	vst.idx.msk $0xffff, v3  }
0x45: {  	p1 =	por $0x0, $0x0;
	s18 =	simm.s32 $0x1;
	[tilespmem:v0+s31+$0x0 ss:$0x1] =	vst.idx.msk $0xffff, v1  }
0x46: {  	s17 =	sadd.s32 $0x1, s17  }
0x47: {  	p0 =	sne.s32 s17, $0x8  }
.Ltmp5:
0x48: {  	_ = 	snop;
	(pc) =	sbr.rel @p0 .LBB1_3-.Ltmp5, $2  }
0x49: {  	_ =	sdelay $0x2  }
0x4a: {  	s16 =	sadd.s32 $0x2000, s16  }
.Ltmp6:
0x4b: {  	(pc) =	sbr.rel .LBB1_9-.Ltmp6, $4  }
0x4c: {  	_ = 	snop  }
0x4d: {  	s12 =	sshll.u32 s12, $0x8  }
0x4e: {  	s12 =	sadd.s32 s4, s12  }
0x4f: {  	[hbm4b:s12+s8] =	stream.linear.scatter [tilespmem:s13], [sflag:$0x2], $0x4000, $0x38;
	[tilespmem:$0x10000] =	vst v63  }
.LBB1_10:
0x50: {  	_ =	sfence.sel $0x180000  }
0x51: {  	s2 =	simm.s32 $0x1;
	[bflag:$0x0] =	sbarrier.arrive $0xFFFF  }
0x52: {  	s31 =	simm.s32 $0x2;
	[sflag:s2] =	ssyncpa.u1 $0x1  }
0x53: {  	[sflag:s31] =	ssyncpa.u1 $0x1  }
0x54: {  	p0 =	sne.s32 s0, $0x0;
	_ =	strace $0x90000047  }
0x55: {  	s0 =	sadd.s32 @!p0 $0x100000, s1;
	[bflag:$0x2] =	sbarrier.arrive $0xFFFF  }
0x56: {  	[sflag:s0] =	ssyncadd.tile.s32 @!p0 $0x1;
	_ =	shalt  }
.Lfunc_end1:
_tile_overlayer_lowered:
.L_overlay_start_2:
0x57: {  	(tag) =	ssettag $0x2  }
0x58: {  	s0 =	rddreg [dreg:$0x0];
	s2 =	stileid.u32  }
0x59: {  	s1 =	rddreg [dreg:$0x1];
	p0 =	sne.s32 s2, $0x0  }
0x5a: {  	s3 =	rddreg [dreg:$0x2];
	[bflag:$0x3] =	sbarrier.arrive $0xFFFF;
	s2 =	simm.s32 @!p0 $0x1C01  }
0x5b: {  	[timem:s3], [sflag:s2] =	dma.local @!p0 [hbm:s0], s1  }
0x5c: {  	s0 =	simm.s32 @!p0 $0x1  }
0x5d: {  	_ =	swait.ge @!p0 [sflag:s0], s1  }
0x5e: {  	s1 =	ssub.s32 @!p0 $0x0, s1;
	[sflag:s0] =	ssyncset.done @!p0 $0x0  }
0x5f: {  	[sflag:s0] =	ssyncadd.s32 @!p0 s1  }
0x60: {  	[bflag:$0x3] =	sbarrier.arrive $0xFFFF  }
0x61: {  	_ =	shalt  }

</sc_bundles>
